<compile_context>
chip_gen: v7x
topology: tpu7x:2x2x1
jax: 0.10.2.dev20260603
libtpu: 0.0.44.dev20260713+nightly
codegen_flags: <defaults>
</compile_context>

<pallas_src>
import functools

import jax
import jax.numpy as jnp
from jax import lax
from jax.experimental import pallas as pl
from jax.experimental.pallas import tpu as pltpu
from jax.experimental.pallas import tpu_sc as plsc

NUM_ATOMS = 6_400_000
NUM_MOL = 100_000

NC, NS = 2, 16
NW = NC * NS
APT = NUM_ATOMS // NW
CHUNK = 8000
FULL_CHUNKS = APT // CHUNK
NSLOTS = 5
ACC_PAD = 100_352
SLICE = ACC_PAD // NS
PIECE = 512
WIN = 16_384


def _sc_body(vals_hbm, idx_hbm, out_hbm, vbufs, ibufs, zbuf, ebuf, pbuf,
             idbuf, wacc, acc, sems, sem_s):
    c = lax.axis_index("c")
    s = lax.axis_index("s")
    w = c * NS + s
    a0 = w * APT

    def start_load(i, b):
        off = a0 + i * CHUNK
        pltpu.async_copy(vals_hbm.at[pl.ds(off, CHUNK)],
                         vbufs[b].at[pl.ds(0, CHUNK)], sems[b])
        pltpu.async_copy(idx_hbm.at[pl.ds(off, CHUNK)],
                         ibufs[b].at[pl.ds(0, CHUNK)], sems[b])

    for b in range(NSLOTS - 1):
        start_load(b, b)

    lane = lax.iota(jnp.int32, 16)
    lt15 = lane < 15
    is15 = lane == 15
    zeros16 = jnp.zeros((16,), jnp.float32)

    def _zero(i, carry):
        zbuf[pl.ds(i * 16, 16)] = zeros16
        return carry
    lax.fori_loop(0, SLICE // 16, _zero, None)
    pltpu.sync_copy(zbuf, acc.at[pl.ds(s * SLICE, SLICE)])

    for b in range(NSLOTS):
        vbufs[b][pl.ds(CHUNK, 16)] = zeros16
        ibufs[b][pl.ds(CHUNK, 16)] = jnp.zeros((16,), jnp.int32)

    pltpu.sync_copy(idx_hbm.at[pl.ds(a0, 8)], ebuf.at[pl.ds(0, 8)])
    pltpu.sync_copy(idx_hbm.at[pl.ds(a0 + APT - 8, 8)], ebuf.at[pl.ds(8, 8)])
    ev = ebuf[pl.ds(0, 16)]
    mlo = ev[0]
    mhi = ev[15]
    span = mhi - mlo
    fits = span <= (WIN - PIECE)
    npieces = span // PIECE + 1

    @pl.when(fits)
    def _():
        def _wzero(k, carry):
            for j in range(PIECE // 16):
                wacc[pl.ds(k * PIECE + 16 * j, 16)] = zeros16
            return carry
        lax.fori_loop(0, npieces, _wzero, None)

    plsc.subcore_barrier()

    def wait_load(i, b):
        off = a0 + i * CHUNK
        pltpu.make_async_copy(vals_hbm.at[pl.ds(off, CHUNK)],
                              vbufs[b].at[pl.ds(0, CHUNK)], sems[b]).wait()
        pltpu.make_async_copy(idx_hbm.at[pl.ds(off, CHUNK)],
                              ibufs[b].at[pl.ds(0, CHUNK)], sems[b]).wait()

    def process(b):
        vb, ib = vbufs[b], ibufs[b]

        @pl.when(fits)
        def _fast():
            @plsc.parallel_loop(0, CHUNK // 16, 1, unroll=5)
            def _inner(m):
                v = vb[pl.ds(16 * m, 16)]
                ic = ib[pl.ds(16 * m, 16)]
                inx = ib[pl.ds(16 * m + 1, 16)]
                p = plsc.cumsum(v)
                trans = (ic != inx) & lt15
                endm = trans | is15
                plsc.addupdate_scatter(wacc, [ic - mlo], p, mask=endm)
                plsc.addupdate_scatter(wacc, [inx - mlo], -p, mask=trans)

        @pl.when(jnp.logical_not(fits))
        def _slow():
            pltpu.async_copy(vb, acc.at[ib], sem_s, add=True).wait()

    def _ring(j, carry):
        for b in range(NSLOTS):
            i = NSLOTS * j + b

            @pl.when(i + NSLOTS - 1 < FULL_CHUNKS)
            def _():
                start_load(i + NSLOTS - 1, (b + NSLOTS - 1) % NSLOTS)
            wait_load(i, b)
            process(b)
        return carry
    lax.fori_loop(0, FULL_CHUNKS // NSLOTS, _ring, None)

    @pl.when(fits)
    def _():
        def _merge(k, carry):
            base = k * PIECE
            for j in range(PIECE // 16):
                pbuf[pl.ds(16 * j, 16)] = wacc[pl.ds(base + 16 * j, 16)]
                idbuf[pl.ds(16 * j, 16)] = mlo + base + 16 * j + lane
            pltpu.async_copy(pbuf, acc.at[idbuf], sem_s, add=True).wait()
            return carry
        lax.fori_loop(0, npieces, _merge, None)

    plsc.subcore_barrier()
    pltpu.sync_copy(acc.at[pl.ds(s * SLICE, SLICE)],
                    out_hbm.at[c, pl.ds(s * SLICE, SLICE)])


def _wrapped(vals_hbm, idx_hbm, out_hbm, v0, v1, v2, v3, v4,
             i0, i1, i2, i3, i4, zbuf, ebuf, pbuf, idbuf, wacc, acc,
             s0, s1, s2, s3, s4, sem_s):
    _sc_body(vals_hbm, idx_hbm, out_hbm, (v0, v1, v2, v3, v4),
             (i0, i1, i2, i3, i4), zbuf, ebuf, pbuf, idbuf, wacc, acc,
             (s0, s1, s2, s3, s4), sem_s)


_sc_call = functools.partial(
    pl.kernel,
    out_type=jax.ShapeDtypeStruct((NC, ACC_PAD), jnp.float32),
    mesh=plsc.VectorSubcoreMesh(core_axis_name="c", subcore_axis_name="s"),
    compiler_params=pltpu.CompilerParams(needs_layout_passes=False),
    scratch_types=(
        [pltpu.VMEM((CHUNK + 16,), jnp.float32) for _ in range(5)]
        + [pltpu.VMEM((CHUNK + 16,), jnp.int32) for _ in range(5)]
        + [
            pltpu.VMEM((SLICE,), jnp.float32),
            pltpu.VMEM((16,), jnp.int32),
            pltpu.VMEM((PIECE,), jnp.float32),
            pltpu.VMEM((PIECE,), jnp.int32),
            pltpu.VMEM((WIN,), jnp.float32),
            pltpu.VMEM_SHARED((ACC_PAD,), jnp.float32),
        ]
        + [pltpu.SemaphoreType.DMA for _ in range(6)]
    ),
)(_wrapped)


def kernel(atom_specific_values, index):
    partials = _sc_call(atom_specific_values, index.astype(jnp.int32))
    return (partials[0] + partials[1])[:NUM_MOL]

# --- scband reference (transcript-rebuilt; emitter-appended) ---
"""Pipeline reference for scband-base-network-63831803953841 (READ-ONLY COPY).

The authoritative reference and input builder live on the scoring server;
editing this copy changes nothing except your own understanding.
"""

import jax, jax.numpy as jnp
import numpy as np

NUM_ATOMS = 6400000
NUM_MOLECULES = 100000

def setup_inputs(seed: int = 0) -> dict:
    key = jax.random.key(seed)
    k1, k2 = jax.random.split(key)
    atom_specific_values = jax.random.normal(k1, (NUM_ATOMS,), dtype=jnp.float32)
    index = jnp.sort(jax.random.randint(k2, (NUM_ATOMS,), 0, NUM_MOLECULES, dtype=jnp.int64))
    return {"atom_specific_values": atom_specific_values, "index": index}

def reference(atom_specific_values, index):
    # Faithful translation of BaseNetwork._readout:
    # FromAtomToMoleculeReduction performs a scatter-add (segment sum) of
    # per-atom energies E_i into per-molecule energies E, keyed by
    # atomic_subsystem_indices.
    E = jax.ops.segment_sum(atom_specific_values, index, num_segments=NUM_MOLECULES)
    return E

if __name__ == "__main__":
    import jax
    _d = setup_inputs()
    print(jax.jit(kernel)(*tuple(_d.values())))

</pallas_src>

<mosaic_0001>
#map = affine_map<(d0, d1) -> (0)>
#map1 = affine_map<(d0, d1) -> (0, 0)>
module attributes {stable_mosaic.version = 14 : i64} {
  func.func @_wrapped(%arg0: i32, %arg1: i32, %arg2: memref<6400000xf32, #tpu.memory_space<hbm>>, %arg3: memref<6400000xi32, #tpu.memory_space<hbm>>, %arg4: memref<2x100352xf32, #tpu.memory_space<hbm>>, %arg5: memref<8016xf32, #tpu.memory_space<vmem>>, %arg6: memref<8016xf32, #tpu.memory_space<vmem>>, %arg7: memref<8016xf32, #tpu.memory_space<vmem>>, %arg8: memref<8016xf32, #tpu.memory_space<vmem>>, %arg9: memref<8016xf32, #tpu.memory_space<vmem>>, %arg10: memref<8016xi32, #tpu.memory_space<vmem>>, %arg11: memref<8016xi32, #tpu.memory_space<vmem>>, %arg12: memref<8016xi32, #tpu.memory_space<vmem>>, %arg13: memref<8016xi32, #tpu.memory_space<vmem>>, %arg14: memref<8016xi32, #tpu.memory_space<vmem>>, %arg15: memref<6272xf32, #tpu.memory_space<vmem>>, %arg16: memref<16xi32, #tpu.memory_space<vmem>>, %arg17: memref<512xf32, #tpu.memory_space<vmem>>, %arg18: memref<512xi32, #tpu.memory_space<vmem>>, %arg19: memref<16384xf32, #tpu.memory_space<vmem>>, %arg20: memref<100352xf32, #tpu.memory_space<vmem_shared>>, %arg21: memref<!tpu.dma_semaphore, #tpu.memory_space<semaphore_mem>>, %arg22: memref<!tpu.dma_semaphore, #tpu.memory_space<semaphore_mem>>, %arg23: memref<!tpu.dma_semaphore, #tpu.memory_space<semaphore_mem>>, %arg24: memref<!tpu.dma_semaphore, #tpu.memory_space<semaphore_mem>>, %arg25: memref<!tpu.dma_semaphore, #tpu.memory_space<semaphore_mem>>, %arg26: memref<!tpu.dma_semaphore, #tpu.memory_space<semaphore_mem>>) attributes {dimension_semantics = [#tpu.dimension_semantics<core_parallel>, #tpu.dimension_semantics<subcore_parallel>], iteration_bounds = array<i64: 2, 16>, scalar_prefetch = 0 : i64, scratch_operands = 22 : i64, tpu.core_type = #tpu.core_type<sc_vector_subcore>, window_params = [{transform_indices = #map}, {transform_indices = #map}, {transform_indices = #map1}]} {
    %mul3A = arith.constant 16 : i32
    %mul3A_0 = arith.muli %arg0, %mul3A : i32
    %add3A = arith.addi %mul3A_0, %arg1 : i32
    %mul3A_1 = arith.constant 200000 : i32
    %mul3A_2 = arith.muli %add3A, %mul3A_1 : i32
    %add3A_3 = arith.constant 0 : i32
    %add3A_4 = arith.addi %mul3A_2, %add3A_3 : i32
    %dma_start3A = arith.constant 0 : i32
    %dma_start3A_5 = tpu.memref_slice %arg5[%dma_start3A] : memref<8016xf32, #tpu.memory_space<vmem>> -> memref<8000xf32, #tpu.memory_space<vmem>>
    %dma_start3A_6 = tpu.memref_slice %arg2[%add3A_4] : memref<6400000xf32, #tpu.memory_space<hbm>> -> memref<8000xf32, #tpu.memory_space<hbm>>
    %dma_start3A_7 = arith.constant 0 : i32
    %dma_start3A_8 = tpu.memref_slice %arg5[%dma_start3A_7] : memref<8016xf32, #tpu.memory_space<vmem>> -> memref<8000xf32, #tpu.memory_space<vmem>>
    %dma_start3A_9 = tpu.memref_slice %arg2[%add3A_4] : memref<6400000xf32, #tpu.memory_space<hbm>> -> memref<8000xf32, #tpu.memory_space<hbm>>
    tpu.enqueue_dma source(%dma_start3A_9 : memref<8000xf32, #tpu.memory_space<hbm>>) target(%dma_start3A_8 : memref<8000xf32, #tpu.memory_space<vmem>>) target_semaphore(%arg21 : memref<!tpu.dma_semaphore, #tpu.memory_space<semaphore_mem>>)
    %dma_start3A_10 = arith.constant 0 : i32
    %dma_start3A_11 = tpu.memref_slice %arg10[%dma_start3A_10] : memref<8016xi32, #tpu.memory_space<vmem>> -> memref<8000xi32, #tpu.memory_space<vmem>>
    %dma_start3A_12 = tpu.memref_slice %arg3[%add3A_4] : memref<6400000xi32, #tpu.memory_space<hbm>> -> memref<8000xi32, #tpu.memory_space<hbm>>
    %dma_start3A_13 = arith.constant 0 : i32
    %dma_start3A_14 = tpu.memref_slice %arg10[%dma_start3A_13] : memref<8016xi32, #tpu.memory_space<vmem>> -> memref<8000xi32, #tpu.memory_space<vmem>>
    %dma_start3A_15 = tpu.memref_slice %arg3[%add3A_4] : memref<6400000xi32, #tpu.memory_space<hbm>> -> memref<8000xi32, #tpu.memory_space<hbm>>
    tpu.enqueue_dma source(%dma_start3A_15 : memref<8000xi32, #tpu.memory_space<hbm>>) target(%dma_start3A_14 : memref<8000xi32, #tpu.memory_space<vmem>>) target_semaphore(%arg21 : memref<!tpu.dma_semaphore, #tpu.memory_space<semaphore_mem>>)
    %add3A_16 = arith.constant 8000 : i32
    %add3A_17 = arith.addi %mul3A_2, %add3A_16 : i32
    %dma_start3A_18 = arith.constant 0 : i32
    %dma_start3A_19 = tpu.memref_slice %arg6[%dma_start3A_18] : memref<8016xf32, #tpu.memory_space<vmem>> -> memref<8000xf32, #tpu.memory_space<vmem>>
    %dma_start3A_20 = tpu.memref_slice %arg2[%add3A_17] : memref<6400000xf32, #tpu.memory_space<hbm>> -> memref<8000xf32, #tpu.memory_space<hbm>>
    %dma_start3A_21 = arith.constant 0 : i32
    %dma_start3A_22 = tpu.memref_slice %arg6[%dma_start3A_21] : memref<8016xf32, #tpu.memory_space<vmem>> -> memref<8000xf32, #tpu.memory_space<vmem>>
    %dma_start3A_23 = tpu.memref_slice %arg2[%add3A_17] : memref<6400000xf32, #tpu.memory_space<hbm>> -> memref<8000xf32, #tpu.memory_space<hbm>>
    tpu.enqueue_dma source(%dma_start3A_23 : memref<8000xf32, #tpu.memory_space<hbm>>) target(%dma_start3A_22 : memref<8000xf32, #tpu.memory_space<vmem>>) target_semaphore(%arg22 : memref<!tpu.dma_semaphore, #tpu.memory_space<semaphore_mem>>)
    %dma_start3A_24 = arith.constant 0 : i32
    %dma_start3A_25 = tpu.memref_slice %arg11[%dma_start3A_24] : memref<8016xi32, #tpu.memory_space<vmem>> -> memref<8000xi32, #tpu.memory_space<vmem>>
    %dma_start3A_26 = tpu.memref_slice %arg3[%add3A_17] : memref<6400000xi32, #tpu.memory_space<hbm>> -> memref<8000xi32, #tpu.memory_space<hbm>>
    %dma_start3A_27 = arith.constant 0 : i32
    %dma_start3A_28 = tpu.memref_slice %arg11[%dma_start3A_27] : memref<8016xi32, #tpu.memory_space<vmem>> -> memref<8000xi32, #tpu.memory_space<vmem>>
    %dma_start3A_29 = tpu.memref_slice %arg3[%add3A_17] : memref<6400000xi32, #tpu.memory_space<hbm>> -> memref<8000xi32, #tpu.memory_space<hbm>>
    tpu.enqueue_dma source(%dma_start3A_29 : memref<8000xi32, #tpu.memory_space<hbm>>) target(%dma_start3A_28 : memref<8000xi32, #tpu.memory_space<vmem>>) target_semaphore(%arg22 : memref<!tpu.dma_semaphore, #tpu.memory_space<semaphore_mem>>)
    %add3A_30 = arith.constant 16000 : i32
    %add3A_31 = arith.addi %mul3A_2, %add3A_30 : i32
    %dma_start3A_32 = arith.constant 0 : i32
    %dma_start3A_33 = tpu.memref_slice %arg7[%dma_start3A_32] : memref<8016xf32, #tpu.memory_space<vmem>> -> memref<8000xf32, #tpu.memory_space<vmem>>
    %dma_start3A_34 = tpu.memref_slice %arg2[%add3A_31] : memref<6400000xf32, #tpu.memory_space<hbm>> -> memref<8000xf32, #tpu.memory_space<hbm>>
    %dma_start3A_35 = arith.constant 0 : i32
    %dma_start3A_36 = tpu.memref_slice %arg7[%dma_start3A_35] : memref<8016xf32, #tpu.memory_space<vmem>> -> memref<8000xf32, #tpu.memory_space<vmem>>
    %dma_start3A_37 = tpu.memref_slice %arg2[%add3A_31] : memref<6400000xf32, #tpu.memory_space<hbm>> -> memref<8000xf32, #tpu.memory_space<hbm>>
    tpu.enqueue_dma source(%dma_start3A_37 : memref<8000xf32, #tpu.memory_space<hbm>>) target(%dma_start3A_36 : memref<8000xf32, #tpu.memory_space<vmem>>) target_semaphore(%arg23 : memref<!tpu.dma_semaphore, #tpu.memory_space<semaphore_mem>>)
    %dma_start3A_38 = arith.constant 0 : i32
    %dma_start3A_39 = tpu.memref_slice %arg12[%dma_start3A_38] : memref<8016xi32, #tpu.memory_space<vmem>> -> memref<8000xi32, #tpu.memory_space<vmem>>
    %dma_start3A_40 = tpu.memref_slice %arg3[%add3A_31] : memref<6400000xi32, #tpu.memory_space<hbm>> -> memref<8000xi32, #tpu.memory_space<hbm>>
    %dma_start3A_41 = arith.constant 0 : i32
    %dma_start3A_42 = tpu.memref_slice %arg12[%dma_start3A_41] : memref<8016xi32, #tpu.memory_space<vmem>> -> memref<8000xi32, #tpu.memory_space<vmem>>
    %dma_start3A_43 = tpu.memref_slice %arg3[%add3A_31] : memref<6400000xi32, #tpu.memory_space<hbm>> -> memref<8000xi32, #tpu.memory_space<hbm>>
    tpu.enqueue_dma source(%dma_start3A_43 : memref<8000xi32, #tpu.memory_space<hbm>>) target(%dma_start3A_42 : memref<8000xi32, #tpu.memory_space<vmem>>) target_semaphore(%arg23 : memref<!tpu.dma_semaphore, #tpu.memory_space<semaphore_mem>>)
    %add3A_44 = arith.constant 24000 : i32
    %add3A_45 = arith.addi %mul3A_2, %add3A_44 : i32
    %dma_start3A_46 = arith.constant 0 : i32
    %dma_start3A_47 = tpu.memref_slice %arg8[%dma_start3A_46] : memref<8016xf32, #tpu.memory_space<vmem>> -> memref<8000xf32, #tpu.memory_space<vmem>>
    %dma_start3A_48 = tpu.memref_slice %arg2[%add3A_45] : memref<6400000xf32, #tpu.memory_space<hbm>> -> memref<8000xf32, #tpu.memory_space<hbm>>
    %dma_start3A_49 = arith.constant 0 : i32
    %dma_start3A_50 = tpu.memref_slice %arg8[%dma_start3A_49] : memref<8016xf32, #tpu.memory_space<vmem>> -> memref<8000xf32, #tpu.memory_space<vmem>>
    %dma_start3A_51 = tpu.memref_slice %arg2[%add3A_45] : memref<6400000xf32, #tpu.memory_space<hbm>> -> memref<8000xf32, #tpu.memory_space<hbm>>
    tpu.enqueue_dma source(%dma_start3A_51 : memref<8000xf32, #tpu.memory_space<hbm>>) target(%dma_start3A_50 : memref<8000xf32, #tpu.memory_space<vmem>>) target_semaphore(%arg24 : memref<!tpu.dma_semaphore, #tpu.memory_space<semaphore_mem>>)
    %dma_start3A_52 = arith.constant 0 : i32
    %dma_start3A_53 = tpu.memref_slice %arg13[%dma_start3A_52] : memref<8016xi32, #tpu.memory_space<vmem>> -> memref<8000xi32, #tpu.memory_space<vmem>>
    %dma_start3A_54 = tpu.memref_slice %arg3[%add3A_45] : memref<6400000xi32, #tpu.memory_space<hbm>> -> memref<8000xi32, #tpu.memory_space<hbm>>
    %dma_start3A_55 = arith.constant 0 : i32
    %dma_start3A_56 = tpu.memref_slice %arg13[%dma_start3A_55] : memref<8016xi32, #tpu.memory_space<vmem>> -> memref<8000xi32, #tpu.memory_space<vmem>>
    %dma_start3A_57 = tpu.memref_slice %arg3[%add3A_45] : memref<6400000xi32, #tpu.memory_space<hbm>> -> memref<8000xi32, #tpu.memory_space<hbm>>
    tpu.enqueue_dma source(%dma_start3A_57 : memref<8000xi32, #tpu.memory_space<hbm>>) target(%dma_start3A_56 : memref<8000xi32, #tpu.memory_space<vmem>>) target_semaphore(%arg24 : memref<!tpu.dma_semaphore, #tpu.memory_space<semaphore_mem>>)
    %iota3A = tpu.iota {dimensions = array<i32: 0>} : vector<16xi32>
    %lt3A = arith.constant 15 : i32
    %lt3A_58 = vector.broadcast %lt3A : i32 to vector<16xi32>
    %lt3A_59 = arith.cmpi slt, %iota3A, %lt3A_58 : vector<16xi32>
    %eq3A = arith.constant 15 : i32
    %eq3A_60 = vector.broadcast %eq3A : i32 to vector<16xi32>
    %eq3A_61 = arith.cmpi eq, %iota3A, %eq3A_60 : vector<16xi32>
    %broadcast_in_dim3A = arith.constant 0.000000e+00 : f32
    %broadcast_in_dim3A_62 = vector.broadcast %broadcast_in_dim3A : f32 to vector<16xf32>
    %scan3A = arith.constant 0 : i32
    %scan3A_63 = arith.constant 392 : i32
    %scan3A_64 = arith.addi %scan3A, %scan3A_63 : i32
    %scan3A_65 = arith.constant 1 : i32
    scf.for %scan3A_139 = %scan3A to %scan3A_64 step %scan3A_65  : i32 {
      %mul3A_140 = arith.constant 16 : i32
      %mul3A_141 = arith.muli %scan3A_139, %mul3A_140 : i32
      %swap3A_142 = arith.index_cast %mul3A_141 : i32 to index
      %swap3A_143 = tpu.vector_load %arg15[%swap3A_142] {strides = array<i32>} : memref<6272xf32, #tpu.memory_space<vmem>>, vector<16xf32>,
      tpu.vector_store %arg15[%swap3A_142], %broadcast_in_dim3A_62 {strides = array<i32>} : memref<6272xf32, #tpu.memory_space<vmem>>, vector<16xf32>,
    }
    %scan3A_66 = arith.constant 392 : i32
    %mul3A_67 = arith.constant 6272 : i32
    %mul3A_68 = arith.muli %arg1, %mul3A_67 : i32
    "tpu.region"() ({
      %run_scoped3A = tpu.sem_alloc : memref<!tpu.dma_semaphore, #tpu.memory_space<semaphore_mem>>
      %dma_start3A_139 = tpu.memref_slice %arg20[%mul3A_68] : memref<100352xf32, #tpu.memory_space<vmem_shared>> -> memref<6272xf32, #tpu.memory_space<vmem_shared>>
      %dma_start3A_140 = tpu.memref_slice %arg20[%mul3A_68] : memref<100352xf32, #tpu.memory_space<vmem_shared>> -> memref<6272xf32, #tpu.memory_space<vmem_shared>>
      tpu.enqueue_dma source(%arg15 : memref<6272xf32, #tpu.memory_space<vmem>>) target(%dma_start3A_140 : memref<6272xf32, #tpu.memory_space<vmem_shared>>) target_semaphore(%run_scoped3A : memref<!tpu.dma_semaphore, #tpu.memory_space<semaphore_mem>>)
      %dma_wait3A = tpu.memref_slice %arg20[%mul3A_68] : memref<100352xf32, #tpu.memory_space<vmem_shared>> -> memref<6272xf32, #tpu.memory_space<vmem_shared>>
      %dma_wait3A_141 = tpu.memref_slice %arg20[%mul3A_68] : memref<100352xf32, #tpu.memory_space<vmem_shared>> -> memref<6272xf32, #tpu.memory_space<vmem_shared>>
      tpu.wait_dma2 semaphore(%run_scoped3A : memref<!tpu.dma_semaphore, #tpu.memory_space<semaphore_mem>>) src(%arg15 : memref<6272xf32, #tpu.memory_space<vmem>>) dst(%dma_wait3A_141 : memref<6272xf32, #tpu.memory_space<vmem_shared>>)
      tpu.yield
    }) : () -> ()
    %swap3A = arith.constant 8000 : index
    %swap3A_69 = tpu.vector_load %arg5[%swap3A] {strides = array<i32>} : memref<8016xf32, #tpu.memory_space<vmem>>, vector<16xf32>,
    tpu.vector_store %arg5[%swap3A], %broadcast_in_dim3A_62 {strides = array<i32>} : memref<8016xf32, #tpu.memory_space<vmem>>, vector<16xf32>,
    %broadcast_in_dim3A_70 = arith.constant 0 : i32
    %broadcast_in_dim3A_71 = vector.broadcast %broadcast_in_dim3A_70 : i32 to vector<16xi32>
    %swap3A_72 = arith.constant 8000 : index
    %swap3A_73 = tpu.vector_load %arg10[%swap3A_72] {strides = array<i32>} : memref<8016xi32, #tpu.memory_space<vmem>>, vector<16xi32>,
    tpu.vector_store %arg10[%swap3A_72], %broadcast_in_dim3A_71 {strides = array<i32>} : memref<8016xi32, #tpu.memory_space<vmem>>, vector<16xi32>,
    %swap3A_74 = arith.constant 8000 : index
    %swap3A_75 = tpu.vector_load %arg6[%swap3A_74] {strides = array<i32>} : memref<8016xf32, #tpu.memory_space<vmem>>, vector<16xf32>,
    tpu.vector_store %arg6[%swap3A_74], %broadcast_in_dim3A_62 {strides = array<i32>} : memref<8016xf32, #tpu.memory_space<vmem>>, vector<16xf32>,
    %broadcast_in_dim3A_76 = arith.constant 0 : i32
    %broadcast_in_dim3A_77 = vector.broadcast %broadcast_in_dim3A_76 : i32 to vector<16xi32>
    %swap3A_78 = arith.constant 8000 : index
    %swap3A_79 = tpu.vector_load %arg11[%swap3A_78] {strides = array<i32>} : memref<8016xi32, #tpu.memory_space<vmem>>, vector<16xi32>,
    tpu.vector_store %arg11[%swap3A_78], %broadcast_in_dim3A_77 {strides = array<i32>} : memref<8016xi32, #tpu.memory_space<vmem>>, vector<16xi32>,
    %swap3A_80 = arith.constant 8000 : index
    %swap3A_81 = tpu.vector_load %arg7[%swap3A_80] {strides = array<i32>} : memref<8016xf32, #tpu.memory_space<vmem>>, vector<16xf32>,
    tpu.vector_store %arg7[%swap3A_80], %broadcast_in_dim3A_62 {strides = array<i32>} : memref<8016xf32, #tpu.memory_space<vmem>>, vector<16xf32>,
    %broadcast_in_dim3A_82 = arith.constant 0 : i32
    %broadcast_in_dim3A_83 = vector.broadcast %broadcast_in_dim3A_82 : i32 to vector<16xi32>
    %swap3A_84 = arith.constant 8000 : index
    %swap3A_85 = tpu.vector_load %arg12[%swap3A_84] {strides = array<i32>} : memref<8016xi32, #tpu.memory_space<vmem>>, vector<16xi32>,
    tpu.vector_store %arg12[%swap3A_84], %broadcast_in_dim3A_83 {strides = array<i32>} : memref<8016xi32, #tpu.memory_space<vmem>>, vector<16xi32>,
    %swap3A_86 = arith.constant 8000 : index
    %swap3A_87 = tpu.vector_load %arg8[%swap3A_86] {strides = array<i32>} : memref<8016xf32, #tpu.memory_space<vmem>>, vector<16xf32>,
    tpu.vector_store %arg8[%swap3A_86], %broadcast_in_dim3A_62 {strides = array<i32>} : memref<8016xf32, #tpu.memory_space<vmem>>, vector<16xf32>,
    %broadcast_in_dim3A_88 = arith.constant 0 : i32
    %broadcast_in_dim3A_89 = vector.broadcast %broadcast_in_dim3A_88 : i32 to vector<16xi32>
    %swap3A_90 = arith.constant 8000 : index
    %swap3A_91 = tpu.vector_load %arg13[%swap3A_90] {strides = array<i32>} : memref<8016xi32, #tpu.memory_space<vmem>>, vector<16xi32>,
    tpu.vector_store %arg13[%swap3A_90], %broadcast_in_dim3A_89 {strides = array<i32>} : memref<8016xi32, #tpu.memory_space<vmem>>, vector<16xi32>,
    %swap3A_92 = arith.constant 8000 : index
    %swap3A_93 = tpu.vector_load %arg9[%swap3A_92] {strides = array<i32>} : memref<8016xf32, #tpu.memory_space<vmem>>, vector<16xf32>,
    tpu.vector_store %arg9[%swap3A_92], %broadcast_in_dim3A_62 {strides = array<i32>} : memref<8016xf32, #tpu.memory_space<vmem>>, vector<16xf32>,
    %broadcast_in_dim3A_94 = arith.constant 0 : i32
    %broadcast_in_dim3A_95 = vector.broadcast %broadcast_in_dim3A_94 : i32 to vector<16xi32>
    %swap3A_96 = arith.constant 8000 : index
    %swap3A_97 = tpu.vector_load %arg14[%swap3A_96] {strides = array<i32>} : memref<8016xi32, #tpu.memory_space<vmem>>, vector<16xi32>,
    tpu.vector_store %arg14[%swap3A_96], %broadcast_in_dim3A_95 {strides = array<i32>} : memref<8016xi32, #tpu.memory_space<vmem>>, vector<16xi32>,
    "tpu.region"() ({
      %run_scoped3A = tpu.sem_alloc : memref<!tpu.dma_semaphore, #tpu.memory_space<semaphore_mem>>
      %dma_start3A_139 = arith.constant 0 : i32
      %dma_start3A_140 = tpu.memref_slice %arg16[%dma_start3A_139] : memref<16xi32, #tpu.memory_space<vmem>> -> memref<8xi32, #tpu.memory_space<vmem>>
      %dma_start3A_141 = tpu.memref_slice %arg3[%mul3A_2] : memref<6400000xi32, #tpu.memory_space<hbm>> -> memref<8xi32, #tpu.memory_space<hbm>>
      %dma_start3A_142 = arith.constant 0 : i32
      %dma_start3A_143 = tpu.memref_slice %arg16[%dma_start3A_142] : memref<16xi32, #tpu.memory_space<vmem>> -> memref<8xi32, #tpu.memory_space<vmem>>
      %dma_start3A_144 = tpu.memref_slice %arg3[%mul3A_2] : memref<6400000xi32, #tpu.memory_space<hbm>> -> memref<8xi32, #tpu.memory_space<hbm>>
      tpu.enqueue_dma source(%dma_start3A_144 : memref<8xi32, #tpu.memory_space<hbm>>) target(%dma_start3A_143 : memref<8xi32, #tpu.memory_space<vmem>>) target_semaphore(%run_scoped3A : memref<!tpu.dma_semaphore, #tpu.memory_space<semaphore_mem>>)
      %dma_wait3A = arith.constant 0 : i32
      %dma_wait3A_145 = tpu.memref_slice %arg16[%dma_wait3A] : memref<16xi32, #tpu.memory_space<vmem>> -> memref<8xi32, #tpu.memory_space<vmem>>
      %dma_wait3A_146 = tpu.memref_slice %arg3[%mul3A_2] : memref<6400000xi32, #tpu.memory_space<hbm>> -> memref<8xi32, #tpu.memory_space<hbm>>
      %dma_wait3A_147 = arith.constant 0 : i32
      %dma_wait3A_148 = tpu.memref_slice %arg16[%dma_wait3A_147] : memref<16xi32, #tpu.memory_space<vmem>> -> memref<8xi32, #tpu.memory_space<vmem>>
      %dma_wait3A_149 = tpu.memref_slice %arg3[%mul3A_2] : memref<6400000xi32, #tpu.memory_space<hbm>> -> memref<8xi32, #tpu.memory_space<hbm>>
      tpu.wait_dma2 semaphore(%run_scoped3A : memref<!tpu.dma_semaphore, #tpu.memory_space<semaphore_mem>>) src(%dma_wait3A_149 : memref<8xi32, #tpu.memory_space<hbm>>) dst(%dma_wait3A_148 : memref<8xi32, #tpu.memory_space<vmem>>)
      tpu.yield
    }) : () -> ()
    %add3A_98 = arith.constant 200000 : i32
    %add3A_99 = arith.addi %mul3A_2, %add3A_98 : i32
    %sub3A = arith.constant 8 : i32
    %sub3A_100 = arith.subi %add3A_99, %sub3A : i32
    "tpu.region"() ({
      %run_scoped3A = tpu.sem_alloc : memref<!tpu.dma_semaphore, #tpu.memory_space<semaphore_mem>>
      %dma_start3A_139 = arith.constant 8 : i32
      %dma_start3A_140 = tpu.memref_slice %arg16[%dma_start3A_139] : memref<16xi32, #tpu.memory_space<vmem>> -> memref<8xi32, #tpu.memory_space<vmem>>
      %dma_start3A_141 = tpu.memref_slice %arg3[%sub3A_100] : memref<6400000xi32, #tpu.memory_space<hbm>> -> memref<8xi32, #tpu.memory_space<hbm>>
      %dma_start3A_142 = arith.constant 8 : i32
      %dma_start3A_143 = tpu.memref_slice %arg16[%dma_start3A_142] : memref<16xi32, #tpu.memory_space<vmem>> -> memref<8xi32, #tpu.memory_space<vmem>>
      %dma_start3A_144 = tpu.memref_slice %arg3[%sub3A_100] : memref<6400000xi32, #tpu.memory_space<hbm>> -> memref<8xi32, #tpu.memory_space<hbm>>
      tpu.enqueue_dma source(%dma_start3A_144 : memref<8xi32, #tpu.memory_space<hbm>>) target(%dma_start3A_143 : memref<8xi32, #tpu.memory_space<vmem>>) target_semaphore(%run_scoped3A : memref<!tpu.dma_semaphore, #tpu.memory_space<semaphore_mem>>)
      %dma_wait3A = arith.constant 8 : i32
      %dma_wait3A_145 = tpu.memref_slice %arg16[%dma_wait3A] : memref<16xi32, #tpu.memory_space<vmem>> -> memref<8xi32, #tpu.memory_space<vmem>>
      %dma_wait3A_146 = tpu.memref_slice %arg3[%sub3A_100] : memref<6400000xi32, #tpu.memory_space<hbm>> -> memref<8xi32, #tpu.memory_space<hbm>>
      %dma_wait3A_147 = arith.constant 8 : i32
      %dma_wait3A_148 = tpu.memref_slice %arg16[%dma_wait3A_147] : memref<16xi32, #tpu.memory_space<vmem>> -> memref<8xi32, #tpu.memory_space<vmem>>
      %dma_wait3A_149 = tpu.memref_slice %arg3[%sub3A_100] : memref<6400000xi32, #tpu.memory_space<hbm>> -> memref<8xi32, #tpu.memory_space<hbm>>
      tpu.wait_dma2 semaphore(%run_scoped3A : memref<!tpu.dma_semaphore, #tpu.memory_space<semaphore_mem>>) src(%dma_wait3A_149 : memref<8xi32, #tpu.memory_space<hbm>>) dst(%dma_wait3A_148 : memref<8xi32, #tpu.memory_space<vmem>>)
      tpu.yield
    }) : () -> ()
    %get3A = arith.constant 0 : index
    %get3A_101 = tpu.vector_load %arg16[%get3A] {strides = array<i32>} : memref<16xi32, #tpu.memory_space<vmem>>, vector<16xi32>,
    %slice3A = vector.extract_strided_slice %get3A_101 {offsets = [0], sizes = [1], strides = [1]} : vector<16xi32> to vector<1xi32>
    %squeeze3A = vector.extract %slice3A[0] : i32 from vector<1xi32>
    %slice3A_102 = vector.extract_strided_slice %get3A_101 {offsets = [15], sizes = [1], strides = [1]} : vector<16xi32> to vector<1xi32>
    %squeeze3A_103 = vector.extract %slice3A_102[0] : i32 from vector<1xi32>
    %sub3A_104 = arith.subi %squeeze3A_103, %squeeze3A : i32
    %le3A = arith.constant 15872 : i32
    %le3A_105 = arith.cmpi sle, %sub3A_104, %le3A : i32
    %jit3A = arith.constant 512 : i32
    %div3A = arith.divsi %sub3A_104, %jit3A : i32
    %sign3A = arith.constant 0 : i32
    %sign3A_106 = arith.cmpi sgt, %sub3A_104, %sign3A : i32
    %sign3A_107 = arith.extui %sign3A_106 : i1 to i32
    %sign3A_108 = arith.constant 0 : i32
    %sign3A_109 = arith.cmpi slt, %sub3A_104, %sign3A_108 : i32
    %sign3A_110 = arith.extui %sign3A_109 : i1 to i32
    %sign3A_111 = arith.subi %sign3A_107, %sign3A_110 : i32
    %sign3A_112 = arith.constant 0 : i32
    %sign3A_113 = arith.cmpi sgt, %jit3A, %sign3A_112 : i32
    %sign3A_114 = arith.extui %sign3A_113 : i1 to i32
    %sign3A_115 = arith.constant 0 : i32
    %sign3A_116 = arith.cmpi slt, %jit3A, %sign3A_115 : i32
    %sign3A_117 = arith.extui %sign3A_116 : i1 to i32
    %sign3A_118 = arith.subi %sign3A_114, %sign3A_117 : i32
    %ne3A = arith.cmpi ne, %sign3A_111, %sign3A_118 : i32
    %rem3A = arith.remsi %sub3A_104, %jit3A : i32
    %ne3A_119 = arith.constant 0 : i32
    %ne3A_120 = arith.cmpi ne, %rem3A, %ne3A_119 : i32
    %and3A = arith.andi %ne3A, %ne3A_120 : i1
    %sub3A_121 = arith.constant 1 : i32
    %sub3A_122 = arith.subi %div3A, %sub3A_121 : i32
    %select_n3A = arith.select %and3A, %sub3A_122, %div3A : i32
    %add3A_123 = arith.constant 1 : i32
    %add3A_124 = arith.addi %select_n3A, %add3A_123 : i32
    %convert_element_type3A = arith.extui %le3A_105 : i1 to i32
    %cond3A = arith.constant 0 : i32
    %cond3A_125 = arith.cmpi ne, %convert_element_type3A, %cond3A : i32
    scf.if %cond3A_125 {
      %while3A = arith.constant 0 : i32
      %while3A_139 = arith.subi %add3A_124, %while3A : i32
      %while3A_140 = arith.addi %while3A, %while3A_139 : i32
      %while3A_141 = arith.constant 1 : i32
      %while3A_142 = arith.divsi %while3A_139, %while3A_141 : i32
      %while3A_143 = arith.muli %while3A_142, %while3A_141 : i32
      %while3A_144 = arith.addi %while3A, %while3A_143 : i32
      %while3A_145 = arith.constant 1 : i32
      scf.for %while3A_147 = %while3A to %while3A_144 step %while3A_145  : i32 {
        %mul3A_148 = arith.constant 512 : i32
        %mul3A_149 = arith.muli %while3A_147, %mul3A_148 : i32
        %add3A_150 = arith.constant 0 : i32
        %add3A_151 = arith.addi %mul3A_149, %add3A_150 : i32
        %swap3A_152 = arith.index_cast %add3A_151 : i32 to index
        %swap3A_153 = tpu.vector_load %arg19[%swap3A_152] {strides = array<i32>} : memref<16384xf32, #tpu.memory_space<vmem>>, vector<16xf32>,
        tpu.vector_store %arg19[%swap3A_152], %broadcast_in_dim3A_62 {strides = array<i32>} : memref<16384xf32, #tpu.memory_space<vmem>>, vector<16xf32>,
        %mul3A_154 = arith.constant 512 : i32
        %mul3A_155 = arith.muli %while3A_147, %mul3A_154 : i32
        %add3A_156 = arith.constant 16 : i32
        %add3A_157 = arith.addi %mul3A_155, %add3A_156 : i32
        %swap3A_158 = arith.index_cast %add3A_157 : i32 to index
        %swap3A_159 = tpu.vector_load %arg19[%swap3A_158] {strides = array<i32>} : memref<16384xf32, #tpu.memory_space<vmem>>, vector<16xf32>,
        tpu.vector_store %arg19[%swap3A_158], %broadcast_in_dim3A_62 {strides = array<i32>} : memref<16384xf32, #tpu.memory_space<vmem>>, vector<16xf32>,
        %mul3A_160 = arith.constant 512 : i32
        %mul3A_161 = arith.muli %while3A_147, %mul3A_160 : i32
        %add3A_162 = arith.constant 32 : i32
        %add3A_163 = arith.addi %mul3A_161, %add3A_162 : i32
        %swap3A_164 = arith.index_cast %add3A_163 : i32 to index
        %swap3A_165 = tpu.vector_load %arg19[%swap3A_164] {strides = array<i32>} : memref<16384xf32, #tpu.memory_space<vmem>>, vector<16xf32>,
        tpu.vector_store %arg19[%swap3A_164], %broadcast_in_dim3A_62 {strides = array<i32>} : memref<16384xf32, #tpu.memory_space<vmem>>, vector<16xf32>,
        %mul3A_166 = arith.constant 512 : i32
        %mul3A_167 = arith.muli %while3A_147, %mul3A_166 : i32
        %add3A_168 = arith.constant 48 : i32
        %add3A_169 = arith.addi %mul3A_167, %add3A_168 : i32
        %swap3A_170 = arith.index_cast %add3A_169 : i32 to index
        %swap3A_171 = tpu.vector_load %arg19[%swap3A_170] {strides = array<i32>} : memref<16384xf32, #tpu.memory_space<vmem>>, vector<16xf32>,
        tpu.vector_store %arg19[%swap3A_170], %broadcast_in_dim3A_62 {strides = array<i32>} : memref<16384xf32, #tpu.memory_space<vmem>>, vector<16xf32>,
        %mul3A_172 = arith.constant 512 : i32
        %mul3A_173 = arith.muli %while3A_147, %mul3A_172 : i32
        %add3A_174 = arith.constant 64 : i32
        %add3A_175 = arith.addi %mul3A_173, %add3A_174 : i32
        %swap3A_176 = arith.index_cast %add3A_175 : i32 to index
        %swap3A_177 = tpu.vector_load %arg19[%swap3A_176] {strides = array<i32>} : memref<16384xf32, #tpu.memory_space<vmem>>, vector<16xf32>,
        tpu.vector_store %arg19[%swap3A_176], %broadcast_in_dim3A_62 {strides = array<i32>} : memref<16384xf32, #tpu.memory_space<vmem>>, vector<16xf32>,
        %mul3A_178 = arith.constant 512 : i32
        %mul3A_179 = arith.muli %while3A_147, %mul3A_178 : i32
        %add3A_180 = arith.constant 80 : i32
        %add3A_181 = arith.addi %mul3A_179, %add3A_180 : i32
        %swap3A_182 = arith.index_cast %add3A_181 : i32 to index
        %swap3A_183 = tpu.vector_load %arg19[%swap3A_182] {strides = array<i32>} : memref<16384xf32, #tpu.memory_space<vmem>>, vector<16xf32>,
        tpu.vector_store %arg19[%swap3A_182], %broadcast_in_dim3A_62 {strides = array<i32>} : memref<16384xf32, #tpu.memory_space<vmem>>, vector<16xf32>,
        %mul3A_184 = arith.constant 512 : i32
        %mul3A_185 = arith.muli %while3A_147, %mul3A_184 : i32
        %add3A_186 = arith.constant 96 : i32
        %add3A_187 = arith.addi %mul3A_185, %add3A_186 : i32
        %swap3A_188 = arith.index_cast %add3A_187 : i32 to index
        %swap3A_189 = tpu.vector_load %arg19[%swap3A_188] {strides = array<i32>} : memref<16384xf32, #tpu.memory_space<vmem>>, vector<16xf32>,
        tpu.vector_store %arg19[%swap3A_188], %broadcast_in_dim3A_62 {strides = array<i32>} : memref<16384xf32, #tpu.memory_space<vmem>>, vector<16xf32>,
        %mul3A_190 = arith.constant 512 : i32
        %mul3A_191 = arith.muli %while3A_147, %mul3A_190 : i32
        %add3A_192 = arith.constant 112 : i32
        %add3A_193 = arith.addi %mul3A_191, %add3A_192 : i32
        %swap3A_194 = arith.index_cast %add3A_193 : i32 to index
        %swap3A_195 = tpu.vector_load %arg19[%swap3A_194] {strides = array<i32>} : memref<16384xf32, #tpu.memory_space<vmem>>, vector<16xf32>,
        tpu.vector_store %arg19[%swap3A_194], %broadcast_in_dim3A_62 {strides = array<i32>} : memref<16384xf32, #tpu.memory_space<vmem>>, vector<16xf32>,
        %mul3A_196 = arith.constant 512 : i32
        %mul3A_197 = arith.muli %while3A_147, %mul3A_196 : i32
        %add3A_198 = arith.constant 128 : i32
        %add3A_199 = arith.addi %mul3A_197, %add3A_198 : i32
        %swap3A_200 = arith.index_cast %add3A_199 : i32 to index
        %swap3A_201 = tpu.vector_load %arg19[%swap3A_200] {strides = array<i32>} : memref<16384xf32, #tpu.memory_space<vmem>>, vector<16xf32>,
        tpu.vector_store %arg19[%swap3A_200], %broadcast_in_dim3A_62 {strides = array<i32>} : memref<16384xf32, #tpu.memory_space<vmem>>, vector<16xf32>,
        %mul3A_202 = arith.constant 512 : i32
        %mul3A_203 = arith.muli %while3A_147, %mul3A_202 : i32
        %add3A_204 = arith.constant 144 : i32
        %add3A_205 = arith.addi %mul3A_203, %add3A_204 : i32
        %swap3A_206 = arith.index_cast %add3A_205 : i32 to index
        %swap3A_207 = tpu.vector_load %arg19[%swap3A_206] {strides = array<i32>} : memref<16384xf32, #tpu.memory_space<vmem>>, vector<16xf32>,
        tpu.vector_store %arg19[%swap3A_206], %broadcast_in_dim3A_62 {strides = array<i32>} : memref<16384xf32, #tpu.memory_space<vmem>>, vector<16xf32>,
        %mul3A_208 = arith.constant 512 : i32
        %mul3A_209 = arith.muli %while3A_147, %mul3A_208 : i32
        %add3A_210 = arith.constant 160 : i32
        %add3A_211 = arith.addi %mul3A_209, %add3A_210 : i32
        %swap3A_212 = arith.index_cast %add3A_211 : i32 to index
        %swap3A_213 = tpu.vector_load %arg19[%swap3A_212] {strides = array<i32>} : memref<16384xf32, #tpu.memory_space<vmem>>, vector<16xf32>,
        tpu.vector_store %arg19[%swap3A_212], %broadcast_in_dim3A_62 {strides = array<i32>} : memref<16384xf32, #tpu.memory_space<vmem>>, vector<16xf32>,
        %mul3A_214 = arith.constant 512 : i32
        %mul3A_215 = arith.muli %while3A_147, %mul3A_214 : i32
        %add3A_216 = arith.constant 176 : i32
        %add3A_217 = arith.addi %mul3A_215, %add3A_216 : i32
        %swap3A_218 = arith.index_cast %add3A_217 : i32 to index
        %swap3A_219 = tpu.vector_load %arg19[%swap3A_218] {strides = array<i32>} : memref<16384xf32, #tpu.memory_space<vmem>>, vector<16xf32>,
        tpu.vector_store %arg19[%swap3A_218], %broadcast_in_dim3A_62 {strides = array<i32>} : memref<16384xf32, #tpu.memory_space<vmem>>, vector<16xf32>,
        %mul3A_220 = arith.constant 512 : i32
        %mul3A_221 = arith.muli %while3A_147, %mul3A_220 : i32
        %add3A_222 = arith.constant 192 : i32
        %add3A_223 = arith.addi %mul3A_221, %add3A_222 : i32
        %swap3A_224 = arith.index_cast %add3A_223 : i32 to index
        %swap3A_225 = tpu.vector_load %arg19[%swap3A_224] {strides = array<i32>} : memref<16384xf32, #tpu.memory_space<vmem>>, vector<16xf32>,
        tpu.vector_store %arg19[%swap3A_224], %broadcast_in_dim3A_62 {strides = array<i32>} : memref<16384xf32, #tpu.memory_space<vmem>>, vector<16xf32>,
        %mul3A_226 = arith.constant 512 : i32
        %mul3A_227 = arith.muli %while3A_147, %mul3A_226 : i32
        %add3A_228 = arith.constant 208 : i32
        %add3A_229 = arith.addi %mul3A_227, %add3A_228 : i32
        %swap3A_230 = arith.index_cast %add3A_229 : i32 to index
        %swap3A_231 = tpu.vector_load %arg19[%swap3A_230] {strides = array<i32>} : memref<16384xf32, #tpu.memory_space<vmem>>, vector<16xf32>,
        tpu.vector_store %arg19[%swap3A_230], %broadcast_in_dim3A_62 {strides = array<i32>} : memref<16384xf32, #tpu.memory_space<vmem>>, vector<16xf32>,
        %mul3A_232 = arith.constant 512 : i32
        %mul3A_233 = arith.muli %while3A_147, %mul3A_232 : i32
        %add3A_234 = arith.constant 224 : i32
        %add3A_235 = arith.addi %mul3A_233, %add3A_234 : i32
        %swap3A_236 = arith.index_cast %add3A_235 : i32 to index
        %swap3A_237 = tpu.vector_load %arg19[%swap3A_236] {strides = array<i32>} : memref<16384xf32, #tpu.memory_space<vmem>>, vector<16xf32>,
        tpu.vector_store %arg19[%swap3A_236], %broadcast_in_dim3A_62 {strides = array<i32>} : memref<16384xf32, #tpu.memory_space<vmem>>, vector<16xf32>,
        %mul3A_238 = arith.constant 512 : i32
        %mul3A_239 = arith.muli %while3A_147, %mul3A_238 : i32
        %add3A_240 = arith.constant 240 : i32
        %add3A_241 = arith.addi %mul3A_239, %add3A_240 : i32
        %swap3A_242 = arith.index_cast %add3A_241 : i32 to index
        %swap3A_243 = tpu.vector_load %arg19[%swap3A_242] {strides = array<i32>} : memref<16384xf32, #tpu.memory_space<vmem>>, vector<16xf32>,
        tpu.vector_store %arg19[%swap3A_242], %broadcast_in_dim3A_62 {strides = array<i32>} : memref<16384xf32, #tpu.memory_space<vmem>>, vector<16xf32>,
        %mul3A_244 = arith.constant 512 : i32
        %mul3A_245 = arith.muli %while3A_147, %mul3A_244 : i32
        %add3A_246 = arith.constant 256 : i32
        %add3A_247 = arith.addi %mul3A_245, %add3A_246 : i32
        %swap3A_248 = arith.index_cast %add3A_247 : i32 to index
        %swap3A_249 = tpu.vector_load %arg19[%swap3A_248] {strides = array<i32>} : memref<16384xf32, #tpu.memory_space<vmem>>, vector<16xf32>,
        tpu.vector_store %arg19[%swap3A_248], %broadcast_in_dim3A_62 {strides = array<i32>} : memref<16384xf32, #tpu.memory_space<vmem>>, vector<16xf32>,
        %mul3A_250 = arith.constant 512 : i32
        %mul3A_251 = arith.muli %while3A_147, %mul3A_250 : i32
        %add3A_252 = arith.constant 272 : i32
        %add3A_253 = arith.addi %mul3A_251, %add3A_252 : i32
        %swap3A_254 = arith.index_cast %add3A_253 : i32 to index
        %swap3A_255 = tpu.vector_load %arg19[%swap3A_254] {strides = array<i32>} : memref<16384xf32, #tpu.memory_space<vmem>>, vector<16xf32>,
        tpu.vector_store %arg19[%swap3A_254], %broadcast_in_dim3A_62 {strides = array<i32>} : memref<16384xf32, #tpu.memory_space<vmem>>, vector<16xf32>,
        %mul3A_256 = arith.constant 512 : i32
        %mul3A_257 = arith.muli %while3A_147, %mul3A_256 : i32
        %add3A_258 = arith.constant 288 : i32
        %add3A_259 = arith.addi %mul3A_257, %add3A_258 : i32
        %swap3A_260 = arith.index_cast %add3A_259 : i32 to index
        %swap3A_261 = tpu.vector_load %arg19[%swap3A_260] {strides = array<i32>} : memref<16384xf32, #tpu.memory_space<vmem>>, vector<16xf32>,
        tpu.vector_store %arg19[%swap3A_260], %broadcast_in_dim3A_62 {strides = array<i32>} : memref<16384xf32, #tpu.memory_space<vmem>>, vector<16xf32>,
        %mul3A_262 = arith.constant 512 : i32
        %mul3A_263 = arith.muli %while3A_147, %mul3A_262 : i32
        %add3A_264 = arith.constant 304 : i32
        %add3A_265 = arith.addi %mul3A_263, %add3A_264 : i32
        %swap3A_266 = arith.index_cast %add3A_265 : i32 to index
        %swap3A_267 = tpu.vector_load %arg19[%swap3A_266] {strides = array<i32>} : memref<16384xf32, #tpu.memory_space<vmem>>, vector<16xf32>,
        tpu.vector_store %arg19[%swap3A_266], %broadcast_in_dim3A_62 {strides = array<i32>} : memref<16384xf32, #tpu.memory_space<vmem>>, vector<16xf32>,
        %mul3A_268 = arith.constant 512 : i32
        %mul3A_269 = arith.muli %while3A_147, %mul3A_268 : i32
        %add3A_270 = arith.constant 320 : i32
        %add3A_271 = arith.addi %mul3A_269, %add3A_270 : i32
        %swap3A_272 = arith.index_cast %add3A_271 : i32 to index
        %swap3A_273 = tpu.vector_load %arg19[%swap3A_272] {strides = array<i32>} : memref<16384xf32, #tpu.memory_space<vmem>>, vector<16xf32>,
        tpu.vector_store %arg19[%swap3A_272], %broadcast_in_dim3A_62 {strides = array<i32>} : memref<16384xf32, #tpu.memory_space<vmem>>, vector<16xf32>,
        %mul3A_274 = arith.constant 512 : i32
        %mul3A_275 = arith.muli %while3A_147, %mul3A_274 : i32
        %add3A_276 = arith.constant 336 : i32
        %add3A_277 = arith.addi %mul3A_275, %add3A_276 : i32
        %swap3A_278 = arith.index_cast %add3A_277 : i32 to index
        %swap3A_279 = tpu.vector_load %arg19[%swap3A_278] {strides = array<i32>} : memref<16384xf32, #tpu.memory_space<vmem>>, vector<16xf32>,
        tpu.vector_store %arg19[%swap3A_278], %broadcast_in_dim3A_62 {strides = array<i32>} : memref<16384xf32, #tpu.memory_space<vmem>>, vector<16xf32>,
        %mul3A_280 = arith.constant 512 : i32
        %mul3A_281 = arith.muli %while3A_147, %mul3A_280 : i32
        %add3A_282 = arith.constant 352 : i32
        %add3A_283 = arith.addi %mul3A_281, %add3A_282 : i32
        %swap3A_284 = arith.index_cast %add3A_283 : i32 to index
        %swap3A_285 = tpu.vector_load %arg19[%swap3A_284] {strides = array<i32>} : memref<16384xf32, #tpu.memory_space<vmem>>, vector<16xf32>,
        tpu.vector_store %arg19[%swap3A_284], %broadcast_in_dim3A_62 {strides = array<i32>} : memref<16384xf32, #tpu.memory_space<vmem>>, vector<16xf32>,
        %mul3A_286 = arith.constant 512 : i32
        %mul3A_287 = arith.muli %while3A_147, %mul3A_286 : i32
        %add3A_288 = arith.constant 368 : i32
        %add3A_289 = arith.addi %mul3A_287, %add3A_288 : i32
        %swap3A_290 = arith.index_cast %add3A_289 : i32 to index
        %swap3A_291 = tpu.vector_load %arg19[%swap3A_290] {strides = array<i32>} : memref<16384xf32, #tpu.memory_space<vmem>>, vector<16xf32>,
        tpu.vector_store %arg19[%swap3A_290], %broadcast_in_dim3A_62 {strides = array<i32>} : memref<16384xf32, #tpu.memory_space<vmem>>, vector<16xf32>,
        %mul3A_292 = arith.constant 512 : i32
        %mul3A_293 = arith.muli %while3A_147, %mul3A_292 : i32
        %add3A_294 = arith.constant 384 : i32
        %add3A_295 = arith.addi %mul3A_293, %add3A_294 : i32
        %swap3A_296 = arith.index_cast %add3A_295 : i32 to index
        %swap3A_297 = tpu.vector_load %arg19[%swap3A_296] {strides = array<i32>} : memref<16384xf32, #tpu.memory_space<vmem>>, vector<16xf32>,
        tpu.vector_store %arg19[%swap3A_296], %broadcast_in_dim3A_62 {strides = array<i32>} : memref<16384xf32, #tpu.memory_space<vmem>>, vector<16xf32>,
        %mul3A_298 = arith.constant 512 : i32
        %mul3A_299 = arith.muli %while3A_147, %mul3A_298 : i32
        %add3A_300 = arith.constant 400 : i32
        %add3A_301 = arith.addi %mul3A_299, %add3A_300 : i32
        %swap3A_302 = arith.index_cast %add3A_301 : i32 to index
        %swap3A_303 = tpu.vector_load %arg19[%swap3A_302] {strides = array<i32>} : memref<16384xf32, #tpu.memory_space<vmem>>, vector<16xf32>,
        tpu.vector_store %arg19[%swap3A_302], %broadcast_in_dim3A_62 {strides = array<i32>} : memref<16384xf32, #tpu.memory_space<vmem>>, vector<16xf32>,
        %mul3A_304 = arith.constant 512 : i32
        %mul3A_305 = arith.muli %while3A_147, %mul3A_304 : i32
        %add3A_306 = arith.constant 416 : i32
        %add3A_307 = arith.addi %mul3A_305, %add3A_306 : i32
        %swap3A_308 = arith.index_cast %add3A_307 : i32 to index
        %swap3A_309 = tpu.vector_load %arg19[%swap3A_308] {strides = array<i32>} : memref<16384xf32, #tpu.memory_space<vmem>>, vector<16xf32>,
        tpu.vector_store %arg19[%swap3A_308], %broadcast_in_dim3A_62 {strides = array<i32>} : memref<16384xf32, #tpu.memory_space<vmem>>, vector<16xf32>,
        %mul3A_310 = arith.constant 512 : i32
        %mul3A_311 = arith.muli %while3A_147, %mul3A_310 : i32
        %add3A_312 = arith.constant 432 : i32
        %add3A_313 = arith.addi %mul3A_311, %add3A_312 : i32
        %swap3A_314 = arith.index_cast %add3A_313 : i32 to index
        %swap3A_315 = tpu.vector_load %arg19[%swap3A_314] {strides = array<i32>} : memref<16384xf32, #tpu.memory_space<vmem>>, vector<16xf32>,
        tpu.vector_store %arg19[%swap3A_314], %broadcast_in_dim3A_62 {strides = array<i32>} : memref<16384xf32, #tpu.memory_space<vmem>>, vector<16xf32>,
        %mul3A_316 = arith.constant 512 : i32
        %mul3A_317 = arith.muli %while3A_147, %mul3A_316 : i32
        %add3A_318 = arith.constant 448 : i32
        %add3A_319 = arith.addi %mul3A_317, %add3A_318 : i32
        %swap3A_320 = arith.index_cast %add3A_319 : i32 to index
        %swap3A_321 = tpu.vector_load %arg19[%swap3A_320] {strides = array<i32>} : memref<16384xf32, #tpu.memory_space<vmem>>, vector<16xf32>,
        tpu.vector_store %arg19[%swap3A_320], %broadcast_in_dim3A_62 {strides = array<i32>} : memref<16384xf32, #tpu.memory_space<vmem>>, vector<16xf32>,
        %mul3A_322 = arith.constant 512 : i32
        %mul3A_323 = arith.muli %while3A_147, %mul3A_322 : i32
        %add3A_324 = arith.constant 464 : i32
        %add3A_325 = arith.addi %mul3A_323, %add3A_324 : i32
        %swap3A_326 = arith.index_cast %add3A_325 : i32 to index
        %swap3A_327 = tpu.vector_load %arg19[%swap3A_326] {strides = array<i32>} : memref<16384xf32, #tpu.memory_space<vmem>>, vector<16xf32>,
        tpu.vector_store %arg19[%swap3A_326], %broadcast_in_dim3A_62 {strides = array<i32>} : memref<16384xf32, #tpu.memory_space<vmem>>, vector<16xf32>,
        %mul3A_328 = arith.constant 512 : i32
        %mul3A_329 = arith.muli %while3A_147, %mul3A_328 : i32
        %add3A_330 = arith.constant 480 : i32
        %add3A_331 = arith.addi %mul3A_329, %add3A_330 : i32
        %swap3A_332 = arith.index_cast %add3A_331 : i32 to index
        %swap3A_333 = tpu.vector_load %arg19[%swap3A_332] {strides = array<i32>} : memref<16384xf32, #tpu.memory_space<vmem>>, vector<16xf32>,
        tpu.vector_store %arg19[%swap3A_332], %broadcast_in_dim3A_62 {strides = array<i32>} : memref<16384xf32, #tpu.memory_space<vmem>>, vector<16xf32>,
        %mul3A_334 = arith.constant 512 : i32
        %mul3A_335 = arith.muli %while3A_147, %mul3A_334 : i32
        %add3A_336 = arith.constant 496 : i32
        %add3A_337 = arith.addi %mul3A_335, %add3A_336 : i32
        %swap3A_338 = arith.index_cast %add3A_337 : i32 to index
        %swap3A_339 = tpu.vector_load %arg19[%swap3A_338] {strides = array<i32>} : memref<16384xf32, #tpu.memory_space<vmem>>, vector<16xf32>,
        tpu.vector_store %arg19[%swap3A_338], %broadcast_in_dim3A_62 {strides = array<i32>} : memref<16384xf32, #tpu.memory_space<vmem>>, vector<16xf32>,
      }
      %while3A_146 = arith.constant 1 : i32
      scf.for %while3A_147 = %while3A_144 to %while3A_140 step %while3A_146  : i32 {
        %mul3A_148 = arith.constant 512 : i32
        %mul3A_149 = arith.muli %while3A_147, %mul3A_148 : i32
        %add3A_150 = arith.constant 0 : i32
        %add3A_151 = arith.addi %mul3A_149, %add3A_150 : i32
        %swap3A_152 = arith.index_cast %add3A_151 : i32 to index
        %swap3A_153 = tpu.vector_load %arg19[%swap3A_152] {strides = array<i32>} : memref<16384xf32, #tpu.memory_space<vmem>>, vector<16xf32>,
        tpu.vector_store %arg19[%swap3A_152], %broadcast_in_dim3A_62 {strides = array<i32>} : memref<16384xf32, #tpu.memory_space<vmem>>, vector<16xf32>,
        %mul3A_154 = arith.constant 512 : i32
        %mul3A_155 = arith.muli %while3A_147, %mul3A_154 : i32
        %add3A_156 = arith.constant 16 : i32
        %add3A_157 = arith.addi %mul3A_155, %add3A_156 : i32
        %swap3A_158 = arith.index_cast %add3A_157 : i32 to index
        %swap3A_159 = tpu.vector_load %arg19[%swap3A_158] {strides = array<i32>} : memref<16384xf32, #tpu.memory_space<vmem>>, vector<16xf32>,
        tpu.vector_store %arg19[%swap3A_158], %broadcast_in_dim3A_62 {strides = array<i32>} : memref<16384xf32, #tpu.memory_space<vmem>>, vector<16xf32>,
        %mul3A_160 = arith.constant 512 : i32
        %mul3A_161 = arith.muli %while3A_147, %mul3A_160 : i32
        %add3A_162 = arith.constant 32 : i32
        %add3A_163 = arith.addi %mul3A_161, %add3A_162 : i32
        %swap3A_164 = arith.index_cast %add3A_163 : i32 to index
        %swap3A_165 = tpu.vector_load %arg19[%swap3A_164] {strides = array<i32>} : memref<16384xf32, #tpu.memory_space<vmem>>, vector<16xf32>,
        tpu.vector_store %arg19[%swap3A_164], %broadcast_in_dim3A_62 {strides = array<i32>} : memref<16384xf32, #tpu.memory_space<vmem>>, vector<16xf32>,
        %mul3A_166 = arith.constant 512 : i32
        %mul3A_167 = arith.muli %while3A_147, %mul3A_166 : i32
        %add3A_168 = arith.constant 48 : i32
        %add3A_169 = arith.addi %mul3A_167, %add3A_168 : i32
        %swap3A_170 = arith.index_cast %add3A_169 : i32 to index
        %swap3A_171 = tpu.vector_load %arg19[%swap3A_170] {strides = array<i32>} : memref<16384xf32, #tpu.memory_space<vmem>>, vector<16xf32>,
        tpu.vector_store %arg19[%swap3A_170], %broadcast_in_dim3A_62 {strides = array<i32>} : memref<16384xf32, #tpu.memory_space<vmem>>, vector<16xf32>,
        %mul3A_172 = arith.constant 512 : i32
        %mul3A_173 = arith.muli %while3A_147, %mul3A_172 : i32
        %add3A_174 = arith.constant 64 : i32
        %add3A_175 = arith.addi %mul3A_173, %add3A_174 : i32
        %swap3A_176 = arith.index_cast %add3A_175 : i32 to index
        %swap3A_177 = tpu.vector_load %arg19[%swap3A_176] {strides = array<i32>} : memref<16384xf32, #tpu.memory_space<vmem>>, vector<16xf32>,
        tpu.vector_store %arg19[%swap3A_176], %broadcast_in_dim3A_62 {strides = array<i32>} : memref<16384xf32, #tpu.memory_space<vmem>>, vector<16xf32>,
        %mul3A_178 = arith.constant 512 : i32
        %mul3A_179 = arith.muli %while3A_147, %mul3A_178 : i32
        %add3A_180 = arith.constant 80 : i32
        %add3A_181 = arith.addi %mul3A_179, %add3A_180 : i32
        %swap3A_182 = arith.index_cast %add3A_181 : i32 to index
        %swap3A_183 = tpu.vector_load %arg19[%swap3A_182] {strides = array<i32>} : memref<16384xf32, #tpu.memory_space<vmem>>, vector<16xf32>,
        tpu.vector_store %arg19[%swap3A_182], %broadcast_in_dim3A_62 {strides = array<i32>} : memref<16384xf32, #tpu.memory_space<vmem>>, vector<16xf32>,
        %mul3A_184 = arith.constant 512 : i32
        %mul3A_185 = arith.muli %while3A_147, %mul3A_184 : i32
        %add3A_186 = arith.constant 96 : i32
        %add3A_187 = arith.addi %mul3A_185, %add3A_186 : i32
        %swap3A_188 = arith.index_cast %add3A_187 : i32 to index
        %swap3A_189 = tpu.vector_load %arg19[%swap3A_188] {strides = array<i32>} : memref<16384xf32, #tpu.memory_space<vmem>>, vector<16xf32>,
        tpu.vector_store %arg19[%swap3A_188], %broadcast_in_dim3A_62 {strides = array<i32>} : memref<16384xf32, #tpu.memory_space<vmem>>, vector<16xf32>,
        %mul3A_190 = arith.constant 512 : i32
        %mul3A_191 = arith.muli %while3A_147, %mul3A_190 : i32
        %add3A_192 = arith.constant 112 : i32
        %add3A_193 = arith.addi %mul3A_191, %add3A_192 : i32
        %swap3A_194 = arith.index_cast %add3A_193 : i32 to index
        %swap3A_195 = tpu.vector_load %arg19[%swap3A_194] {strides = array<i32>} : memref<16384xf32, #tpu.memory_space<vmem>>, vector<16xf32>,
        tpu.vector_store %arg19[%swap3A_194], %broadcast_in_dim3A_62 {strides = array<i32>} : memref<16384xf32, #tpu.memory_space<vmem>>, vector<16xf32>,
        %mul3A_196 = arith.constant 512 : i32
        %mul3A_197 = arith.muli %while3A_147, %mul3A_196 : i32
        %add3A_198 = arith.constant 128 : i32
        %add3A_199 = arith.addi %mul3A_197, %add3A_198 : i32
        %swap3A_200 = arith.index_cast %add3A_199 : i32 to index
        %swap3A_201 = tpu.vector_load %arg19[%swap3A_200] {strides = array<i32>} : memref<16384xf32, #tpu.memory_space<vmem>>, vector<16xf32>,
        tpu.vector_store %arg19[%swap3A_200], %broadcast_in_dim3A_62 {strides = array<i32>} : memref<16384xf32, #tpu.memory_space<vmem>>, vector<16xf32>,
        %mul3A_202 = arith.constant 512 : i32
        %mul3A_203 = arith.muli %while3A_147, %mul3A_202 : i32
        %add3A_204 = arith.constant 144 : i32
        %add3A_205 = arith.addi %mul3A_203, %add3A_204 : i32
        %swap3A_206 = arith.index_cast %add3A_205 : i32 to index
        %swap3A_207 = tpu.vector_load %arg19[%swap3A_206] {strides = array<i32>} : memref<16384xf32, #tpu.memory_space<vmem>>, vector<16xf32>,
        tpu.vector_store %arg19[%swap3A_206], %broadcast_in_dim3A_62 {strides = array<i32>} : memref<16384xf32, #tpu.memory_space<vmem>>, vector<16xf32>,
        %mul3A_208 = arith.constant 512 : i32
        %mul3A_209 = arith.muli %while3A_147, %mul3A_208 : i32
        %add3A_210 = arith.constant 160 : i32
        %add3A_211 = arith.addi %mul3A_209, %add3A_210 : i32
        %swap3A_212 = arith.index_cast %add3A_211 : i32 to index
        %swap3A_213 = tpu.vector_load %arg19[%swap3A_212] {strides = array<i32>} : memref<16384xf32, #tpu.memory_space<vmem>>, vector<16xf32>,
        tpu.vector_store %arg19[%swap3A_212], %broadcast_in_dim3A_62 {strides = array<i32>} : memref<16384xf32, #tpu.memory_space<vmem>>, vector<16xf32>,
        %mul3A_214 = arith.constant 512 : i32
        %mul3A_215 = arith.muli %while3A_147, %mul3A_214 : i32
        %add3A_216 = arith.constant 176 : i32
        %add3A_217 = arith.addi %mul3A_215, %add3A_216 : i32
        %swap3A_218 = arith.index_cast %add3A_217 : i32 to index
        %swap3A_219 = tpu.vector_load %arg19[%swap3A_218] {strides = array<i32>} : memref<16384xf32, #tpu.memory_space<vmem>>, vector<16xf32>,
        tpu.vector_store %arg19[%swap3A_218], %broadcast_in_dim3A_62 {strides = array<i32>} : memref<16384xf32, #tpu.memory_space<vmem>>, vector<16xf32>,
        %mul3A_220 = arith.constant 512 : i32
        %mul3A_221 = arith.muli %while3A_147, %mul3A_220 : i32
        %add3A_222 = arith.constant 192 : i32
        %add3A_223 = arith.addi %mul3A_221, %add3A_222 : i32
        %swap3A_224 = arith.index_cast %add3A_223 : i32 to index
        %swap3A_225 = tpu.vector_load %arg19[%swap3A_224] {strides = array<i32>} : memref<16384xf32, #tpu.memory_space<vmem>>, vector<16xf32>,
        tpu.vector_store %arg19[%swap3A_224], %broadcast_in_dim3A_62 {strides = array<i32>} : memref<16384xf32, #tpu.memory_space<vmem>>, vector<16xf32>,
        %mul3A_226 = arith.constant 512 : i32
        %mul3A_227 = arith.muli %while3A_147, %mul3A_226 : i32
        %add3A_228 = arith.constant 208 : i32
        %add3A_229 = arith.addi %mul3A_227, %add3A_228 : i32
        %swap3A_230 = arith.index_cast %add3A_229 : i32 to index
        %swap3A_231 = tpu.vector_load %arg19[%swap3A_230] {strides = array<i32>} : memref<16384xf32, #tpu.memory_space<vmem>>, vector<16xf32>,
        tpu.vector_store %arg19[%swap3A_230], %broadcast_in_dim3A_62 {strides = array<i32>} : memref<16384xf32, #tpu.memory_space<vmem>>, vector<16xf32>,
        %mul3A_232 = arith.constant 512 : i32
        %mul3A_233 = arith.muli %while3A_147, %mul3A_232 : i32
        %add3A_234 = arith.constant 224 : i32
        %add3A_235 = arith.addi %mul3A_233, %add3A_234 : i32
        %swap3A_236 = arith.index_cast %add3A_235 : i32 to index
        %swap3A_237 = tpu.vector_load %arg19[%swap3A_236] {strides = array<i32>} : memref<16384xf32, #tpu.memory_space<vmem>>, vector<16xf32>,
        tpu.vector_store %arg19[%swap3A_236], %broadcast_in_dim3A_62 {strides = array<i32>} : memref<16384xf32, #tpu.memory_space<vmem>>, vector<16xf32>,
        %mul3A_238 = arith.constant 512 : i32
        %mul3A_239 = arith.muli %while3A_147, %mul3A_238 : i32
        %add3A_240 = arith.constant 240 : i32
        %add3A_241 = arith.addi %mul3A_239, %add3A_240 : i32
        %swap3A_242 = arith.index_cast %add3A_241 : i32 to index
        %swap3A_243 = tpu.vector_load %arg19[%swap3A_242] {strides = array<i32>} : memref<16384xf32, #tpu.memory_space<vmem>>, vector<16xf32>,
        tpu.vector_store %arg19[%swap3A_242], %broadcast_in_dim3A_62 {strides = array<i32>} : memref<16384xf32, #tpu.memory_space<vmem>>, vector<16xf32>,
        %mul3A_244 = arith.constant 512 : i32
        %mul3A_245 = arith.muli %while3A_147, %mul3A_244 : i32
        %add3A_246 = arith.constant 256 : i32
        %add3A_247 = arith.addi %mul3A_245, %add3A_246 : i32
        %swap3A_248 = arith.index_cast %add3A_247 : i32 to index
        %swap3A_249 = tpu.vector_load %arg19[%swap3A_248] {strides = array<i32>} : memref<16384xf32, #tpu.memory_space<vmem>>, vector<16xf32>,
        tpu.vector_store %arg19[%swap3A_248], %broadcast_in_dim3A_62 {strides = array<i32>} : memref<16384xf32, #tpu.memory_space<vmem>>, vector<16xf32>,
        %mul3A_250 = arith.constant 512 : i32
        %mul3A_251 = arith.muli %while3A_147, %mul3A_250 : i32
        %add3A_252 = arith.constant 272 : i32
        %add3A_253 = arith.addi %mul3A_251, %add3A_252 : i32
        %swap3A_254 = arith.index_cast %add3A_253 : i32 to index
        %swap3A_255 = tpu.vector_load %arg19[%swap3A_254] {strides = array<i32>} : memref<16384xf32, #tpu.memory_space<vmem>>, vector<16xf32>,
        tpu.vector_store %arg19[%swap3A_254], %broadcast_in_dim3A_62 {strides = array<i32>} : memref<16384xf32, #tpu.memory_space<vmem>>, vector<16xf32>,
        %mul3A_256 = arith.constant 512 : i32
        %mul3A_257 = arith.muli %while3A_147, %mul3A_256 : i32
        %add3A_258 = arith.constant 288 : i32
        %add3A_259 = arith.addi %mul3A_257, %add3A_258 : i32
        %swap3A_260 = arith.index_cast %add3A_259 : i32 to index
        %swap3A_261 = tpu.vector_load %arg19[%swap3A_260] {strides = array<i32>} : memref<16384xf32, #tpu.memory_space<vmem>>, vector<16xf32>,
        tpu.vector_store %arg19[%swap3A_260], %broadcast_in_dim3A_62 {strides = array<i32>} : memref<16384xf32, #tpu.memory_space<vmem>>, vector<16xf32>,
        %mul3A_262 = arith.constant 512 : i32
        %mul3A_263 = arith.muli %while3A_147, %mul3A_262 : i32
        %add3A_264 = arith.constant 304 : i32
        %add3A_265 = arith.addi %mul3A_263, %add3A_264 : i32
        %swap3A_266 = arith.index_cast %add3A_265 : i32 to index
        %swap3A_267 = tpu.vector_load %arg19[%swap3A_266] {strides = array<i32>} : memref<16384xf32, #tpu.memory_space<vmem>>, vector<16xf32>,
        tpu.vector_store %arg19[%swap3A_266], %broadcast_in_dim3A_62 {strides = array<i32>} : memref<16384xf32, #tpu.memory_space<vmem>>, vector<16xf32>,
        %mul3A_268 = arith.constant 512 : i32
        %mul3A_269 = arith.muli %while3A_147, %mul3A_268 : i32
        %add3A_270 = arith.constant 320 : i32
        %add3A_271 = arith.addi %mul3A_269, %add3A_270 : i32
        %swap3A_272 = arith.index_cast %add3A_271 : i32 to index
        %swap3A_273 = tpu.vector_load %arg19[%swap3A_272] {strides = array<i32>} : memref<16384xf32, #tpu.memory_space<vmem>>, vector<16xf32>,
        tpu.vector_store %arg19[%swap3A_272], %broadcast_in_dim3A_62 {strides = array<i32>} : memref<16384xf32, #tpu.memory_space<vmem>>, vector<16xf32>,
        %mul3A_274 = arith.constant 512 : i32
        %mul3A_275 = arith.muli %while3A_147, %mul3A_274 : i32
        %add3A_276 = arith.constant 336 : i32
        %add3A_277 = arith.addi %mul3A_275, %add3A_276 : i32
        %swap3A_278 = arith.index_cast %add3A_277 : i32 to index
        %swap3A_279 = tpu.vector_load %arg19[%swap3A_278] {strides = array<i32>} : memref<16384xf32, #tpu.memory_space<vmem>>, vector<16xf32>,
        tpu.vector_store %arg19[%swap3A_278], %broadcast_in_dim3A_62 {strides = array<i32>} : memref<16384xf32, #tpu.memory_space<vmem>>, vector<16xf32>,
        %mul3A_280 = arith.constant 512 : i32
        %mul3A_281 = arith.muli %while3A_147, %mul3A_280 : i32
        %add3A_282 = arith.constant 352 : i32
        %add3A_283 = arith.addi %mul3A_281, %add3A_282 : i32
        %swap3A_284 = arith.index_cast %add3A_283 : i32 to index
        %swap3A_285 = tpu.vector_load %arg19[%swap3A_284] {strides = array<i32>} : memref<16384xf32, #tpu.memory_space<vmem>>, vector<16xf32>,
        tpu.vector_store %arg19[%swap3A_284], %broadcast_in_dim3A_62 {strides = array<i32>} : memref<16384xf32, #tpu.memory_space<vmem>>, vector<16xf32>,
        %mul3A_286 = arith.constant 512 : i32
        %mul3A_287 = arith.muli %while3A_147, %mul3A_286 : i32
        %add3A_288 = arith.constant 368 : i32
        %add3A_289 = arith.addi %mul3A_287, %add3A_288 : i32
        %swap3A_290 = arith.index_cast %add3A_289 : i32 to index
        %swap3A_291 = tpu.vector_load %arg19[%swap3A_290] {strides = array<i32>} : memref<16384xf32, #tpu.memory_space<vmem>>, vector<16xf32>,
        tpu.vector_store %arg19[%swap3A_290], %broadcast_in_dim3A_62 {strides = array<i32>} : memref<16384xf32, #tpu.memory_space<vmem>>, vector<16xf32>,
        %mul3A_292 = arith.constant 512 : i32
        %mul3A_293 = arith.muli %while3A_147, %mul3A_292 : i32
        %add3A_294 = arith.constant 384 : i32
        %add3A_295 = arith.addi %mul3A_293, %add3A_294 : i32
        %swap3A_296 = arith.index_cast %add3A_295 : i32 to index
        %swap3A_297 = tpu.vector_load %arg19[%swap3A_296] {strides = array<i32>} : memref<16384xf32, #tpu.memory_space<vmem>>, vector<16xf32>,
        tpu.vector_store %arg19[%swap3A_296], %broadcast_in_dim3A_62 {strides = array<i32>} : memref<16384xf32, #tpu.memory_space<vmem>>, vector<16xf32>,
        %mul3A_298 = arith.constant 512 : i32
        %mul3A_299 = arith.muli %while3A_147, %mul3A_298 : i32
        %add3A_300 = arith.constant 400 : i32
        %add3A_301 = arith.addi %mul3A_299, %add3A_300 : i32
        %swap3A_302 = arith.index_cast %add3A_301 : i32 to index
        %swap3A_303 = tpu.vector_load %arg19[%swap3A_302] {strides = array<i32>} : memref<16384xf32, #tpu.memory_space<vmem>>, vector<16xf32>,
        tpu.vector_store %arg19[%swap3A_302], %broadcast_in_dim3A_62 {strides = array<i32>} : memref<16384xf32, #tpu.memory_space<vmem>>, vector<16xf32>,
        %mul3A_304 = arith.constant 512 : i32
        %mul3A_305 = arith.muli %while3A_147, %mul3A_304 : i32
        %add3A_306 = arith.constant 416 : i32
        %add3A_307 = arith.addi %mul3A_305, %add3A_306 : i32
        %swap3A_308 = arith.index_cast %add3A_307 : i32 to index
        %swap3A_309 = tpu.vector_load %arg19[%swap3A_308] {strides = array<i32>} : memref<16384xf32, #tpu.memory_space<vmem>>, vector<16xf32>,
        tpu.vector_store %arg19[%swap3A_308], %broadcast_in_dim3A_62 {strides = array<i32>} : memref<16384xf32, #tpu.memory_space<vmem>>, vector<16xf32>,
        %mul3A_310 = arith.constant 512 : i32
        %mul3A_311 = arith.muli %while3A_147, %mul3A_310 : i32
        %add3A_312 = arith.constant 432 : i32
        %add3A_313 = arith.addi %mul3A_311, %add3A_312 : i32
        %swap3A_314 = arith.index_cast %add3A_313 : i32 to index
        %swap3A_315 = tpu.vector_load %arg19[%swap3A_314] {strides = array<i32>} : memref<16384xf32, #tpu.memory_space<vmem>>, vector<16xf32>,
        tpu.vector_store %arg19[%swap3A_314], %broadcast_in_dim3A_62 {strides = array<i32>} : memref<16384xf32, #tpu.memory_space<vmem>>, vector<16xf32>,
        %mul3A_316 = arith.constant 512 : i32
        %mul3A_317 = arith.muli %while3A_147, %mul3A_316 : i32
        %add3A_318 = arith.constant 448 : i32
        %add3A_319 = arith.addi %mul3A_317, %add3A_318 : i32
        %swap3A_320 = arith.index_cast %add3A_319 : i32 to index
        %swap3A_321 = tpu.vector_load %arg19[%swap3A_320] {strides = array<i32>} : memref<16384xf32, #tpu.memory_space<vmem>>, vector<16xf32>,
        tpu.vector_store %arg19[%swap3A_320], %broadcast_in_dim3A_62 {strides = array<i32>} : memref<16384xf32, #tpu.memory_space<vmem>>, vector<16xf32>,
        %mul3A_322 = arith.constant 512 : i32
        %mul3A_323 = arith.muli %while3A_147, %mul3A_322 : i32
        %add3A_324 = arith.constant 464 : i32
        %add3A_325 = arith.addi %mul3A_323, %add3A_324 : i32
        %swap3A_326 = arith.index_cast %add3A_325 : i32 to index
        %swap3A_327 = tpu.vector_load %arg19[%swap3A_326] {strides = array<i32>} : memref<16384xf32, #tpu.memory_space<vmem>>, vector<16xf32>,
        tpu.vector_store %arg19[%swap3A_326], %broadcast_in_dim3A_62 {strides = array<i32>} : memref<16384xf32, #tpu.memory_space<vmem>>, vector<16xf32>,
        %mul3A_328 = arith.constant 512 : i32
        %mul3A_329 = arith.muli %while3A_147, %mul3A_328 : i32
        %add3A_330 = arith.constant 480 : i32
        %add3A_331 = arith.addi %mul3A_329, %add3A_330 : i32
        %swap3A_332 = arith.index_cast %add3A_331 : i32 to index
        %swap3A_333 = tpu.vector_load %arg19[%swap3A_332] {strides = array<i32>} : memref<16384xf32, #tpu.memory_space<vmem>>, vector<16xf32>,
        tpu.vector_store %arg19[%swap3A_332], %broadcast_in_dim3A_62 {strides = array<i32>} : memref<16384xf32, #tpu.memory_space<vmem>>, vector<16xf32>,
        %mul3A_334 = arith.constant 512 : i32
        %mul3A_335 = arith.muli %while3A_147, %mul3A_334 : i32
        %add3A_336 = arith.constant 496 : i32
        %add3A_337 = arith.addi %mul3A_335, %add3A_336 : i32
        %swap3A_338 = arith.index_cast %add3A_337 : i32 to index
        %swap3A_339 = tpu.vector_load %arg19[%swap3A_338] {strides = array<i32>} : memref<16384xf32, #tpu.memory_space<vmem>>, vector<16xf32>,
        tpu.vector_store %arg19[%swap3A_338], %broadcast_in_dim3A_62 {strides = array<i32>} : memref<16384xf32, #tpu.memory_space<vmem>>, vector<16xf32>,
      }
    } else {
    }
    %barrier3A = arith.constant 0 : index
    tpu.barrier barrier_id(%barrier3A)
    %scan3A_126 = arith.constant 0 : i32
    %scan3A_127 = arith.constant 5 : i32
    %scan3A_128 = arith.addi %scan3A_126, %scan3A_127 : i32
    %scan3A_129 = arith.constant 1 : i32
    scf.for %scan3A_139 = %scan3A_126 to %scan3A_128 step %scan3A_129  : i32 {
      %mul3A_140 = arith.constant 5 : i32
      %mul3A_141 = arith.muli %mul3A_140, %scan3A_139 : i32
      %add3A_142 = arith.constant 0 : i32
      %add3A_143 = arith.addi %mul3A_141, %add3A_142 : i32
      %add3A_144 = arith.constant 5 : i32
      %add3A_145 = arith.addi %add3A_143, %add3A_144 : i32
      %sub3A_146 = arith.constant 1 : i32
      %sub3A_147 = arith.subi %add3A_145, %sub3A_146 : i32
      %lt3A_148 = arith.constant 25 : i32
      %lt3A_149 = arith.cmpi slt, %sub3A_147, %lt3A_148 : i32
      %convert_element_type3A_150 = arith.extui %lt3A_149 : i1 to i32
      %cond3A_151 = arith.constant 0 : i32
      %cond3A_152 = arith.cmpi ne, %convert_element_type3A_150, %cond3A_151 : i32
      scf.if %cond3A_152 {
        %add3A_318 = arith.constant 5 : i32
        %add3A_319 = arith.addi %add3A_143, %add3A_318 : i32
        %sub3A_320 = arith.constant 1 : i32
        %sub3A_321 = arith.subi %add3A_319, %sub3A_320 : i32
        %mul3A_322 = arith.constant 8000 : i32
        %mul3A_323 = arith.muli %sub3A_321, %mul3A_322 : i32
        %add3A_324 = arith.addi %mul3A_2, %mul3A_323 : i32
        %dma_start3A_325 = arith.constant 0 : i32
        %dma_start3A_326 = tpu.memref_slice %arg9[%dma_start3A_325] : memref<8016xf32, #tpu.memory_space<vmem>> -> memref<8000xf32, #tpu.memory_space<vmem>>
        %dma_start3A_327 = tpu.memref_slice %arg2[%add3A_324] : memref<6400000xf32, #tpu.memory_space<hbm>> -> memref<8000xf32, #tpu.memory_space<hbm>>
        %dma_start3A_328 = arith.constant 0 : i32
        %dma_start3A_329 = tpu.memref_slice %arg9[%dma_start3A_328] : memref<8016xf32, #tpu.memory_space<vmem>> -> memref<8000xf32, #tpu.memory_space<vmem>>
        %dma_start3A_330 = tpu.memref_slice %arg2[%add3A_324] : memref<6400000xf32, #tpu.memory_space<hbm>> -> memref<8000xf32, #tpu.memory_space<hbm>>
        tpu.enqueue_dma source(%dma_start3A_330 : memref<8000xf32, #tpu.memory_space<hbm>>) target(%dma_start3A_329 : memref<8000xf32, #tpu.memory_space<vmem>>) target_semaphore(%arg25 : memref<!tpu.dma_semaphore, #tpu.memory_space<semaphore_mem>>)
        %dma_start3A_331 = arith.constant 0 : i32
        %dma_start3A_332 = tpu.memref_slice %arg14[%dma_start3A_331] : memref<8016xi32, #tpu.memory_space<vmem>> -> memref<8000xi32, #tpu.memory_space<vmem>>
        %dma_start3A_333 = tpu.memref_slice %arg3[%add3A_324] : memref<6400000xi32, #tpu.memory_space<hbm>> -> memref<8000xi32, #tpu.memory_space<hbm>>
        %dma_start3A_334 = arith.constant 0 : i32
        %dma_start3A_335 = tpu.memref_slice %arg14[%dma_start3A_334] : memref<8016xi32, #tpu.memory_space<vmem>> -> memref<8000xi32, #tpu.memory_space<vmem>>
        %dma_start3A_336 = tpu.memref_slice %arg3[%add3A_324] : memref<6400000xi32, #tpu.memory_space<hbm>> -> memref<8000xi32, #tpu.memory_space<hbm>>
        tpu.enqueue_dma source(%dma_start3A_336 : memref<8000xi32, #tpu.memory_space<hbm>>) target(%dma_start3A_335 : memref<8000xi32, #tpu.memory_space<vmem>>) target_semaphore(%arg25 : memref<!tpu.dma_semaphore, #tpu.memory_space<semaphore_mem>>)
      } else {
      }
      %mul3A_153 = arith.constant 8000 : i32
      %mul3A_154 = arith.muli %add3A_143, %mul3A_153 : i32
      %add3A_155 = arith.addi %mul3A_2, %mul3A_154 : i32
      %dma_wait3A = arith.constant 0 : i32
      %dma_wait3A_156 = tpu.memref_slice %arg5[%dma_wait3A] : memref<8016xf32, #tpu.memory_space<vmem>> -> memref<8000xf32, #tpu.memory_space<vmem>>
      %dma_wait3A_157 = tpu.memref_slice %arg2[%add3A_155] : memref<6400000xf32, #tpu.memory_space<hbm>> -> memref<8000xf32, #tpu.memory_space<hbm>>
      %dma_wait3A_158 = arith.constant 0 : i32
      %dma_wait3A_159 = tpu.memref_slice %arg5[%dma_wait3A_158] : memref<8016xf32, #tpu.memory_space<vmem>> -> memref<8000xf32, #tpu.memory_space<vmem>>
      %dma_wait3A_160 = tpu.memref_slice %arg2[%add3A_155] : memref<6400000xf32, #tpu.memory_space<hbm>> -> memref<8000xf32, #tpu.memory_space<hbm>>
      tpu.wait_dma2 semaphore(%arg21 : memref<!tpu.dma_semaphore, #tpu.memory_space<semaphore_mem>>) src(%dma_wait3A_160 : memref<8000xf32, #tpu.memory_space<hbm>>) dst(%dma_wait3A_159 : memref<8000xf32, #tpu.memory_space<vmem>>)
      %dma_wait3A_161 = arith.constant 0 : i32
      %dma_wait3A_162 = tpu.memref_slice %arg10[%dma_wait3A_161] : memref<8016xi32, #tpu.memory_space<vmem>> -> memref<8000xi32, #tpu.memory_space<vmem>>
      %dma_wait3A_163 = tpu.memref_slice %arg3[%add3A_155] : memref<6400000xi32, #tpu.memory_space<hbm>> -> memref<8000xi32, #tpu.memory_space<hbm>>
      %dma_wait3A_164 = arith.constant 0 : i32
      %dma_wait3A_165 = tpu.memref_slice %arg10[%dma_wait3A_164] : memref<8016xi32, #tpu.memory_space<vmem>> -> memref<8000xi32, #tpu.memory_space<vmem>>
      %dma_wait3A_166 = tpu.memref_slice %arg3[%add3A_155] : memref<6400000xi32, #tpu.memory_space<hbm>> -> memref<8000xi32, #tpu.memory_space<hbm>>
      tpu.wait_dma2 semaphore(%arg21 : memref<!tpu.dma_semaphore, #tpu.memory_space<semaphore_mem>>) src(%dma_wait3A_166 : memref<8000xi32, #tpu.memory_space<hbm>>) dst(%dma_wait3A_165 : memref<8000xi32, #tpu.memory_space<vmem>>)
      %convert_element_type3A_167 = arith.extui %le3A_105 : i1 to i32
      %cond3A_168 = arith.constant 0 : i32
      %cond3A_169 = arith.cmpi ne, %convert_element_type3A_167, %cond3A_168 : i32
      scf.if %cond3A_169 {
        %parallel_loop3A = arith.constant 0 : i32
        %parallel_loop3A_318 = arith.constant 500 : i32
        %parallel_loop3A_319 = arith.constant 1 : i32
        scf.for %parallel_loop3A_320 = %parallel_loop3A to %parallel_loop3A_318 step %parallel_loop3A_319  : i32 {
          %parallel_loop3A_321 = arith.constant 16 : i32
          %parallel_loop3A_322 = arith.muli %parallel_loop3A_321, %parallel_loop3A_320 : i32
          %parallel_loop3A_323 = arith.index_cast %parallel_loop3A_322 : i32 to index
          %parallel_loop3A_324 = tpu.vector_load %arg5[%parallel_loop3A_323] {strides = array<i32>} : memref<8016xf32, #tpu.memory_space<vmem>>, vector<16xf32>,
          %parallel_loop3A_325 = arith.constant 16 : i32
          %parallel_loop3A_326 = arith.muli %parallel_loop3A_325, %parallel_loop3A_320 : i32
          %parallel_loop3A_327 = arith.index_cast %parallel_loop3A_326 : i32 to index
          %parallel_loop3A_328 = tpu.vector_load %arg10[%parallel_loop3A_327] {strides = array<i32>} : memref<8016xi32, #tpu.memory_space<vmem>>, vector<16xi32>,
          %parallel_loop3A_329 = arith.constant 16 : i32
          %parallel_loop3A_330 = arith.muli %parallel_loop3A_329, %parallel_loop3A_320 : i32
          %parallel_loop3A_331 = arith.constant 1 : i32
          %parallel_loop3A_332 = arith.addi %parallel_loop3A_330, %parallel_loop3A_331 : i32
          %parallel_loop3A_333 = arith.index_cast %parallel_loop3A_332 : i32 to index
          %parallel_loop3A_334 = tpu.vector_load %arg10[%parallel_loop3A_333] {strides = array<i32>} : memref<8016xi32, #tpu.memory_space<vmem>>, vector<16xi32>,
          %parallel_loop3A_335 = arith.constant true
          %parallel_loop3A_336 = vector.broadcast %parallel_loop3A_335 : i1 to vector<16xi1>
          %parallel_loop3A_337 = tpu.scan <sum>, %parallel_loop3A_324 masked %parallel_loop3A_336 : vector<16xf32>, vector<16xi1> -> vector<16xf32>
          %parallel_loop3A_338 = arith.cmpi ne, %parallel_loop3A_328, %parallel_loop3A_334 : vector<16xi32>
          %parallel_loop3A_339 = arith.andi %parallel_loop3A_338, %lt3A_59 : vector<16xi1>
          %parallel_loop3A_340 = arith.ori %parallel_loop3A_339, %eq3A_61 : vector<16xi1>
          %parallel_loop3A_341 = vector.broadcast %squeeze3A : i32 to vector<16xi32>
          %parallel_loop3A_342 = arith.subi %parallel_loop3A_328, %parallel_loop3A_341 : vector<16xi32>
          tpu.vector_store_idx %arg19[%parallel_loop3A_342], %parallel_loop3A_337 masked %parallel_loop3A_340 {add = true} : memref<16384xf32, #tpu.memory_space<vmem>>[vector<16xi32>], vector<16xf32>, vector<16xi1>
          %parallel_loop3A_343 = vector.broadcast %squeeze3A : i32 to vector<16xi32>
          %parallel_loop3A_344 = arith.subi %parallel_loop3A_334, %parallel_loop3A_343 : vector<16xi32>
          %parallel_loop3A_345 = arith.constant 0.000000e+00 : f32
          %parallel_loop3A_346 = vector.broadcast %parallel_loop3A_345 : f32 to vector<16xf32>
          %parallel_loop3A_347 = arith.subf %parallel_loop3A_346, %parallel_loop3A_337 : vector<16xf32>
          tpu.vector_store_idx %arg19[%parallel_loop3A_344], %parallel_loop3A_347 masked %parallel_loop3A_339 {add = true} : memref<16384xf32, #tpu.memory_space<vmem>>[vector<16xi32>], vector<16xf32>, vector<16xi1>
        } {sc.loop_unroll_factor = 5 : i64, sc.parallel_access}
      } else {
      }
      %not3A = arith.constant true
      %not3A_170 = arith.xori %le3A_105, %not3A : i1
      %convert_element_type3A_171 = arith.extui %not3A_170 : i1 to i32
      %cond3A_172 = arith.constant 0 : i32
      %cond3A_173 = arith.cmpi ne, %convert_element_type3A_171, %cond3A_172 : i32
      scf.if %cond3A_173 {
        %dma_start3A_318 = arith.constant 0 : i32
        %dma_start3A_319 = tpu.memref_slice %arg20[%dma_start3A_318] : memref<100352xf32, #tpu.memory_space<vmem_shared>> -> memref<100352xf32, #tpu.memory_space<vmem_shared>>
        tpu.enqueue_indirect_dma source(%arg5 : memref<8016xf32, #tpu.memory_space<vmem>>) target(%dma_start3A_319 : memref<100352xf32, #tpu.memory_space<vmem_shared>>) offsets(%arg10 : memref<8016xi32, #tpu.memory_space<vmem>>) semaphore(%arg26 : memref<!tpu.dma_semaphore, #tpu.memory_space<semaphore_mem>>) {add = true}
        %dma_wait3A_320 = arith.constant 0 : i32
        %dma_wait3A_321 = tpu.memref_slice %arg20[%dma_wait3A_320] : memref<100352xf32, #tpu.memory_space<vmem_shared>> -> memref<100352xf32, #tpu.memory_space<vmem_shared>>
        tpu.wait_indirect_dma semaphore(%arg26 : memref<!tpu.dma_semaphore, #tpu.memory_space<semaphore_mem>>) src(%arg5 : memref<8016xf32, #tpu.memory_space<vmem>>) dst(%dma_wait3A_321 : memref<100352xf32, #tpu.memory_space<vmem_shared>>)
      } else {
      }
      %mul3A_174 = arith.constant 5 : i32
      %mul3A_175 = arith.muli %mul3A_174, %scan3A_139 : i32
      %add3A_176 = arith.constant 1 : i32
      %add3A_177 = arith.addi %mul3A_175, %add3A_176 : i32
      %add3A_178 = arith.constant 5 : i32
      %add3A_179 = arith.addi %add3A_177, %add3A_178 : i32
      %sub3A_180 = arith.constant 1 : i32
      %sub3A_181 = arith.subi %add3A_179, %sub3A_180 : i32
      %lt3A_182 = arith.constant 25 : i32
      %lt3A_183 = arith.cmpi slt, %sub3A_181, %lt3A_182 : i32
      %convert_element_type3A_184 = arith.extui %lt3A_183 : i1 to i32
      %cond3A_185 = arith.constant 0 : i32
      %cond3A_186 = arith.cmpi ne, %convert_element_type3A_184, %cond3A_185 : i32
      scf.if %cond3A_186 {
        %add3A_318 = arith.constant 5 : i32
        %add3A_319 = arith.addi %add3A_177, %add3A_318 : i32
        %sub3A_320 = arith.constant 1 : i32
        %sub3A_321 = arith.subi %add3A_319, %sub3A_320 : i32
        %mul3A_322 = arith.constant 8000 : i32
        %mul3A_323 = arith.muli %sub3A_321, %mul3A_322 : i32
        %add3A_324 = arith.addi %mul3A_2, %mul3A_323 : i32
        %dma_start3A_325 = arith.constant 0 : i32
        %dma_start3A_326 = tpu.memref_slice %arg5[%dma_start3A_325] : memref<8016xf32, #tpu.memory_space<vmem>> -> memref<8000xf32, #tpu.memory_space<vmem>>
        %dma_start3A_327 = tpu.memref_slice %arg2[%add3A_324] : memref<6400000xf32, #tpu.memory_space<hbm>> -> memref<8000xf32, #tpu.memory_space<hbm>>
        %dma_start3A_328 = arith.constant 0 : i32
        %dma_start3A_329 = tpu.memref_slice %arg5[%dma_start3A_328] : memref<8016xf32, #tpu.memory_space<vmem>> -> memref<8000xf32, #tpu.memory_space<vmem>>
        %dma_start3A_330 = tpu.memref_slice %arg2[%add3A_324] : memref<6400000xf32, #tpu.memory_space<hbm>> -> memref<8000xf32, #tpu.memory_space<hbm>>
        tpu.enqueue_dma source(%dma_start3A_330 : memref<8000xf32, #tpu.memory_space<hbm>>) target(%dma_start3A_329 : memref<8000xf32, #tpu.memory_space<vmem>>) target_semaphore(%arg21 : memref<!tpu.dma_semaphore, #tpu.memory_space<semaphore_mem>>)
        %dma_start3A_331 = arith.constant 0 : i32
        %dma_start3A_332 = tpu.memref_slice %arg10[%dma_start3A_331] : memref<8016xi32, #tpu.memory_space<vmem>> -> memref<8000xi32, #tpu.memory_space<vmem>>
        %dma_start3A_333 = tpu.memref_slice %arg3[%add3A_324] : memref<6400000xi32, #tpu.memory_space<hbm>> -> memref<8000xi32, #tpu.memory_space<hbm>>
        %dma_start3A_334 = arith.constant 0 : i32
        %dma_start3A_335 = tpu.memref_slice %arg10[%dma_start3A_334] : memref<8016xi32, #tpu.memory_space<vmem>> -> memref<8000xi32, #tpu.memory_space<vmem>>
        %dma_start3A_336 = tpu.memref_slice %arg3[%add3A_324] : memref<6400000xi32, #tpu.memory_space<hbm>> -> memref<8000xi32, #tpu.memory_space<hbm>>
        tpu.enqueue_dma source(%dma_start3A_336 : memref<8000xi32, #tpu.memory_space<hbm>>) target(%dma_start3A_335 : memref<8000xi32, #tpu.memory_space<vmem>>) target_semaphore(%arg21 : memref<!tpu.dma_semaphore, #tpu.memory_space<semaphore_mem>>)
      } else {
      }
      %mul3A_187 = arith.constant 8000 : i32
      %mul3A_188 = arith.muli %add3A_177, %mul3A_187 : i32
      %add3A_189 = arith.addi %mul3A_2, %mul3A_188 : i32
      %dma_wait3A_190 = arith.constant 0 : i32
      %dma_wait3A_191 = tpu.memref_slice %arg6[%dma_wait3A_190] : memref<8016xf32, #tpu.memory_space<vmem>> -> memref<8000xf32, #tpu.memory_space<vmem>>
      %dma_wait3A_192 = tpu.memref_slice %arg2[%add3A_189] : memref<6400000xf32, #tpu.memory_space<hbm>> -> memref<8000xf32, #tpu.memory_space<hbm>>
      %dma_wait3A_193 = arith.constant 0 : i32
      %dma_wait3A_194 = tpu.memref_slice %arg6[%dma_wait3A_193] : memref<8016xf32, #tpu.memory_space<vmem>> -> memref<8000xf32, #tpu.memory_space<vmem>>
      %dma_wait3A_195 = tpu.memref_slice %arg2[%add3A_189] : memref<6400000xf32, #tpu.memory_space<hbm>> -> memref<8000xf32, #tpu.memory_space<hbm>>
      tpu.wait_dma2 semaphore(%arg22 : memref<!tpu.dma_semaphore, #tpu.memory_space<semaphore_mem>>) src(%dma_wait3A_195 : memref<8000xf32, #tpu.memory_space<hbm>>) dst(%dma_wait3A_194 : memref<8000xf32, #tpu.memory_space<vmem>>)
      %dma_wait3A_196 = arith.constant 0 : i32
      %dma_wait3A_197 = tpu.memref_slice %arg11[%dma_wait3A_196] : memref<8016xi32, #tpu.memory_space<vmem>> -> memref<8000xi32, #tpu.memory_space<vmem>>
      %dma_wait3A_198 = tpu.memref_slice %arg3[%add3A_189] : memref<6400000xi32, #tpu.memory_space<hbm>> -> memref<8000xi32, #tpu.memory_space<hbm>>
      %dma_wait3A_199 = arith.constant 0 : i32
      %dma_wait3A_200 = tpu.memref_slice %arg11[%dma_wait3A_199] : memref<8016xi32, #tpu.memory_space<vmem>> -> memref<8000xi32, #tpu.memory_space<vmem>>
      %dma_wait3A_201 = tpu.memref_slice %arg3[%add3A_189] : memref<6400000xi32, #tpu.memory_space<hbm>> -> memref<8000xi32, #tpu.memory_space<hbm>>
      tpu.wait_dma2 semaphore(%arg22 : memref<!tpu.dma_semaphore, #tpu.memory_space<semaphore_mem>>) src(%dma_wait3A_201 : memref<8000xi32, #tpu.memory_space<hbm>>) dst(%dma_wait3A_200 : memref<8000xi32, #tpu.memory_space<vmem>>)
      %convert_element_type3A_202 = arith.extui %le3A_105 : i1 to i32
      %cond3A_203 = arith.constant 0 : i32
      %cond3A_204 = arith.cmpi ne, %convert_element_type3A_202, %cond3A_203 : i32
      scf.if %cond3A_204 {
        %parallel_loop3A = arith.constant 0 : i32
        %parallel_loop3A_318 = arith.constant 500 : i32
        %parallel_loop3A_319 = arith.constant 1 : i32
        scf.for %parallel_loop3A_320 = %parallel_loop3A to %parallel_loop3A_318 step %parallel_loop3A_319  : i32 {
          %parallel_loop3A_321 = arith.constant 16 : i32
          %parallel_loop3A_322 = arith.muli %parallel_loop3A_321, %parallel_loop3A_320 : i32
          %parallel_loop3A_323 = arith.index_cast %parallel_loop3A_322 : i32 to index
          %parallel_loop3A_324 = tpu.vector_load %arg6[%parallel_loop3A_323] {strides = array<i32>} : memref<8016xf32, #tpu.memory_space<vmem>>, vector<16xf32>,
          %parallel_loop3A_325 = arith.constant 16 : i32
          %parallel_loop3A_326 = arith.muli %parallel_loop3A_325, %parallel_loop3A_320 : i32
          %parallel_loop3A_327 = arith.index_cast %parallel_loop3A_326 : i32 to index
          %parallel_loop3A_328 = tpu.vector_load %arg11[%parallel_loop3A_327] {strides = array<i32>} : memref<8016xi32, #tpu.memory_space<vmem>>, vector<16xi32>,
          %parallel_loop3A_329 = arith.constant 16 : i32
          %parallel_loop3A_330 = arith.muli %parallel_loop3A_329, %parallel_loop3A_320 : i32
          %parallel_loop3A_331 = arith.constant 1 : i32
          %parallel_loop3A_332 = arith.addi %parallel_loop3A_330, %parallel_loop3A_331 : i32
          %parallel_loop3A_333 = arith.index_cast %parallel_loop3A_332 : i32 to index
          %parallel_loop3A_334 = tpu.vector_load %arg11[%parallel_loop3A_333] {strides = array<i32>} : memref<8016xi32, #tpu.memory_space<vmem>>, vector<16xi32>,
          %parallel_loop3A_335 = arith.constant true
          %parallel_loop3A_336 = vector.broadcast %parallel_loop3A_335 : i1 to vector<16xi1>
          %parallel_loop3A_337 = tpu.scan <sum>, %parallel_loop3A_324 masked %parallel_loop3A_336 : vector<16xf32>, vector<16xi1> -> vector<16xf32>
          %parallel_loop3A_338 = arith.cmpi ne, %parallel_loop3A_328, %parallel_loop3A_334 : vector<16xi32>
          %parallel_loop3A_339 = arith.andi %parallel_loop3A_338, %lt3A_59 : vector<16xi1>
          %parallel_loop3A_340 = arith.ori %parallel_loop3A_339, %eq3A_61 : vector<16xi1>
          %parallel_loop3A_341 = vector.broadcast %squeeze3A : i32 to vector<16xi32>
          %parallel_loop3A_342 = arith.subi %parallel_loop3A_328, %parallel_loop3A_341 : vector<16xi32>
          tpu.vector_store_idx %arg19[%parallel_loop3A_342], %parallel_loop3A_337 masked %parallel_loop3A_340 {add = true} : memref<16384xf32, #tpu.memory_space<vmem>>[vector<16xi32>], vector<16xf32>, vector<16xi1>
          %parallel_loop3A_343 = vector.broadcast %squeeze3A : i32 to vector<16xi32>
          %parallel_loop3A_344 = arith.subi %parallel_loop3A_334, %parallel_loop3A_343 : vector<16xi32>
          %parallel_loop3A_345 = arith.constant 0.000000e+00 : f32
          %parallel_loop3A_346 = vector.broadcast %parallel_loop3A_345 : f32 to vector<16xf32>
          %parallel_loop3A_347 = arith.subf %parallel_loop3A_346, %parallel_loop3A_337 : vector<16xf32>
          tpu.vector_store_idx %arg19[%parallel_loop3A_344], %parallel_loop3A_347 masked %parallel_loop3A_339 {add = true} : memref<16384xf32, #tpu.memory_space<vmem>>[vector<16xi32>], vector<16xf32>, vector<16xi1>
        } {sc.loop_unroll_factor = 5 : i64, sc.parallel_access}
      } else {
      }
      %not3A_205 = arith.constant true
      %not3A_206 = arith.xori %le3A_105, %not3A_205 : i1
      %convert_element_type3A_207 = arith.extui %not3A_206 : i1 to i32
      %cond3A_208 = arith.constant 0 : i32
      %cond3A_209 = arith.cmpi ne, %convert_element_type3A_207, %cond3A_208 : i32
      scf.if %cond3A_209 {
        %dma_start3A_318 = arith.constant 0 : i32
        %dma_start3A_319 = tpu.memref_slice %arg20[%dma_start3A_318] : memref<100352xf32, #tpu.memory_space<vmem_shared>> -> memref<100352xf32, #tpu.memory_space<vmem_shared>>
        tpu.enqueue_indirect_dma source(%arg6 : memref<8016xf32, #tpu.memory_space<vmem>>) target(%dma_start3A_319 : memref<100352xf32, #tpu.memory_space<vmem_shared>>) offsets(%arg11 : memref<8016xi32, #tpu.memory_space<vmem>>) semaphore(%arg26 : memref<!tpu.dma_semaphore, #tpu.memory_space<semaphore_mem>>) {add = true}
        %dma_wait3A_320 = arith.constant 0 : i32
        %dma_wait3A_321 = tpu.memref_slice %arg20[%dma_wait3A_320] : memref<100352xf32, #tpu.memory_space<vmem_shared>> -> memref<100352xf32, #tpu.memory_space<vmem_shared>>
        tpu.wait_indirect_dma semaphore(%arg26 : memref<!tpu.dma_semaphore, #tpu.memory_space<semaphore_mem>>) src(%arg6 : memref<8016xf32, #tpu.memory_space<vmem>>) dst(%dma_wait3A_321 : memref<100352xf32, #tpu.memory_space<vmem_shared>>)
      } else {
      }
      %mul3A_210 = arith.constant 5 : i32
      %mul3A_211 = arith.muli %mul3A_210, %scan3A_139 : i32
      %add3A_212 = arith.constant 2 : i32
      %add3A_213 = arith.addi %mul3A_211, %add3A_212 : i32
      %add3A_214 = arith.constant 5 : i32
      %add3A_215 = arith.addi %add3A_213, %add3A_214 : i32
      %sub3A_216 = arith.constant 1 : i32
      %sub3A_217 = arith.subi %add3A_215, %sub3A_216 : i32
      %lt3A_218 = arith.constant 25 : i32
      %lt3A_219 = arith.cmpi slt, %sub3A_217, %lt3A_218 : i32
      %convert_element_type3A_220 = arith.extui %lt3A_219 : i1 to i32
      %cond3A_221 = arith.constant 0 : i32
      %cond3A_222 = arith.cmpi ne, %convert_element_type3A_220, %cond3A_221 : i32
      scf.if %cond3A_222 {
        %add3A_318 = arith.constant 5 : i32
        %add3A_319 = arith.addi %add3A_213, %add3A_318 : i32
        %sub3A_320 = arith.constant 1 : i32
        %sub3A_321 = arith.subi %add3A_319, %sub3A_320 : i32
        %mul3A_322 = arith.constant 8000 : i32
        %mul3A_323 = arith.muli %sub3A_321, %mul3A_322 : i32
        %add3A_324 = arith.addi %mul3A_2, %mul3A_323 : i32
        %dma_start3A_325 = arith.constant 0 : i32
        %dma_start3A_326 = tpu.memref_slice %arg6[%dma_start3A_325] : memref<8016xf32, #tpu.memory_space<vmem>> -> memref<8000xf32, #tpu.memory_space<vmem>>
        %dma_start3A_327 = tpu.memref_slice %arg2[%add3A_324] : memref<6400000xf32, #tpu.memory_space<hbm>> -> memref<8000xf32, #tpu.memory_space<hbm>>
        %dma_start3A_328 = arith.constant 0 : i32
        %dma_start3A_329 = tpu.memref_slice %arg6[%dma_start3A_328] : memref<8016xf32, #tpu.memory_space<vmem>> -> memref<8000xf32, #tpu.memory_space<vmem>>
        %dma_start3A_330 = tpu.memref_slice %arg2[%add3A_324] : memref<6400000xf32, #tpu.memory_space<hbm>> -> memref<8000xf32, #tpu.memory_space<hbm>>
        tpu.enqueue_dma source(%dma_start3A_330 : memref<8000xf32, #tpu.memory_space<hbm>>) target(%dma_start3A_329 : memref<8000xf32, #tpu.memory_space<vmem>>) target_semaphore(%arg22 : memref<!tpu.dma_semaphore, #tpu.memory_space<semaphore_mem>>)
        %dma_start3A_331 = arith.constant 0 : i32
        %dma_start3A_332 = tpu.memref_slice %arg11[%dma_start3A_331] : memref<8016xi32, #tpu.memory_space<vmem>> -> memref<8000xi32, #tpu.memory_space<vmem>>
        %dma_start3A_333 = tpu.memref_slice %arg3[%add3A_324] : memref<6400000xi32, #tpu.memory_space<hbm>> -> memref<8000xi32, #tpu.memory_space<hbm>>
        %dma_start3A_334 = arith.constant 0 : i32
        %dma_start3A_335 = tpu.memref_slice %arg11[%dma_start3A_334] : memref<8016xi32, #tpu.memory_space<vmem>> -> memref<8000xi32, #tpu.memory_space<vmem>>
        %dma_start3A_336 = tpu.memref_slice %arg3[%add3A_324] : memref<6400000xi32, #tpu.memory_space<hbm>> -> memref<8000xi32, #tpu.memory_space<hbm>>
        tpu.enqueue_dma source(%dma_start3A_336 : memref<8000xi32, #tpu.memory_space<hbm>>) target(%dma_start3A_335 : memref<8000xi32, #tpu.memory_space<vmem>>) target_semaphore(%arg22 : memref<!tpu.dma_semaphore, #tpu.memory_space<semaphore_mem>>)
      } else {
      }
      %mul3A_223 = arith.constant 8000 : i32
      %mul3A_224 = arith.muli %add3A_213, %mul3A_223 : i32
      %add3A_225 = arith.addi %mul3A_2, %mul3A_224 : i32
      %dma_wait3A_226 = arith.constant 0 : i32
      %dma_wait3A_227 = tpu.memref_slice %arg7[%dma_wait3A_226] : memref<8016xf32, #tpu.memory_space<vmem>> -> memref<8000xf32, #tpu.memory_space<vmem>>
      %dma_wait3A_228 = tpu.memref_slice %arg2[%add3A_225] : memref<6400000xf32, #tpu.memory_space<hbm>> -> memref<8000xf32, #tpu.memory_space<hbm>>
      %dma_wait3A_229 = arith.constant 0 : i32
      %dma_wait3A_230 = tpu.memref_slice %arg7[%dma_wait3A_229] : memref<8016xf32, #tpu.memory_space<vmem>> -> memref<8000xf32, #tpu.memory_space<vmem>>
      %dma_wait3A_231 = tpu.memref_slice %arg2[%add3A_225] : memref<6400000xf32, #tpu.memory_space<hbm>> -> memref<8000xf32, #tpu.memory_space<hbm>>
      tpu.wait_dma2 semaphore(%arg23 : memref<!tpu.dma_semaphore, #tpu.memory_space<semaphore_mem>>) src(%dma_wait3A_231 : memref<8000xf32, #tpu.memory_space<hbm>>) dst(%dma_wait3A_230 : memref<8000xf32, #tpu.memory_space<vmem>>)
      %dma_wait3A_232 = arith.constant 0 : i32
      %dma_wait3A_233 = tpu.memref_slice %arg12[%dma_wait3A_232] : memref<8016xi32, #tpu.memory_space<vmem>> -> memref<8000xi32, #tpu.memory_space<vmem>>
      %dma_wait3A_234 = tpu.memref_slice %arg3[%add3A_225] : memref<6400000xi32, #tpu.memory_space<hbm>> -> memref<8000xi32, #tpu.memory_space<hbm>>
      %dma_wait3A_235 = arith.constant 0 : i32
      %dma_wait3A_236 = tpu.memref_slice %arg12[%dma_wait3A_235] : memref<8016xi32, #tpu.memory_space<vmem>> -> memref<8000xi32, #tpu.memory_space<vmem>>
      %dma_wait3A_237 = tpu.memref_slice %arg3[%add3A_225] : memref<6400000xi32, #tpu.memory_space<hbm>> -> memref<8000xi32, #tpu.memory_space<hbm>>
      tpu.wait_dma2 semaphore(%arg23 : memref<!tpu.dma_semaphore, #tpu.memory_space<semaphore_mem>>) src(%dma_wait3A_237 : memref<8000xi32, #tpu.memory_space<hbm>>) dst(%dma_wait3A_236 : memref<8000xi32, #tpu.memory_space<vmem>>)
      %convert_element_type3A_238 = arith.extui %le3A_105 : i1 to i32
      %cond3A_239 = arith.constant 0 : i32
      %cond3A_240 = arith.cmpi ne, %convert_element_type3A_238, %cond3A_239 : i32
      scf.if %cond3A_240 {
        %parallel_loop3A = arith.constant 0 : i32
        %parallel_loop3A_318 = arith.constant 500 : i32
        %parallel_loop3A_319 = arith.constant 1 : i32
        scf.for %parallel_loop3A_320 = %parallel_loop3A to %parallel_loop3A_318 step %parallel_loop3A_319  : i32 {
          %parallel_loop3A_321 = arith.constant 16 : i32
          %parallel_loop3A_322 = arith.muli %parallel_loop3A_321, %parallel_loop3A_320 : i32
          %parallel_loop3A_323 = arith.index_cast %parallel_loop3A_322 : i32 to index
          %parallel_loop3A_324 = tpu.vector_load %arg7[%parallel_loop3A_323] {strides = array<i32>} : memref<8016xf32, #tpu.memory_space<vmem>>, vector<16xf32>,
          %parallel_loop3A_325 = arith.constant 16 : i32
          %parallel_loop3A_326 = arith.muli %parallel_loop3A_325, %parallel_loop3A_320 : i32
          %parallel_loop3A_327 = arith.index_cast %parallel_loop3A_326 : i32 to index
          %parallel_loop3A_328 = tpu.vector_load %arg12[%parallel_loop3A_327] {strides = array<i32>} : memref<8016xi32, #tpu.memory_space<vmem>>, vector<16xi32>,
          %parallel_loop3A_329 = arith.constant 16 : i32
          %parallel_loop3A_330 = arith.muli %parallel_loop3A_329, %parallel_loop3A_320 : i32
          %parallel_loop3A_331 = arith.constant 1 : i32
          %parallel_loop3A_332 = arith.addi %parallel_loop3A_330, %parallel_loop3A_331 : i32
          %parallel_loop3A_333 = arith.index_cast %parallel_loop3A_332 : i32 to index
          %parallel_loop3A_334 = tpu.vector_load %arg12[%parallel_loop3A_333] {strides = array<i32>} : memref<8016xi32, #tpu.memory_space<vmem>>, vector<16xi32>,
          %parallel_loop3A_335 = arith.constant true
          %parallel_loop3A_336 = vector.broadcast %parallel_loop3A_335 : i1 to vector<16xi1>
          %parallel_loop3A_337 = tpu.scan <sum>, %parallel_loop3A_324 masked %parallel_loop3A_336 : vector<16xf32>, vector<16xi1> -> vector<16xf32>
          %parallel_loop3A_338 = arith.cmpi ne, %parallel_loop3A_328, %parallel_loop3A_334 : vector<16xi32>
          %parallel_loop3A_339 = arith.andi %parallel_loop3A_338, %lt3A_59 : vector<16xi1>
          %parallel_loop3A_340 = arith.ori %parallel_loop3A_339, %eq3A_61 : vector<16xi1>
          %parallel_loop3A_341 = vector.broadcast %squeeze3A : i32 to vector<16xi32>
          %parallel_loop3A_342 = arith.subi %parallel_loop3A_328, %parallel_loop3A_341 : vector<16xi32>
          tpu.vector_store_idx %arg19[%parallel_loop3A_342], %parallel_loop3A_337 masked %parallel_loop3A_340 {add = true} : memref<16384xf32, #tpu.memory_space<vmem>>[vector<16xi32>], vector<16xf32>, vector<16xi1>
          %parallel_loop3A_343 = vector.broadcast %squeeze3A : i32 to vector<16xi32>
          %parallel_loop3A_344 = arith.subi %parallel_loop3A_334, %parallel_loop3A_343 : vector<16xi32>
          %parallel_loop3A_345 = arith.constant 0.000000e+00 : f32
          %parallel_loop3A_346 = vector.broadcast %parallel_loop3A_345 : f32 to vector<16xf32>
          %parallel_loop3A_347 = arith.subf %parallel_loop3A_346, %parallel_loop3A_337 : vector<16xf32>
          tpu.vector_store_idx %arg19[%parallel_loop3A_344], %parallel_loop3A_347 masked %parallel_loop3A_339 {add = true} : memref<16384xf32, #tpu.memory_space<vmem>>[vector<16xi32>], vector<16xf32>, vector<16xi1>
        } {sc.loop_unroll_factor = 5 : i64, sc.parallel_access}
      } else {
      }
      %not3A_241 = arith.constant true
      %not3A_242 = arith.xori %le3A_105, %not3A_241 : i1
      %convert_element_type3A_243 = arith.extui %not3A_242 : i1 to i32
      %cond3A_244 = arith.constant 0 : i32
      %cond3A_245 = arith.cmpi ne, %convert_element_type3A_243, %cond3A_244 : i32
      scf.if %cond3A_245 {
        %dma_start3A_318 = arith.constant 0 : i32
        %dma_start3A_319 = tpu.memref_slice %arg20[%dma_start3A_318] : memref<100352xf32, #tpu.memory_space<vmem_shared>> -> memref<100352xf32, #tpu.memory_space<vmem_shared>>
        tpu.enqueue_indirect_dma source(%arg7 : memref<8016xf32, #tpu.memory_space<vmem>>) target(%dma_start3A_319 : memref<100352xf32, #tpu.memory_space<vmem_shared>>) offsets(%arg12 : memref<8016xi32, #tpu.memory_space<vmem>>) semaphore(%arg26 : memref<!tpu.dma_semaphore, #tpu.memory_space<semaphore_mem>>) {add = true}
        %dma_wait3A_320 = arith.constant 0 : i32
        %dma_wait3A_321 = tpu.memref_slice %arg20[%dma_wait3A_320] : memref<100352xf32, #tpu.memory_space<vmem_shared>> -> memref<100352xf32, #tpu.memory_space<vmem_shared>>
        tpu.wait_indirect_dma semaphore(%arg26 : memref<!tpu.dma_semaphore, #tpu.memory_space<semaphore_mem>>) src(%arg7 : memref<8016xf32, #tpu.memory_space<vmem>>) dst(%dma_wait3A_321 : memref<100352xf32, #tpu.memory_space<vmem_shared>>)
      } else {
      }
      %mul3A_246 = arith.constant 5 : i32
      %mul3A_247 = arith.muli %mul3A_246, %scan3A_139 : i32
      %add3A_248 = arith.constant 3 : i32
      %add3A_249 = arith.addi %mul3A_247, %add3A_248 : i32
      %add3A_250 = arith.constant 5 : i32
      %add3A_251 = arith.addi %add3A_249, %add3A_250 : i32
      %sub3A_252 = arith.constant 1 : i32
      %sub3A_253 = arith.subi %add3A_251, %sub3A_252 : i32
      %lt3A_254 = arith.constant 25 : i32
      %lt3A_255 = arith.cmpi slt, %sub3A_253, %lt3A_254 : i32
      %convert_element_type3A_256 = arith.extui %lt3A_255 : i1 to i32
      %cond3A_257 = arith.constant 0 : i32
      %cond3A_258 = arith.cmpi ne, %convert_element_type3A_256, %cond3A_257 : i32
      scf.if %cond3A_258 {
        %add3A_318 = arith.constant 5 : i32
        %add3A_319 = arith.addi %add3A_249, %add3A_318 : i32
        %sub3A_320 = arith.constant 1 : i32
        %sub3A_321 = arith.subi %add3A_319, %sub3A_320 : i32
        %mul3A_322 = arith.constant 8000 : i32
        %mul3A_323 = arith.muli %sub3A_321, %mul3A_322 : i32
        %add3A_324 = arith.addi %mul3A_2, %mul3A_323 : i32
        %dma_start3A_325 = arith.constant 0 : i32
        %dma_start3A_326 = tpu.memref_slice %arg7[%dma_start3A_325] : memref<8016xf32, #tpu.memory_space<vmem>> -> memref<8000xf32, #tpu.memory_space<vmem>>
        %dma_start3A_327 = tpu.memref_slice %arg2[%add3A_324] : memref<6400000xf32, #tpu.memory_space<hbm>> -> memref<8000xf32, #tpu.memory_space<hbm>>
        %dma_start3A_328 = arith.constant 0 : i32
        %dma_start3A_329 = tpu.memref_slice %arg7[%dma_start3A_328] : memref<8016xf32, #tpu.memory_space<vmem>> -> memref<8000xf32, #tpu.memory_space<vmem>>
        %dma_start3A_330 = tpu.memref_slice %arg2[%add3A_324] : memref<6400000xf32, #tpu.memory_space<hbm>> -> memref<8000xf32, #tpu.memory_space<hbm>>
        tpu.enqueue_dma source(%dma_start3A_330 : memref<8000xf32, #tpu.memory_space<hbm>>) target(%dma_start3A_329 : memref<8000xf32, #tpu.memory_space<vmem>>) target_semaphore(%arg23 : memref<!tpu.dma_semaphore, #tpu.memory_space<semaphore_mem>>)
        %dma_start3A_331 = arith.constant 0 : i32
        %dma_start3A_332 = tpu.memref_slice %arg12[%dma_start3A_331] : memref<8016xi32, #tpu.memory_space<vmem>> -> memref<8000xi32, #tpu.memory_space<vmem>>
        %dma_start3A_333 = tpu.memref_slice %arg3[%add3A_324] : memref<6400000xi32, #tpu.memory_space<hbm>> -> memref<8000xi32, #tpu.memory_space<hbm>>
        %dma_start3A_334 = arith.constant 0 : i32
        %dma_start3A_335 = tpu.memref_slice %arg12[%dma_start3A_334] : memref<8016xi32, #tpu.memory_space<vmem>> -> memref<8000xi32, #tpu.memory_space<vmem>>
        %dma_start3A_336 = tpu.memref_slice %arg3[%add3A_324] : memref<6400000xi32, #tpu.memory_space<hbm>> -> memref<8000xi32, #tpu.memory_space<hbm>>
        tpu.enqueue_dma source(%dma_start3A_336 : memref<8000xi32, #tpu.memory_space<hbm>>) target(%dma_start3A_335 : memref<8000xi32, #tpu.memory_space<vmem>>) target_semaphore(%arg23 : memref<!tpu.dma_semaphore, #tpu.memory_space<semaphore_mem>>)
      } else {
      }
      %mul3A_259 = arith.constant 8000 : i32
      %mul3A_260 = arith.muli %add3A_249, %mul3A_259 : i32
      %add3A_261 = arith.addi %mul3A_2, %mul3A_260 : i32
      %dma_wait3A_262 = arith.constant 0 : i32
      %dma_wait3A_263 = tpu.memref_slice %arg8[%dma_wait3A_262] : memref<8016xf32, #tpu.memory_space<vmem>> -> memref<8000xf32, #tpu.memory_space<vmem>>
      %dma_wait3A_264 = tpu.memref_slice %arg2[%add3A_261] : memref<6400000xf32, #tpu.memory_space<hbm>> -> memref<8000xf32, #tpu.memory_space<hbm>>
      %dma_wait3A_265 = arith.constant 0 : i32
      %dma_wait3A_266 = tpu.memref_slice %arg8[%dma_wait3A_265] : memref<8016xf32, #tpu.memory_space<vmem>> -> memref<8000xf32, #tpu.memory_space<vmem>>
      %dma_wait3A_267 = tpu.memref_slice %arg2[%add3A_261] : memref<6400000xf32, #tpu.memory_space<hbm>> -> memref<8000xf32, #tpu.memory_space<hbm>>
      tpu.wait_dma2 semaphore(%arg24 : memref<!tpu.dma_semaphore, #tpu.memory_space<semaphore_mem>>) src(%dma_wait3A_267 : memref<8000xf32, #tpu.memory_space<hbm>>) dst(%dma_wait3A_266 : memref<8000xf32, #tpu.memory_space<vmem>>)
      %dma_wait3A_268 = arith.constant 0 : i32
      %dma_wait3A_269 = tpu.memref_slice %arg13[%dma_wait3A_268] : memref<8016xi32, #tpu.memory_space<vmem>> -> memref<8000xi32, #tpu.memory_space<vmem>>
      %dma_wait3A_270 = tpu.memref_slice %arg3[%add3A_261] : memref<6400000xi32, #tpu.memory_space<hbm>> -> memref<8000xi32, #tpu.memory_space<hbm>>
      %dma_wait3A_271 = arith.constant 0 : i32
      %dma_wait3A_272 = tpu.memref_slice %arg13[%dma_wait3A_271] : memref<8016xi32, #tpu.memory_space<vmem>> -> memref<8000xi32, #tpu.memory_space<vmem>>
      %dma_wait3A_273 = tpu.memref_slice %arg3[%add3A_261] : memref<6400000xi32, #tpu.memory_space<hbm>> -> memref<8000xi32, #tpu.memory_space<hbm>>
      tpu.wait_dma2 semaphore(%arg24 : memref<!tpu.dma_semaphore, #tpu.memory_space<semaphore_mem>>) src(%dma_wait3A_273 : memref<8000xi32, #tpu.memory_space<hbm>>) dst(%dma_wait3A_272 : memref<8000xi32, #tpu.memory_space<vmem>>)
      %convert_element_type3A_274 = arith.extui %le3A_105 : i1 to i32
      %cond3A_275 = arith.constant 0 : i32
      %cond3A_276 = arith.cmpi ne, %convert_element_type3A_274, %cond3A_275 : i32
      scf.if %cond3A_276 {
        %parallel_loop3A = arith.constant 0 : i32
        %parallel_loop3A_318 = arith.constant 500 : i32
        %parallel_loop3A_319 = arith.constant 1 : i32
        scf.for %parallel_loop3A_320 = %parallel_loop3A to %parallel_loop3A_318 step %parallel_loop3A_319  : i32 {
          %parallel_loop3A_321 = arith.constant 16 : i32
          %parallel_loop3A_322 = arith.muli %parallel_loop3A_321, %parallel_loop3A_320 : i32
          %parallel_loop3A_323 = arith.index_cast %parallel_loop3A_322 : i32 to index
          %parallel_loop3A_324 = tpu.vector_load %arg8[%parallel_loop3A_323] {strides = array<i32>} : memref<8016xf32, #tpu.memory_space<vmem>>, vector<16xf32>,
          %parallel_loop3A_325 = arith.constant 16 : i32
          %parallel_loop3A_326 = arith.muli %parallel_loop3A_325, %parallel_loop3A_320 : i32
          %parallel_loop3A_327 = arith.index_cast %parallel_loop3A_326 : i32 to index
          %parallel_loop3A_328 = tpu.vector_load %arg13[%parallel_loop3A_327] {strides = array<i32>} : memref<8016xi32, #tpu.memory_space<vmem>>, vector<16xi32>,
          %parallel_loop3A_329 = arith.constant 16 : i32
          %parallel_loop3A_330 = arith.muli %parallel_loop3A_329, %parallel_loop3A_320 : i32
          %parallel_loop3A_331 = arith.constant 1 : i32
          %parallel_loop3A_332 = arith.addi %parallel_loop3A_330, %parallel_loop3A_331 : i32
          %parallel_loop3A_333 = arith.index_cast %parallel_loop3A_332 : i32 to index
          %parallel_loop3A_334 = tpu.vector_load %arg13[%parallel_loop3A_333] {strides = array<i32>} : memref<8016xi32, #tpu.memory_space<vmem>>, vector<16xi32>,
          %parallel_loop3A_335 = arith.constant true
          %parallel_loop3A_336 = vector.broadcast %parallel_loop3A_335 : i1 to vector<16xi1>
          %parallel_loop3A_337 = tpu.scan <sum>, %parallel_loop3A_324 masked %parallel_loop3A_336 : vector<16xf32>, vector<16xi1> -> vector<16xf32>
          %parallel_loop3A_338 = arith.cmpi ne, %parallel_loop3A_328, %parallel_loop3A_334 : vector<16xi32>
          %parallel_loop3A_339 = arith.andi %parallel_loop3A_338, %lt3A_59 : vector<16xi1>
          %parallel_loop3A_340 = arith.ori %parallel_loop3A_339, %eq3A_61 : vector<16xi1>
          %parallel_loop3A_341 = vector.broadcast %squeeze3A : i32 to vector<16xi32>
          %parallel_loop3A_342 = arith.subi %parallel_loop3A_328, %parallel_loop3A_341 : vector<16xi32>
          tpu.vector_store_idx %arg19[%parallel_loop3A_342], %parallel_loop3A_337 masked %parallel_loop3A_340 {add = true} : memref<16384xf32, #tpu.memory_space<vmem>>[vector<16xi32>], vector<16xf32>, vector<16xi1>
          %parallel_loop3A_343 = vector.broadcast %squeeze3A : i32 to vector<16xi32>
          %parallel_loop3A_344 = arith.subi %parallel_loop3A_334, %parallel_loop3A_343 : vector<16xi32>
          %parallel_loop3A_345 = arith.constant 0.000000e+00 : f32
          %parallel_loop3A_346 = vector.broadcast %parallel_loop3A_345 : f32 to vector<16xf32>
          %parallel_loop3A_347 = arith.subf %parallel_loop3A_346, %parallel_loop3A_337 : vector<16xf32>
          tpu.vector_store_idx %arg19[%parallel_loop3A_344], %parallel_loop3A_347 masked %parallel_loop3A_339 {add = true} : memref<16384xf32, #tpu.memory_space<vmem>>[vector<16xi32>], vector<16xf32>, vector<16xi1>
        } {sc.loop_unroll_factor = 5 : i64, sc.parallel_access}
      } else {
      }
      %not3A_277 = arith.constant true
      %not3A_278 = arith.xori %le3A_105, %not3A_277 : i1
      %convert_element_type3A_279 = arith.extui %not3A_278 : i1 to i32
      %cond3A_280 = arith.constant 0 : i32
      %cond3A_281 = arith.cmpi ne, %convert_element_type3A_279, %cond3A_280 : i32
      scf.if %cond3A_281 {
        %dma_start3A_318 = arith.constant 0 : i32
        %dma_start3A_319 = tpu.memref_slice %arg20[%dma_start3A_318] : memref<100352xf32, #tpu.memory_space<vmem_shared>> -> memref<100352xf32, #tpu.memory_space<vmem_shared>>
        tpu.enqueue_indirect_dma source(%arg8 : memref<8016xf32, #tpu.memory_space<vmem>>) target(%dma_start3A_319 : memref<100352xf32, #tpu.memory_space<vmem_shared>>) offsets(%arg13 : memref<8016xi32, #tpu.memory_space<vmem>>) semaphore(%arg26 : memref<!tpu.dma_semaphore, #tpu.memory_space<semaphore_mem>>) {add = true}
        %dma_wait3A_320 = arith.constant 0 : i32
        %dma_wait3A_321 = tpu.memref_slice %arg20[%dma_wait3A_320] : memref<100352xf32, #tpu.memory_space<vmem_shared>> -> memref<100352xf32, #tpu.memory_space<vmem_shared>>
        tpu.wait_indirect_dma semaphore(%arg26 : memref<!tpu.dma_semaphore, #tpu.memory_space<semaphore_mem>>) src(%arg8 : memref<8016xf32, #tpu.memory_space<vmem>>) dst(%dma_wait3A_321 : memref<100352xf32, #tpu.memory_space<vmem_shared>>)
      } else {
      }
      %mul3A_282 = arith.constant 5 : i32
      %mul3A_283 = arith.muli %mul3A_282, %scan3A_139 : i32
      %add3A_284 = arith.constant 4 : i32
      %add3A_285 = arith.addi %mul3A_283, %add3A_284 : i32
      %add3A_286 = arith.constant 5 : i32
      %add3A_287 = arith.addi %add3A_285, %add3A_286 : i32
      %sub3A_288 = arith.constant 1 : i32
      %sub3A_289 = arith.subi %add3A_287, %sub3A_288 : i32
      %lt3A_290 = arith.constant 25 : i32
      %lt3A_291 = arith.cmpi slt, %sub3A_289, %lt3A_290 : i32
      %convert_element_type3A_292 = arith.extui %lt3A_291 : i1 to i32
      %cond3A_293 = arith.constant 0 : i32
      %cond3A_294 = arith.cmpi ne, %convert_element_type3A_292, %cond3A_293 : i32
      scf.if %cond3A_294 {
        %add3A_318 = arith.constant 5 : i32
        %add3A_319 = arith.addi %add3A_285, %add3A_318 : i32
        %sub3A_320 = arith.constant 1 : i32
        %sub3A_321 = arith.subi %add3A_319, %sub3A_320 : i32
        %mul3A_322 = arith.constant 8000 : i32
        %mul3A_323 = arith.muli %sub3A_321, %mul3A_322 : i32
        %add3A_324 = arith.addi %mul3A_2, %mul3A_323 : i32
        %dma_start3A_325 = arith.constant 0 : i32
        %dma_start3A_326 = tpu.memref_slice %arg8[%dma_start3A_325] : memref<8016xf32, #tpu.memory_space<vmem>> -> memref<8000xf32, #tpu.memory_space<vmem>>
        %dma_start3A_327 = tpu.memref_slice %arg2[%add3A_324] : memref<6400000xf32, #tpu.memory_space<hbm>> -> memref<8000xf32, #tpu.memory_space<hbm>>
        %dma_start3A_328 = arith.constant 0 : i32
        %dma_start3A_329 = tpu.memref_slice %arg8[%dma_start3A_328] : memref<8016xf32, #tpu.memory_space<vmem>> -> memref<8000xf32, #tpu.memory_space<vmem>>
        %dma_start3A_330 = tpu.memref_slice %arg2[%add3A_324] : memref<6400000xf32, #tpu.memory_space<hbm>> -> memref<8000xf32, #tpu.memory_space<hbm>>
        tpu.enqueue_dma source(%dma_start3A_330 : memref<8000xf32, #tpu.memory_space<hbm>>) target(%dma_start3A_329 : memref<8000xf32, #tpu.memory_space<vmem>>) target_semaphore(%arg24 : memref<!tpu.dma_semaphore, #tpu.memory_space<semaphore_mem>>)
        %dma_start3A_331 = arith.constant 0 : i32
        %dma_start3A_332 = tpu.memref_slice %arg13[%dma_start3A_331] : memref<8016xi32, #tpu.memory_space<vmem>> -> memref<8000xi32, #tpu.memory_space<vmem>>
        %dma_start3A_333 = tpu.memref_slice %arg3[%add3A_324] : memref<6400000xi32, #tpu.memory_space<hbm>> -> memref<8000xi32, #tpu.memory_space<hbm>>
        %dma_start3A_334 = arith.constant 0 : i32
        %dma_start3A_335 = tpu.memref_slice %arg13[%dma_start3A_334] : memref<8016xi32, #tpu.memory_space<vmem>> -> memref<8000xi32, #tpu.memory_space<vmem>>
        %dma_start3A_336 = tpu.memref_slice %arg3[%add3A_324] : memref<6400000xi32, #tpu.memory_space<hbm>> -> memref<8000xi32, #tpu.memory_space<hbm>>
        tpu.enqueue_dma source(%dma_start3A_336 : memref<8000xi32, #tpu.memory_space<hbm>>) target(%dma_start3A_335 : memref<8000xi32, #tpu.memory_space<vmem>>) target_semaphore(%arg24 : memref<!tpu.dma_semaphore, #tpu.memory_space<semaphore_mem>>)
      } else {
      }
      %mul3A_295 = arith.constant 8000 : i32
      %mul3A_296 = arith.muli %add3A_285, %mul3A_295 : i32
      %add3A_297 = arith.addi %mul3A_2, %mul3A_296 : i32
      %dma_wait3A_298 = arith.constant 0 : i32
      %dma_wait3A_299 = tpu.memref_slice %arg9[%dma_wait3A_298] : memref<8016xf32, #tpu.memory_space<vmem>> -> memref<8000xf32, #tpu.memory_space<vmem>>
      %dma_wait3A_300 = tpu.memref_slice %arg2[%add3A_297] : memref<6400000xf32, #tpu.memory_space<hbm>> -> memref<8000xf32, #tpu.memory_space<hbm>>
      %dma_wait3A_301 = arith.constant 0 : i32
      %dma_wait3A_302 = tpu.memref_slice %arg9[%dma_wait3A_301] : memref<8016xf32, #tpu.memory_space<vmem>> -> memref<8000xf32, #tpu.memory_space<vmem>>
      %dma_wait3A_303 = tpu.memref_slice %arg2[%add3A_297] : memref<6400000xf32, #tpu.memory_space<hbm>> -> memref<8000xf32, #tpu.memory_space<hbm>>
      tpu.wait_dma2 semaphore(%arg25 : memref<!tpu.dma_semaphore, #tpu.memory_space<semaphore_mem>>) src(%dma_wait3A_303 : memref<8000xf32, #tpu.memory_space<hbm>>) dst(%dma_wait3A_302 : memref<8000xf32, #tpu.memory_space<vmem>>)
      %dma_wait3A_304 = arith.constant 0 : i32
      %dma_wait3A_305 = tpu.memref_slice %arg14[%dma_wait3A_304] : memref<8016xi32, #tpu.memory_space<vmem>> -> memref<8000xi32, #tpu.memory_space<vmem>>
      %dma_wait3A_306 = tpu.memref_slice %arg3[%add3A_297] : memref<6400000xi32, #tpu.memory_space<hbm>> -> memref<8000xi32, #tpu.memory_space<hbm>>
      %dma_wait3A_307 = arith.constant 0 : i32
      %dma_wait3A_308 = tpu.memref_slice %arg14[%dma_wait3A_307] : memref<8016xi32, #tpu.memory_space<vmem>> -> memref<8000xi32, #tpu.memory_space<vmem>>
      %dma_wait3A_309 = tpu.memref_slice %arg3[%add3A_297] : memref<6400000xi32, #tpu.memory_space<hbm>> -> memref<8000xi32, #tpu.memory_space<hbm>>
      tpu.wait_dma2 semaphore(%arg25 : memref<!tpu.dma_semaphore, #tpu.memory_space<semaphore_mem>>) src(%dma_wait3A_309 : memref<8000xi32, #tpu.memory_space<hbm>>) dst(%dma_wait3A_308 : memref<8000xi32, #tpu.memory_space<vmem>>)
      %convert_element_type3A_310 = arith.extui %le3A_105 : i1 to i32
      %cond3A_311 = arith.constant 0 : i32
      %cond3A_312 = arith.cmpi ne, %convert_element_type3A_310, %cond3A_311 : i32
      scf.if %cond3A_312 {
        %parallel_loop3A = arith.constant 0 : i32
        %parallel_loop3A_318 = arith.constant 500 : i32
        %parallel_loop3A_319 = arith.constant 1 : i32
        scf.for %parallel_loop3A_320 = %parallel_loop3A to %parallel_loop3A_318 step %parallel_loop3A_319  : i32 {
          %parallel_loop3A_321 = arith.constant 16 : i32
          %parallel_loop3A_322 = arith.muli %parallel_loop3A_321, %parallel_loop3A_320 : i32
          %parallel_loop3A_323 = arith.index_cast %parallel_loop3A_322 : i32 to index
          %parallel_loop3A_324 = tpu.vector_load %arg9[%parallel_loop3A_323] {strides = array<i32>} : memref<8016xf32, #tpu.memory_space<vmem>>, vector<16xf32>,
          %parallel_loop3A_325 = arith.constant 16 : i32
          %parallel_loop3A_326 = arith.muli %parallel_loop3A_325, %parallel_loop3A_320 : i32
          %parallel_loop3A_327 = arith.index_cast %parallel_loop3A_326 : i32 to index
          %parallel_loop3A_328 = tpu.vector_load %arg14[%parallel_loop3A_327] {strides = array<i32>} : memref<8016xi32, #tpu.memory_space<vmem>>, vector<16xi32>,
          %parallel_loop3A_329 = arith.constant 16 : i32
          %parallel_loop3A_330 = arith.muli %parallel_loop3A_329, %parallel_loop3A_320 : i32
          %parallel_loop3A_331 = arith.constant 1 : i32
          %parallel_loop3A_332 = arith.addi %parallel_loop3A_330, %parallel_loop3A_331 : i32
          %parallel_loop3A_333 = arith.index_cast %parallel_loop3A_332 : i32 to index
          %parallel_loop3A_334 = tpu.vector_load %arg14[%parallel_loop3A_333] {strides = array<i32>} : memref<8016xi32, #tpu.memory_space<vmem>>, vector<16xi32>,
          %parallel_loop3A_335 = arith.constant true
          %parallel_loop3A_336 = vector.broadcast %parallel_loop3A_335 : i1 to vector<16xi1>
          %parallel_loop3A_337 = tpu.scan <sum>, %parallel_loop3A_324 masked %parallel_loop3A_336 : vector<16xf32>, vector<16xi1> -> vector<16xf32>
          %parallel_loop3A_338 = arith.cmpi ne, %parallel_loop3A_328, %parallel_loop3A_334 : vector<16xi32>
          %parallel_loop3A_339 = arith.andi %parallel_loop3A_338, %lt3A_59 : vector<16xi1>
          %parallel_loop3A_340 = arith.ori %parallel_loop3A_339, %eq3A_61 : vector<16xi1>
          %parallel_loop3A_341 = vector.broadcast %squeeze3A : i32 to vector<16xi32>
          %parallel_loop3A_342 = arith.subi %parallel_loop3A_328, %parallel_loop3A_341 : vector<16xi32>
          tpu.vector_store_idx %arg19[%parallel_loop3A_342], %parallel_loop3A_337 masked %parallel_loop3A_340 {add = true} : memref<16384xf32, #tpu.memory_space<vmem>>[vector<16xi32>], vector<16xf32>, vector<16xi1>
          %parallel_loop3A_343 = vector.broadcast %squeeze3A : i32 to vector<16xi32>
          %parallel_loop3A_344 = arith.subi %parallel_loop3A_334, %parallel_loop3A_343 : vector<16xi32>
          %parallel_loop3A_345 = arith.constant 0.000000e+00 : f32
          %parallel_loop3A_346 = vector.broadcast %parallel_loop3A_345 : f32 to vector<16xf32>
          %parallel_loop3A_347 = arith.subf %parallel_loop3A_346, %parallel_loop3A_337 : vector<16xf32>
          tpu.vector_store_idx %arg19[%parallel_loop3A_344], %parallel_loop3A_347 masked %parallel_loop3A_339 {add = true} : memref<16384xf32, #tpu.memory_space<vmem>>[vector<16xi32>], vector<16xf32>, vector<16xi1>
        } {sc.loop_unroll_factor = 5 : i64, sc.parallel_access}
      } else {
      }
      %not3A_313 = arith.constant true
      %not3A_314 = arith.xori %le3A_105, %not3A_313 : i1
      %convert_element_type3A_315 = arith.extui %not3A_314 : i1 to i32
      %cond3A_316 = arith.constant 0 : i32
      %cond3A_317 = arith.cmpi ne, %convert_element_type3A_315, %cond3A_316 : i32
      scf.if %cond3A_317 {
        %dma_start3A_318 = arith.constant 0 : i32
        %dma_start3A_319 = tpu.memref_slice %arg20[%dma_start3A_318] : memref<100352xf32, #tpu.memory_space<vmem_shared>> -> memref<100352xf32, #tpu.memory_space<vmem_shared>>
        tpu.enqueue_indirect_dma source(%arg9 : memref<8016xf32, #tpu.memory_space<vmem>>) target(%dma_start3A_319 : memref<100352xf32, #tpu.memory_space<vmem_shared>>) offsets(%arg14 : memref<8016xi32, #tpu.memory_space<vmem>>) semaphore(%arg26 : memref<!tpu.dma_semaphore, #tpu.memory_space<semaphore_mem>>) {add = true}
        %dma_wait3A_320 = arith.constant 0 : i32
        %dma_wait3A_321 = tpu.memref_slice %arg20[%dma_wait3A_320] : memref<100352xf32, #tpu.memory_space<vmem_shared>> -> memref<100352xf32, #tpu.memory_space<vmem_shared>>
        tpu.wait_indirect_dma semaphore(%arg26 : memref<!tpu.dma_semaphore, #tpu.memory_space<semaphore_mem>>) src(%arg9 : memref<8016xf32, #tpu.memory_space<vmem>>) dst(%dma_wait3A_321 : memref<100352xf32, #tpu.memory_space<vmem_shared>>)
      } else {
      }
    }
    %scan3A_130 = arith.constant 5 : i32
    %convert_element_type3A_131 = arith.extui %le3A_105 : i1 to i32
    %cond3A_132 = arith.constant 0 : i32
    %cond3A_133 = arith.cmpi ne, %convert_element_type3A_131, %cond3A_132 : i32
    scf.if %cond3A_133 {
      %while3A = arith.constant 0 : i32
      %while3A_139 = arith.subi %add3A_124, %while3A : i32
      %while3A_140 = arith.addi %while3A, %while3A_139 : i32
      %while3A_141 = arith.constant 1 : i32
      %while3A_142 = arith.divsi %while3A_139, %while3A_141 : i32
      %while3A_143 = arith.muli %while3A_142, %while3A_141 : i32
      %while3A_144 = arith.addi %while3A, %while3A_143 : i32
      %while3A_145 = arith.constant 1 : i32
      scf.for %while3A_147 = %while3A to %while3A_144 step %while3A_145  : i32 {
        %mul3A_148 = arith.constant 512 : i32
        %mul3A_149 = arith.muli %while3A_147, %mul3A_148 : i32
        %add3A_150 = arith.constant 0 : i32
        %add3A_151 = arith.addi %mul3A_149, %add3A_150 : i32
        %get3A_152 = arith.index_cast %add3A_151 : i32 to index
        %get3A_153 = tpu.vector_load %arg19[%get3A_152] {strides = array<i32>} : memref<16384xf32, #tpu.memory_space<vmem>>, vector<16xf32>,
        %swap3A_154 = arith.constant 0 : index
        %swap3A_155 = tpu.vector_load %arg17[%swap3A_154] {strides = array<i32>} : memref<512xf32, #tpu.memory_space<vmem>>, vector<16xf32>,
        tpu.vector_store %arg17[%swap3A_154], %get3A_153 {strides = array<i32>} : memref<512xf32, #tpu.memory_space<vmem>>, vector<16xf32>,
        %add3A_156 = arith.addi %squeeze3A, %mul3A_149 : i32
        %add3A_157 = arith.constant 0 : i32
        %add3A_158 = arith.addi %add3A_156, %add3A_157 : i32
        %add3A_159 = vector.broadcast %add3A_158 : i32 to vector<16xi32>
        %add3A_160 = arith.addi %add3A_159, %iota3A : vector<16xi32>
        %swap3A_161 = arith.constant 0 : index
        %swap3A_162 = tpu.vector_load %arg18[%swap3A_161] {strides = array<i32>} : memref<512xi32, #tpu.memory_space<vmem>>, vector<16xi32>,
        tpu.vector_store %arg18[%swap3A_161], %add3A_160 {strides = array<i32>} : memref<512xi32, #tpu.memory_space<vmem>>, vector<16xi32>,
        %add3A_163 = arith.constant 16 : i32
        %add3A_164 = arith.addi %mul3A_149, %add3A_163 : i32
        %get3A_165 = arith.index_cast %add3A_164 : i32 to index
        %get3A_166 = tpu.vector_load %arg19[%get3A_165] {strides = array<i32>} : memref<16384xf32, #tpu.memory_space<vmem>>, vector<16xf32>,
        %swap3A_167 = arith.constant 16 : index
        %swap3A_168 = tpu.vector_load %arg17[%swap3A_167] {strides = array<i32>} : memref<512xf32, #tpu.memory_space<vmem>>, vector<16xf32>,
        tpu.vector_store %arg17[%swap3A_167], %get3A_166 {strides = array<i32>} : memref<512xf32, #tpu.memory_space<vmem>>, vector<16xf32>,
        %add3A_169 = arith.addi %squeeze3A, %mul3A_149 : i32
        %add3A_170 = arith.constant 16 : i32
        %add3A_171 = arith.addi %add3A_169, %add3A_170 : i32
        %add3A_172 = vector.broadcast %add3A_171 : i32 to vector<16xi32>
        %add3A_173 = arith.addi %add3A_172, %iota3A : vector<16xi32>
        %swap3A_174 = arith.constant 16 : index
        %swap3A_175 = tpu.vector_load %arg18[%swap3A_174] {strides = array<i32>} : memref<512xi32, #tpu.memory_space<vmem>>, vector<16xi32>,
        tpu.vector_store %arg18[%swap3A_174], %add3A_173 {strides = array<i32>} : memref<512xi32, #tpu.memory_space<vmem>>, vector<16xi32>,
        %add3A_176 = arith.constant 32 : i32
        %add3A_177 = arith.addi %mul3A_149, %add3A_176 : i32
        %get3A_178 = arith.index_cast %add3A_177 : i32 to index
        %get3A_179 = tpu.vector_load %arg19[%get3A_178] {strides = array<i32>} : memref<16384xf32, #tpu.memory_space<vmem>>, vector<16xf32>,
        %swap3A_180 = arith.constant 32 : index
        %swap3A_181 = tpu.vector_load %arg17[%swap3A_180] {strides = array<i32>} : memref<512xf32, #tpu.memory_space<vmem>>, vector<16xf32>,
        tpu.vector_store %arg17[%swap3A_180], %get3A_179 {strides = array<i32>} : memref<512xf32, #tpu.memory_space<vmem>>, vector<16xf32>,
        %add3A_182 = arith.addi %squeeze3A, %mul3A_149 : i32
        %add3A_183 = arith.constant 32 : i32
        %add3A_184 = arith.addi %add3A_182, %add3A_183 : i32
        %add3A_185 = vector.broadcast %add3A_184 : i32 to vector<16xi32>
        %add3A_186 = arith.addi %add3A_185, %iota3A : vector<16xi32>
        %swap3A_187 = arith.constant 32 : index
        %swap3A_188 = tpu.vector_load %arg18[%swap3A_187] {strides = array<i32>} : memref<512xi32, #tpu.memory_space<vmem>>, vector<16xi32>,
        tpu.vector_store %arg18[%swap3A_187], %add3A_186 {strides = array<i32>} : memref<512xi32, #tpu.memory_space<vmem>>, vector<16xi32>,
        %add3A_189 = arith.constant 48 : i32
        %add3A_190 = arith.addi %mul3A_149, %add3A_189 : i32
        %get3A_191 = arith.index_cast %add3A_190 : i32 to index
        %get3A_192 = tpu.vector_load %arg19[%get3A_191] {strides = array<i32>} : memref<16384xf32, #tpu.memory_space<vmem>>, vector<16xf32>,
        %swap3A_193 = arith.constant 48 : index
        %swap3A_194 = tpu.vector_load %arg17[%swap3A_193] {strides = array<i32>} : memref<512xf32, #tpu.memory_space<vmem>>, vector<16xf32>,
        tpu.vector_store %arg17[%swap3A_193], %get3A_192 {strides = array<i32>} : memref<512xf32, #tpu.memory_space<vmem>>, vector<16xf32>,
        %add3A_195 = arith.addi %squeeze3A, %mul3A_149 : i32
        %add3A_196 = arith.constant 48 : i32
        %add3A_197 = arith.addi %add3A_195, %add3A_196 : i32
        %add3A_198 = vector.broadcast %add3A_197 : i32 to vector<16xi32>
        %add3A_199 = arith.addi %add3A_198, %iota3A : vector<16xi32>
        %swap3A_200 = arith.constant 48 : index
        %swap3A_201 = tpu.vector_load %arg18[%swap3A_200] {strides = array<i32>} : memref<512xi32, #tpu.memory_space<vmem>>, vector<16xi32>,
        tpu.vector_store %arg18[%swap3A_200], %add3A_199 {strides = array<i32>} : memref<512xi32, #tpu.memory_space<vmem>>, vector<16xi32>,
        %add3A_202 = arith.constant 64 : i32
        %add3A_203 = arith.addi %mul3A_149, %add3A_202 : i32
        %get3A_204 = arith.index_cast %add3A_203 : i32 to index
        %get3A_205 = tpu.vector_load %arg19[%get3A_204] {strides = array<i32>} : memref<16384xf32, #tpu.memory_space<vmem>>, vector<16xf32>,
        %swap3A_206 = arith.constant 64 : index
        %swap3A_207 = tpu.vector_load %arg17[%swap3A_206] {strides = array<i32>} : memref<512xf32, #tpu.memory_space<vmem>>, vector<16xf32>,
        tpu.vector_store %arg17[%swap3A_206], %get3A_205 {strides = array<i32>} : memref<512xf32, #tpu.memory_space<vmem>>, vector<16xf32>,
        %add3A_208 = arith.addi %squeeze3A, %mul3A_149 : i32
        %add3A_209 = arith.constant 64 : i32
        %add3A_210 = arith.addi %add3A_208, %add3A_209 : i32
        %add3A_211 = vector.broadcast %add3A_210 : i32 to vector<16xi32>
        %add3A_212 = arith.addi %add3A_211, %iota3A : vector<16xi32>
        %swap3A_213 = arith.constant 64 : index
        %swap3A_214 = tpu.vector_load %arg18[%swap3A_213] {strides = array<i32>} : memref<512xi32, #tpu.memory_space<vmem>>, vector<16xi32>,
        tpu.vector_store %arg18[%swap3A_213], %add3A_212 {strides = array<i32>} : memref<512xi32, #tpu.memory_space<vmem>>, vector<16xi32>,
        %add3A_215 = arith.constant 80 : i32
        %add3A_216 = arith.addi %mul3A_149, %add3A_215 : i32
        %get3A_217 = arith.index_cast %add3A_216 : i32 to index
        %get3A_218 = tpu.vector_load %arg19[%get3A_217] {strides = array<i32>} : memref<16384xf32, #tpu.memory_space<vmem>>, vector<16xf32>,
        %swap3A_219 = arith.constant 80 : index
        %swap3A_220 = tpu.vector_load %arg17[%swap3A_219] {strides = array<i32>} : memref<512xf32, #tpu.memory_space<vmem>>, vector<16xf32>,
        tpu.vector_store %arg17[%swap3A_219], %get3A_218 {strides = array<i32>} : memref<512xf32, #tpu.memory_space<vmem>>, vector<16xf32>,
        %add3A_221 = arith.addi %squeeze3A, %mul3A_149 : i32
        %add3A_222 = arith.constant 80 : i32
        %add3A_223 = arith.addi %add3A_221, %add3A_222 : i32
        %add3A_224 = vector.broadcast %add3A_223 : i32 to vector<16xi32>
        %add3A_225 = arith.addi %add3A_224, %iota3A : vector<16xi32>
        %swap3A_226 = arith.constant 80 : index
        %swap3A_227 = tpu.vector_load %arg18[%swap3A_226] {strides = array<i32>} : memref<512xi32, #tpu.memory_space<vmem>>, vector<16xi32>,
        tpu.vector_store %arg18[%swap3A_226], %add3A_225 {strides = array<i32>} : memref<512xi32, #tpu.memory_space<vmem>>, vector<16xi32>,
        %add3A_228 = arith.constant 96 : i32
        %add3A_229 = arith.addi %mul3A_149, %add3A_228 : i32
        %get3A_230 = arith.index_cast %add3A_229 : i32 to index
        %get3A_231 = tpu.vector_load %arg19[%get3A_230] {strides = array<i32>} : memref<16384xf32, #tpu.memory_space<vmem>>, vector<16xf32>,
        %swap3A_232 = arith.constant 96 : index
        %swap3A_233 = tpu.vector_load %arg17[%swap3A_232] {strides = array<i32>} : memref<512xf32, #tpu.memory_space<vmem>>, vector<16xf32>,
        tpu.vector_store %arg17[%swap3A_232], %get3A_231 {strides = array<i32>} : memref<512xf32, #tpu.memory_space<vmem>>, vector<16xf32>,
        %add3A_234 = arith.addi %squeeze3A, %mul3A_149 : i32
        %add3A_235 = arith.constant 96 : i32
        %add3A_236 = arith.addi %add3A_234, %add3A_235 : i32
        %add3A_237 = vector.broadcast %add3A_236 : i32 to vector<16xi32>
        %add3A_238 = arith.addi %add3A_237, %iota3A : vector<16xi32>
        %swap3A_239 = arith.constant 96 : index
        %swap3A_240 = tpu.vector_load %arg18[%swap3A_239] {strides = array<i32>} : memref<512xi32, #tpu.memory_space<vmem>>, vector<16xi32>,
        tpu.vector_store %arg18[%swap3A_239], %add3A_238 {strides = array<i32>} : memref<512xi32, #tpu.memory_space<vmem>>, vector<16xi32>,
        %add3A_241 = arith.constant 112 : i32
        %add3A_242 = arith.addi %mul3A_149, %add3A_241 : i32
        %get3A_243 = arith.index_cast %add3A_242 : i32 to index
        %get3A_244 = tpu.vector_load %arg19[%get3A_243] {strides = array<i32>} : memref<16384xf32, #tpu.memory_space<vmem>>, vector<16xf32>,
        %swap3A_245 = arith.constant 112 : index
        %swap3A_246 = tpu.vector_load %arg17[%swap3A_245] {strides = array<i32>} : memref<512xf32, #tpu.memory_space<vmem>>, vector<16xf32>,
        tpu.vector_store %arg17[%swap3A_245], %get3A_244 {strides = array<i32>} : memref<512xf32, #tpu.memory_space<vmem>>, vector<16xf32>,
        %add3A_247 = arith.addi %squeeze3A, %mul3A_149 : i32
        %add3A_248 = arith.constant 112 : i32
        %add3A_249 = arith.addi %add3A_247, %add3A_248 : i32
        %add3A_250 = vector.broadcast %add3A_249 : i32 to vector<16xi32>
        %add3A_251 = arith.addi %add3A_250, %iota3A : vector<16xi32>
        %swap3A_252 = arith.constant 112 : index
        %swap3A_253 = tpu.vector_load %arg18[%swap3A_252] {strides = array<i32>} : memref<512xi32, #tpu.memory_space<vmem>>, vector<16xi32>,
        tpu.vector_store %arg18[%swap3A_252], %add3A_251 {strides = array<i32>} : memref<512xi32, #tpu.memory_space<vmem>>, vector<16xi32>,
        %add3A_254 = arith.constant 128 : i32
        %add3A_255 = arith.addi %mul3A_149, %add3A_254 : i32
        %get3A_256 = arith.index_cast %add3A_255 : i32 to index
        %get3A_257 = tpu.vector_load %arg19[%get3A_256] {strides = array<i32>} : memref<16384xf32, #tpu.memory_space<vmem>>, vector<16xf32>,
        %swap3A_258 = arith.constant 128 : index
        %swap3A_259 = tpu.vector_load %arg17[%swap3A_258] {strides = array<i32>} : memref<512xf32, #tpu.memory_space<vmem>>, vector<16xf32>,
        tpu.vector_store %arg17[%swap3A_258], %get3A_257 {strides = array<i32>} : memref<512xf32, #tpu.memory_space<vmem>>, vector<16xf32>,
        %add3A_260 = arith.addi %squeeze3A, %mul3A_149 : i32
        %add3A_261 = arith.constant 128 : i32
        %add3A_262 = arith.addi %add3A_260, %add3A_261 : i32
        %add3A_263 = vector.broadcast %add3A_262 : i32 to vector<16xi32>
        %add3A_264 = arith.addi %add3A_263, %iota3A : vector<16xi32>
        %swap3A_265 = arith.constant 128 : index
        %swap3A_266 = tpu.vector_load %arg18[%swap3A_265] {strides = array<i32>} : memref<512xi32, #tpu.memory_space<vmem>>, vector<16xi32>,
        tpu.vector_store %arg18[%swap3A_265], %add3A_264 {strides = array<i32>} : memref<512xi32, #tpu.memory_space<vmem>>, vector<16xi32>,
        %add3A_267 = arith.constant 144 : i32
        %add3A_268 = arith.addi %mul3A_149, %add3A_267 : i32
        %get3A_269 = arith.index_cast %add3A_268 : i32 to index
        %get3A_270 = tpu.vector_load %arg19[%get3A_269] {strides = array<i32>} : memref<16384xf32, #tpu.memory_space<vmem>>, vector<16xf32>,
        %swap3A_271 = arith.constant 144 : index
        %swap3A_272 = tpu.vector_load %arg17[%swap3A_271] {strides = array<i32>} : memref<512xf32, #tpu.memory_space<vmem>>, vector<16xf32>,
        tpu.vector_store %arg17[%swap3A_271], %get3A_270 {strides = array<i32>} : memref<512xf32, #tpu.memory_space<vmem>>, vector<16xf32>,
        %add3A_273 = arith.addi %squeeze3A, %mul3A_149 : i32
        %add3A_274 = arith.constant 144 : i32
        %add3A_275 = arith.addi %add3A_273, %add3A_274 : i32
        %add3A_276 = vector.broadcast %add3A_275 : i32 to vector<16xi32>
        %add3A_277 = arith.addi %add3A_276, %iota3A : vector<16xi32>
        %swap3A_278 = arith.constant 144 : index
        %swap3A_279 = tpu.vector_load %arg18[%swap3A_278] {strides = array<i32>} : memref<512xi32, #tpu.memory_space<vmem>>, vector<16xi32>,
        tpu.vector_store %arg18[%swap3A_278], %add3A_277 {strides = array<i32>} : memref<512xi32, #tpu.memory_space<vmem>>, vector<16xi32>,
        %add3A_280 = arith.constant 160 : i32
        %add3A_281 = arith.addi %mul3A_149, %add3A_280 : i32
        %get3A_282 = arith.index_cast %add3A_281 : i32 to index
        %get3A_283 = tpu.vector_load %arg19[%get3A_282] {strides = array<i32>} : memref<16384xf32, #tpu.memory_space<vmem>>, vector<16xf32>,
        %swap3A_284 = arith.constant 160 : index
        %swap3A_285 = tpu.vector_load %arg17[%swap3A_284] {strides = array<i32>} : memref<512xf32, #tpu.memory_space<vmem>>, vector<16xf32>,
        tpu.vector_store %arg17[%swap3A_284], %get3A_283 {strides = array<i32>} : memref<512xf32, #tpu.memory_space<vmem>>, vector<16xf32>,
        %add3A_286 = arith.addi %squeeze3A, %mul3A_149 : i32
        %add3A_287 = arith.constant 160 : i32
        %add3A_288 = arith.addi %add3A_286, %add3A_287 : i32
        %add3A_289 = vector.broadcast %add3A_288 : i32 to vector<16xi32>
        %add3A_290 = arith.addi %add3A_289, %iota3A : vector<16xi32>
        %swap3A_291 = arith.constant 160 : index
        %swap3A_292 = tpu.vector_load %arg18[%swap3A_291] {strides = array<i32>} : memref<512xi32, #tpu.memory_space<vmem>>, vector<16xi32>,
        tpu.vector_store %arg18[%swap3A_291], %add3A_290 {strides = array<i32>} : memref<512xi32, #tpu.memory_space<vmem>>, vector<16xi32>,
        %add3A_293 = arith.constant 176 : i32
        %add3A_294 = arith.addi %mul3A_149, %add3A_293 : i32
        %get3A_295 = arith.index_cast %add3A_294 : i32 to index
        %get3A_296 = tpu.vector_load %arg19[%get3A_295] {strides = array<i32>} : memref<16384xf32, #tpu.memory_space<vmem>>, vector<16xf32>,
        %swap3A_297 = arith.constant 176 : index
        %swap3A_298 = tpu.vector_load %arg17[%swap3A_297] {strides = array<i32>} : memref<512xf32, #tpu.memory_space<vmem>>, vector<16xf32>,
        tpu.vector_store %arg17[%swap3A_297], %get3A_296 {strides = array<i32>} : memref<512xf32, #tpu.memory_space<vmem>>, vector<16xf32>,
        %add3A_299 = arith.addi %squeeze3A, %mul3A_149 : i32
        %add3A_300 = arith.constant 176 : i32
        %add3A_301 = arith.addi %add3A_299, %add3A_300 : i32
        %add3A_302 = vector.broadcast %add3A_301 : i32 to vector<16xi32>
        %add3A_303 = arith.addi %add3A_302, %iota3A : vector<16xi32>
        %swap3A_304 = arith.constant 176 : index
        %swap3A_305 = tpu.vector_load %arg18[%swap3A_304] {strides = array<i32>} : memref<512xi32, #tpu.memory_space<vmem>>, vector<16xi32>,
        tpu.vector_store %arg18[%swap3A_304], %add3A_303 {strides = array<i32>} : memref<512xi32, #tpu.memory_space<vmem>>, vector<16xi32>,
        %add3A_306 = arith.constant 192 : i32
        %add3A_307 = arith.addi %mul3A_149, %add3A_306 : i32
        %get3A_308 = arith.index_cast %add3A_307 : i32 to index
        %get3A_309 = tpu.vector_load %arg19[%get3A_308] {strides = array<i32>} : memref<16384xf32, #tpu.memory_space<vmem>>, vector<16xf32>,
        %swap3A_310 = arith.constant 192 : index
        %swap3A_311 = tpu.vector_load %arg17[%swap3A_310] {strides = array<i32>} : memref<512xf32, #tpu.memory_space<vmem>>, vector<16xf32>,
        tpu.vector_store %arg17[%swap3A_310], %get3A_309 {strides = array<i32>} : memref<512xf32, #tpu.memory_space<vmem>>, vector<16xf32>,
        %add3A_312 = arith.addi %squeeze3A, %mul3A_149 : i32
        %add3A_313 = arith.constant 192 : i32
        %add3A_314 = arith.addi %add3A_312, %add3A_313 : i32
        %add3A_315 = vector.broadcast %add3A_314 : i32 to vector<16xi32>
        %add3A_316 = arith.addi %add3A_315, %iota3A : vector<16xi32>
        %swap3A_317 = arith.constant 192 : index
        %swap3A_318 = tpu.vector_load %arg18[%swap3A_317] {strides = array<i32>} : memref<512xi32, #tpu.memory_space<vmem>>, vector<16xi32>,
        tpu.vector_store %arg18[%swap3A_317], %add3A_316 {strides = array<i32>} : memref<512xi32, #tpu.memory_space<vmem>>, vector<16xi32>,
        %add3A_319 = arith.constant 208 : i32
        %add3A_320 = arith.addi %mul3A_149, %add3A_319 : i32
        %get3A_321 = arith.index_cast %add3A_320 : i32 to index
        %get3A_322 = tpu.vector_load %arg19[%get3A_321] {strides = array<i32>} : memref<16384xf32, #tpu.memory_space<vmem>>, vector<16xf32>,
        %swap3A_323 = arith.constant 208 : index
        %swap3A_324 = tpu.vector_load %arg17[%swap3A_323] {strides = array<i32>} : memref<512xf32, #tpu.memory_space<vmem>>, vector<16xf32>,
        tpu.vector_store %arg17[%swap3A_323], %get3A_322 {strides = array<i32>} : memref<512xf32, #tpu.memory_space<vmem>>, vector<16xf32>,
        %add3A_325 = arith.addi %squeeze3A, %mul3A_149 : i32
        %add3A_326 = arith.constant 208 : i32
        %add3A_327 = arith.addi %add3A_325, %add3A_326 : i32
        %add3A_328 = vector.broadcast %add3A_327 : i32 to vector<16xi32>
        %add3A_329 = arith.addi %add3A_328, %iota3A : vector<16xi32>
        %swap3A_330 = arith.constant 208 : index
        %swap3A_331 = tpu.vector_load %arg18[%swap3A_330] {strides = array<i32>} : memref<512xi32, #tpu.memory_space<vmem>>, vector<16xi32>,
        tpu.vector_store %arg18[%swap3A_330], %add3A_329 {strides = array<i32>} : memref<512xi32, #tpu.memory_space<vmem>>, vector<16xi32>,
        %add3A_332 = arith.constant 224 : i32
        %add3A_333 = arith.addi %mul3A_149, %add3A_332 : i32
        %get3A_334 = arith.index_cast %add3A_333 : i32 to index
        %get3A_335 = tpu.vector_load %arg19[%get3A_334] {strides = array<i32>} : memref<16384xf32, #tpu.memory_space<vmem>>, vector<16xf32>,
        %swap3A_336 = arith.constant 224 : index
        %swap3A_337 = tpu.vector_load %arg17[%swap3A_336] {strides = array<i32>} : memref<512xf32, #tpu.memory_space<vmem>>, vector<16xf32>,
        tpu.vector_store %arg17[%swap3A_336], %get3A_335 {strides = array<i32>} : memref<512xf32, #tpu.memory_space<vmem>>, vector<16xf32>,
        %add3A_338 = arith.addi %squeeze3A, %mul3A_149 : i32
        %add3A_339 = arith.constant 224 : i32
        %add3A_340 = arith.addi %add3A_338, %add3A_339 : i32
        %add3A_341 = vector.broadcast %add3A_340 : i32 to vector<16xi32>
        %add3A_342 = arith.addi %add3A_341, %iota3A : vector<16xi32>
        %swap3A_343 = arith.constant 224 : index
        %swap3A_344 = tpu.vector_load %arg18[%swap3A_343] {strides = array<i32>} : memref<512xi32, #tpu.memory_space<vmem>>, vector<16xi32>,
        tpu.vector_store %arg18[%swap3A_343], %add3A_342 {strides = array<i32>} : memref<512xi32, #tpu.memory_space<vmem>>, vector<16xi32>,
        %add3A_345 = arith.constant 240 : i32
        %add3A_346 = arith.addi %mul3A_149, %add3A_345 : i32
        %get3A_347 = arith.index_cast %add3A_346 : i32 to index
        %get3A_348 = tpu.vector_load %arg19[%get3A_347] {strides = array<i32>} : memref<16384xf32, #tpu.memory_space<vmem>>, vector<16xf32>,
        %swap3A_349 = arith.constant 240 : index
        %swap3A_350 = tpu.vector_load %arg17[%swap3A_349] {strides = array<i32>} : memref<512xf32, #tpu.memory_space<vmem>>, vector<16xf32>,
        tpu.vector_store %arg17[%swap3A_349], %get3A_348 {strides = array<i32>} : memref<512xf32, #tpu.memory_space<vmem>>, vector<16xf32>,
        %add3A_351 = arith.addi %squeeze3A, %mul3A_149 : i32
        %add3A_352 = arith.constant 240 : i32
        %add3A_353 = arith.addi %add3A_351, %add3A_352 : i32
        %add3A_354 = vector.broadcast %add3A_353 : i32 to vector<16xi32>
        %add3A_355 = arith.addi %add3A_354, %iota3A : vector<16xi32>
        %swap3A_356 = arith.constant 240 : index
        %swap3A_357 = tpu.vector_load %arg18[%swap3A_356] {strides = array<i32>} : memref<512xi32, #tpu.memory_space<vmem>>, vector<16xi32>,
        tpu.vector_store %arg18[%swap3A_356], %add3A_355 {strides = array<i32>} : memref<512xi32, #tpu.memory_space<vmem>>, vector<16xi32>,
        %add3A_358 = arith.constant 256 : i32
        %add3A_359 = arith.addi %mul3A_149, %add3A_358 : i32
        %get3A_360 = arith.index_cast %add3A_359 : i32 to index
        %get3A_361 = tpu.vector_load %arg19[%get3A_360] {strides = array<i32>} : memref<16384xf32, #tpu.memory_space<vmem>>, vector<16xf32>,
        %swap3A_362 = arith.constant 256 : index
        %swap3A_363 = tpu.vector_load %arg17[%swap3A_362] {strides = array<i32>} : memref<512xf32, #tpu.memory_space<vmem>>, vector<16xf32>,
        tpu.vector_store %arg17[%swap3A_362], %get3A_361 {strides = array<i32>} : memref<512xf32, #tpu.memory_space<vmem>>, vector<16xf32>,
        %add3A_364 = arith.addi %squeeze3A, %mul3A_149 : i32
        %add3A_365 = arith.constant 256 : i32
        %add3A_366 = arith.addi %add3A_364, %add3A_365 : i32
        %add3A_367 = vector.broadcast %add3A_366 : i32 to vector<16xi32>
        %add3A_368 = arith.addi %add3A_367, %iota3A : vector<16xi32>
        %swap3A_369 = arith.constant 256 : index
        %swap3A_370 = tpu.vector_load %arg18[%swap3A_369] {strides = array<i32>} : memref<512xi32, #tpu.memory_space<vmem>>, vector<16xi32>,
        tpu.vector_store %arg18[%swap3A_369], %add3A_368 {strides = array<i32>} : memref<512xi32, #tpu.memory_space<vmem>>, vector<16xi32>,
        %add3A_371 = arith.constant 272 : i32
        %add3A_372 = arith.addi %mul3A_149, %add3A_371 : i32
        %get3A_373 = arith.index_cast %add3A_372 : i32 to index
        %get3A_374 = tpu.vector_load %arg19[%get3A_373] {strides = array<i32>} : memref<16384xf32, #tpu.memory_space<vmem>>, vector<16xf32>,
        %swap3A_375 = arith.constant 272 : index
        %swap3A_376 = tpu.vector_load %arg17[%swap3A_375] {strides = array<i32>} : memref<512xf32, #tpu.memory_space<vmem>>, vector<16xf32>,
        tpu.vector_store %arg17[%swap3A_375], %get3A_374 {strides = array<i32>} : memref<512xf32, #tpu.memory_space<vmem>>, vector<16xf32>,
        %add3A_377 = arith.addi %squeeze3A, %mul3A_149 : i32
        %add3A_378 = arith.constant 272 : i32
        %add3A_379 = arith.addi %add3A_377, %add3A_378 : i32
        %add3A_380 = vector.broadcast %add3A_379 : i32 to vector<16xi32>
        %add3A_381 = arith.addi %add3A_380, %iota3A : vector<16xi32>
        %swap3A_382 = arith.constant 272 : index
        %swap3A_383 = tpu.vector_load %arg18[%swap3A_382] {strides = array<i32>} : memref<512xi32, #tpu.memory_space<vmem>>, vector<16xi32>,
        tpu.vector_store %arg18[%swap3A_382], %add3A_381 {strides = array<i32>} : memref<512xi32, #tpu.memory_space<vmem>>, vector<16xi32>,
        %add3A_384 = arith.constant 288 : i32
        %add3A_385 = arith.addi %mul3A_149, %add3A_384 : i32
        %get3A_386 = arith.index_cast %add3A_385 : i32 to index
        %get3A_387 = tpu.vector_load %arg19[%get3A_386] {strides = array<i32>} : memref<16384xf32, #tpu.memory_space<vmem>>, vector<16xf32>,
        %swap3A_388 = arith.constant 288 : index
        %swap3A_389 = tpu.vector_load %arg17[%swap3A_388] {strides = array<i32>} : memref<512xf32, #tpu.memory_space<vmem>>, vector<16xf32>,
        tpu.vector_store %arg17[%swap3A_388], %get3A_387 {strides = array<i32>} : memref<512xf32, #tpu.memory_space<vmem>>, vector<16xf32>,
        %add3A_390 = arith.addi %squeeze3A, %mul3A_149 : i32
        %add3A_391 = arith.constant 288 : i32
        %add3A_392 = arith.addi %add3A_390, %add3A_391 : i32
        %add3A_393 = vector.broadcast %add3A_392 : i32 to vector<16xi32>
        %add3A_394 = arith.addi %add3A_393, %iota3A : vector<16xi32>
        %swap3A_395 = arith.constant 288 : index
        %swap3A_396 = tpu.vector_load %arg18[%swap3A_395] {strides = array<i32>} : memref<512xi32, #tpu.memory_space<vmem>>, vector<16xi32>,
        tpu.vector_store %arg18[%swap3A_395], %add3A_394 {strides = array<i32>} : memref<512xi32, #tpu.memory_space<vmem>>, vector<16xi32>,
        %add3A_397 = arith.constant 304 : i32
        %add3A_398 = arith.addi %mul3A_149, %add3A_397 : i32
        %get3A_399 = arith.index_cast %add3A_398 : i32 to index
        %get3A_400 = tpu.vector_load %arg19[%get3A_399] {strides = array<i32>} : memref<16384xf32, #tpu.memory_space<vmem>>, vector<16xf32>,
        %swap3A_401 = arith.constant 304 : index
        %swap3A_402 = tpu.vector_load %arg17[%swap3A_401] {strides = array<i32>} : memref<512xf32, #tpu.memory_space<vmem>>, vector<16xf32>,
        tpu.vector_store %arg17[%swap3A_401], %get3A_400 {strides = array<i32>} : memref<512xf32, #tpu.memory_space<vmem>>, vector<16xf32>,
        %add3A_403 = arith.addi %squeeze3A, %mul3A_149 : i32
        %add3A_404 = arith.constant 304 : i32
        %add3A_405 = arith.addi %add3A_403, %add3A_404 : i32
        %add3A_406 = vector.broadcast %add3A_405 : i32 to vector<16xi32>
        %add3A_407 = arith.addi %add3A_406, %iota3A : vector<16xi32>
        %swap3A_408 = arith.constant 304 : index
        %swap3A_409 = tpu.vector_load %arg18[%swap3A_408] {strides = array<i32>} : memref<512xi32, #tpu.memory_space<vmem>>, vector<16xi32>,
        tpu.vector_store %arg18[%swap3A_408], %add3A_407 {strides = array<i32>} : memref<512xi32, #tpu.memory_space<vmem>>, vector<16xi32>,
        %add3A_410 = arith.constant 320 : i32
        %add3A_411 = arith.addi %mul3A_149, %add3A_410 : i32
        %get3A_412 = arith.index_cast %add3A_411 : i32 to index
        %get3A_413 = tpu.vector_load %arg19[%get3A_412] {strides = array<i32>} : memref<16384xf32, #tpu.memory_space<vmem>>, vector<16xf32>,
        %swap3A_414 = arith.constant 320 : index
        %swap3A_415 = tpu.vector_load %arg17[%swap3A_414] {strides = array<i32>} : memref<512xf32, #tpu.memory_space<vmem>>, vector<16xf32>,
        tpu.vector_store %arg17[%swap3A_414], %get3A_413 {strides = array<i32>} : memref<512xf32, #tpu.memory_space<vmem>>, vector<16xf32>,
        %add3A_416 = arith.addi %squeeze3A, %mul3A_149 : i32
        %add3A_417 = arith.constant 320 : i32
        %add3A_418 = arith.addi %add3A_416, %add3A_417 : i32
        %add3A_419 = vector.broadcast %add3A_418 : i32 to vector<16xi32>
        %add3A_420 = arith.addi %add3A_419, %iota3A : vector<16xi32>
        %swap3A_421 = arith.constant 320 : index
        %swap3A_422 = tpu.vector_load %arg18[%swap3A_421] {strides = array<i32>} : memref<512xi32, #tpu.memory_space<vmem>>, vector<16xi32>,
        tpu.vector_store %arg18[%swap3A_421], %add3A_420 {strides = array<i32>} : memref<512xi32, #tpu.memory_space<vmem>>, vector<16xi32>,
        %add3A_423 = arith.constant 336 : i32
        %add3A_424 = arith.addi %mul3A_149, %add3A_423 : i32
        %get3A_425 = arith.index_cast %add3A_424 : i32 to index
        %get3A_426 = tpu.vector_load %arg19[%get3A_425] {strides = array<i32>} : memref<16384xf32, #tpu.memory_space<vmem>>, vector<16xf32>,
        %swap3A_427 = arith.constant 336 : index
        %swap3A_428 = tpu.vector_load %arg17[%swap3A_427] {strides = array<i32>} : memref<512xf32, #tpu.memory_space<vmem>>, vector<16xf32>,
        tpu.vector_store %arg17[%swap3A_427], %get3A_426 {strides = array<i32>} : memref<512xf32, #tpu.memory_space<vmem>>, vector<16xf32>,
        %add3A_429 = arith.addi %squeeze3A, %mul3A_149 : i32
        %add3A_430 = arith.constant 336 : i32
        %add3A_431 = arith.addi %add3A_429, %add3A_430 : i32
        %add3A_432 = vector.broadcast %add3A_431 : i32 to vector<16xi32>
        %add3A_433 = arith.addi %add3A_432, %iota3A : vector<16xi32>
        %swap3A_434 = arith.constant 336 : index
        %swap3A_435 = tpu.vector_load %arg18[%swap3A_434] {strides = array<i32>} : memref<512xi32, #tpu.memory_space<vmem>>, vector<16xi32>,
        tpu.vector_store %arg18[%swap3A_434], %add3A_433 {strides = array<i32>} : memref<512xi32, #tpu.memory_space<vmem>>, vector<16xi32>,
        %add3A_436 = arith.constant 352 : i32
        %add3A_437 = arith.addi %mul3A_149, %add3A_436 : i32
        %get3A_438 = arith.index_cast %add3A_437 : i32 to index
        %get3A_439 = tpu.vector_load %arg19[%get3A_438] {strides = array<i32>} : memref<16384xf32, #tpu.memory_space<vmem>>, vector<16xf32>,
        %swap3A_440 = arith.constant 352 : index
        %swap3A_441 = tpu.vector_load %arg17[%swap3A_440] {strides = array<i32>} : memref<512xf32, #tpu.memory_space<vmem>>, vector<16xf32>,
        tpu.vector_store %arg17[%swap3A_440], %get3A_439 {strides = array<i32>} : memref<512xf32, #tpu.memory_space<vmem>>, vector<16xf32>,
        %add3A_442 = arith.addi %squeeze3A, %mul3A_149 : i32
        %add3A_443 = arith.constant 352 : i32
        %add3A_444 = arith.addi %add3A_442, %add3A_443 : i32
        %add3A_445 = vector.broadcast %add3A_444 : i32 to vector<16xi32>
        %add3A_446 = arith.addi %add3A_445, %iota3A : vector<16xi32>
        %swap3A_447 = arith.constant 352 : index
        %swap3A_448 = tpu.vector_load %arg18[%swap3A_447] {strides = array<i32>} : memref<512xi32, #tpu.memory_space<vmem>>, vector<16xi32>,
        tpu.vector_store %arg18[%swap3A_447], %add3A_446 {strides = array<i32>} : memref<512xi32, #tpu.memory_space<vmem>>, vector<16xi32>,
        %add3A_449 = arith.constant 368 : i32
        %add3A_450 = arith.addi %mul3A_149, %add3A_449 : i32
        %get3A_451 = arith.index_cast %add3A_450 : i32 to index
        %get3A_452 = tpu.vector_load %arg19[%get3A_451] {strides = array<i32>} : memref<16384xf32, #tpu.memory_space<vmem>>, vector<16xf32>,
        %swap3A_453 = arith.constant 368 : index
        %swap3A_454 = tpu.vector_load %arg17[%swap3A_453] {strides = array<i32>} : memref<512xf32, #tpu.memory_space<vmem>>, vector<16xf32>,
        tpu.vector_store %arg17[%swap3A_453], %get3A_452 {strides = array<i32>} : memref<512xf32, #tpu.memory_space<vmem>>, vector<16xf32>,
        %add3A_455 = arith.addi %squeeze3A, %mul3A_149 : i32
        %add3A_456 = arith.constant 368 : i32
        %add3A_457 = arith.addi %add3A_455, %add3A_456 : i32
        %add3A_458 = vector.broadcast %add3A_457 : i32 to vector<16xi32>
        %add3A_459 = arith.addi %add3A_458, %iota3A : vector<16xi32>
        %swap3A_460 = arith.constant 368 : index
        %swap3A_461 = tpu.vector_load %arg18[%swap3A_460] {strides = array<i32>} : memref<512xi32, #tpu.memory_space<vmem>>, vector<16xi32>,
        tpu.vector_store %arg18[%swap3A_460], %add3A_459 {strides = array<i32>} : memref<512xi32, #tpu.memory_space<vmem>>, vector<16xi32>,
        %add3A_462 = arith.constant 384 : i32
        %add3A_463 = arith.addi %mul3A_149, %add3A_462 : i32
        %get3A_464 = arith.index_cast %add3A_463 : i32 to index
        %get3A_465 = tpu.vector_load %arg19[%get3A_464] {strides = array<i32>} : memref<16384xf32, #tpu.memory_space<vmem>>, vector<16xf32>,
        %swap3A_466 = arith.constant 384 : index
        %swap3A_467 = tpu.vector_load %arg17[%swap3A_466] {strides = array<i32>} : memref<512xf32, #tpu.memory_space<vmem>>, vector<16xf32>,
        tpu.vector_store %arg17[%swap3A_466], %get3A_465 {strides = array<i32>} : memref<512xf32, #tpu.memory_space<vmem>>, vector<16xf32>,
        %add3A_468 = arith.addi %squeeze3A, %mul3A_149 : i32
        %add3A_469 = arith.constant 384 : i32
        %add3A_470 = arith.addi %add3A_468, %add3A_469 : i32
        %add3A_471 = vector.broadcast %add3A_470 : i32 to vector<16xi32>
        %add3A_472 = arith.addi %add3A_471, %iota3A : vector<16xi32>
        %swap3A_473 = arith.constant 384 : index
        %swap3A_474 = tpu.vector_load %arg18[%swap3A_473] {strides = array<i32>} : memref<512xi32, #tpu.memory_space<vmem>>, vector<16xi32>,
        tpu.vector_store %arg18[%swap3A_473], %add3A_472 {strides = array<i32>} : memref<512xi32, #tpu.memory_space<vmem>>, vector<16xi32>,
        %add3A_475 = arith.constant 400 : i32
        %add3A_476 = arith.addi %mul3A_149, %add3A_475 : i32
        %get3A_477 = arith.index_cast %add3A_476 : i32 to index
        %get3A_478 = tpu.vector_load %arg19[%get3A_477] {strides = array<i32>} : memref<16384xf32, #tpu.memory_space<vmem>>, vector<16xf32>,
        %swap3A_479 = arith.constant 400 : index
        %swap3A_480 = tpu.vector_load %arg17[%swap3A_479] {strides = array<i32>} : memref<512xf32, #tpu.memory_space<vmem>>, vector<16xf32>,
        tpu.vector_store %arg17[%swap3A_479], %get3A_478 {strides = array<i32>} : memref<512xf32, #tpu.memory_space<vmem>>, vector<16xf32>,
        %add3A_481 = arith.addi %squeeze3A, %mul3A_149 : i32
        %add3A_482 = arith.constant 400 : i32
        %add3A_483 = arith.addi %add3A_481, %add3A_482 : i32
        %add3A_484 = vector.broadcast %add3A_483 : i32 to vector<16xi32>
        %add3A_485 = arith.addi %add3A_484, %iota3A : vector<16xi32>
        %swap3A_486 = arith.constant 400 : index
        %swap3A_487 = tpu.vector_load %arg18[%swap3A_486] {strides = array<i32>} : memref<512xi32, #tpu.memory_space<vmem>>, vector<16xi32>,
        tpu.vector_store %arg18[%swap3A_486], %add3A_485 {strides = array<i32>} : memref<512xi32, #tpu.memory_space<vmem>>, vector<16xi32>,
        %add3A_488 = arith.constant 416 : i32
        %add3A_489 = arith.addi %mul3A_149, %add3A_488 : i32
        %get3A_490 = arith.index_cast %add3A_489 : i32 to index
        %get3A_491 = tpu.vector_load %arg19[%get3A_490] {strides = array<i32>} : memref<16384xf32, #tpu.memory_space<vmem>>, vector<16xf32>,
        %swap3A_492 = arith.constant 416 : index
        %swap3A_493 = tpu.vector_load %arg17[%swap3A_492] {strides = array<i32>} : memref<512xf32, #tpu.memory_space<vmem>>, vector<16xf32>,
        tpu.vector_store %arg17[%swap3A_492], %get3A_491 {strides = array<i32>} : memref<512xf32, #tpu.memory_space<vmem>>, vector<16xf32>,
        %add3A_494 = arith.addi %squeeze3A, %mul3A_149 : i32
        %add3A_495 = arith.constant 416 : i32
        %add3A_496 = arith.addi %add3A_494, %add3A_495 : i32
        %add3A_497 = vector.broadcast %add3A_496 : i32 to vector<16xi32>
        %add3A_498 = arith.addi %add3A_497, %iota3A : vector<16xi32>
        %swap3A_499 = arith.constant 416 : index
        %swap3A_500 = tpu.vector_load %arg18[%swap3A_499] {strides = array<i32>} : memref<512xi32, #tpu.memory_space<vmem>>, vector<16xi32>,
        tpu.vector_store %arg18[%swap3A_499], %add3A_498 {strides = array<i32>} : memref<512xi32, #tpu.memory_space<vmem>>, vector<16xi32>,
        %add3A_501 = arith.constant 432 : i32
        %add3A_502 = arith.addi %mul3A_149, %add3A_501 : i32
        %get3A_503 = arith.index_cast %add3A_502 : i32 to index
        %get3A_504 = tpu.vector_load %arg19[%get3A_503] {strides = array<i32>} : memref<16384xf32, #tpu.memory_space<vmem>>, vector<16xf32>,
        %swap3A_505 = arith.constant 432 : index
        %swap3A_506 = tpu.vector_load %arg17[%swap3A_505] {strides = array<i32>} : memref<512xf32, #tpu.memory_space<vmem>>, vector<16xf32>,
        tpu.vector_store %arg17[%swap3A_505], %get3A_504 {strides = array<i32>} : memref<512xf32, #tpu.memory_space<vmem>>, vector<16xf32>,
        %add3A_507 = arith.addi %squeeze3A, %mul3A_149 : i32
        %add3A_508 = arith.constant 432 : i32
        %add3A_509 = arith.addi %add3A_507, %add3A_508 : i32
        %add3A_510 = vector.broadcast %add3A_509 : i32 to vector<16xi32>
        %add3A_511 = arith.addi %add3A_510, %iota3A : vector<16xi32>
        %swap3A_512 = arith.constant 432 : index
        %swap3A_513 = tpu.vector_load %arg18[%swap3A_512] {strides = array<i32>} : memref<512xi32, #tpu.memory_space<vmem>>, vector<16xi32>,
        tpu.vector_store %arg18[%swap3A_512], %add3A_511 {strides = array<i32>} : memref<512xi32, #tpu.memory_space<vmem>>, vector<16xi32>,
        %add3A_514 = arith.constant 448 : i32
        %add3A_515 = arith.addi %mul3A_149, %add3A_514 : i32
        %get3A_516 = arith.index_cast %add3A_515 : i32 to index
        %get3A_517 = tpu.vector_load %arg19[%get3A_516] {strides = array<i32>} : memref<16384xf32, #tpu.memory_space<vmem>>, vector<16xf32>,
        %swap3A_518 = arith.constant 448 : index
        %swap3A_519 = tpu.vector_load %arg17[%swap3A_518] {strides = array<i32>} : memref<512xf32, #tpu.memory_space<vmem>>, vector<16xf32>,
        tpu.vector_store %arg17[%swap3A_518], %get3A_517 {strides = array<i32>} : memref<512xf32, #tpu.memory_space<vmem>>, vector<16xf32>,
        %add3A_520 = arith.addi %squeeze3A, %mul3A_149 : i32
        %add3A_521 = arith.constant 448 : i32
        %add3A_522 = arith.addi %add3A_520, %add3A_521 : i32
        %add3A_523 = vector.broadcast %add3A_522 : i32 to vector<16xi32>
        %add3A_524 = arith.addi %add3A_523, %iota3A : vector<16xi32>
        %swap3A_525 = arith.constant 448 : index
        %swap3A_526 = tpu.vector_load %arg18[%swap3A_525] {strides = array<i32>} : memref<512xi32, #tpu.memory_space<vmem>>, vector<16xi32>,
        tpu.vector_store %arg18[%swap3A_525], %add3A_524 {strides = array<i32>} : memref<512xi32, #tpu.memory_space<vmem>>, vector<16xi32>,
        %add3A_527 = arith.constant 464 : i32
        %add3A_528 = arith.addi %mul3A_149, %add3A_527 : i32
        %get3A_529 = arith.index_cast %add3A_528 : i32 to index
        %get3A_530 = tpu.vector_load %arg19[%get3A_529] {strides = array<i32>} : memref<16384xf32, #tpu.memory_space<vmem>>, vector<16xf32>,
        %swap3A_531 = arith.constant 464 : index
        %swap3A_532 = tpu.vector_load %arg17[%swap3A_531] {strides = array<i32>} : memref<512xf32, #tpu.memory_space<vmem>>, vector<16xf32>,
        tpu.vector_store %arg17[%swap3A_531], %get3A_530 {strides = array<i32>} : memref<512xf32, #tpu.memory_space<vmem>>, vector<16xf32>,
        %add3A_533 = arith.addi %squeeze3A, %mul3A_149 : i32
        %add3A_534 = arith.constant 464 : i32
        %add3A_535 = arith.addi %add3A_533, %add3A_534 : i32
        %add3A_536 = vector.broadcast %add3A_535 : i32 to vector<16xi32>
        %add3A_537 = arith.addi %add3A_536, %iota3A : vector<16xi32>
        %swap3A_538 = arith.constant 464 : index
        %swap3A_539 = tpu.vector_load %arg18[%swap3A_538] {strides = array<i32>} : memref<512xi32, #tpu.memory_space<vmem>>, vector<16xi32>,
        tpu.vector_store %arg18[%swap3A_538], %add3A_537 {strides = array<i32>} : memref<512xi32, #tpu.memory_space<vmem>>, vector<16xi32>,
        %add3A_540 = arith.constant 480 : i32
        %add3A_541 = arith.addi %mul3A_149, %add3A_540 : i32
        %get3A_542 = arith.index_cast %add3A_541 : i32 to index
        %get3A_543 = tpu.vector_load %arg19[%get3A_542] {strides = array<i32>} : memref<16384xf32, #tpu.memory_space<vmem>>, vector<16xf32>,
        %swap3A_544 = arith.constant 480 : index
        %swap3A_545 = tpu.vector_load %arg17[%swap3A_544] {strides = array<i32>} : memref<512xf32, #tpu.memory_space<vmem>>, vector<16xf32>,
        tpu.vector_store %arg17[%swap3A_544], %get3A_543 {strides = array<i32>} : memref<512xf32, #tpu.memory_space<vmem>>, vector<16xf32>,
        %add3A_546 = arith.addi %squeeze3A, %mul3A_149 : i32
        %add3A_547 = arith.constant 480 : i32
        %add3A_548 = arith.addi %add3A_546, %add3A_547 : i32
        %add3A_549 = vector.broadcast %add3A_548 : i32 to vector<16xi32>
        %add3A_550 = arith.addi %add3A_549, %iota3A : vector<16xi32>
        %swap3A_551 = arith.constant 480 : index
        %swap3A_552 = tpu.vector_load %arg18[%swap3A_551] {strides = array<i32>} : memref<512xi32, #tpu.memory_space<vmem>>, vector<16xi32>,
        tpu.vector_store %arg18[%swap3A_551], %add3A_550 {strides = array<i32>} : memref<512xi32, #tpu.memory_space<vmem>>, vector<16xi32>,
        %add3A_553 = arith.constant 496 : i32
        %add3A_554 = arith.addi %mul3A_149, %add3A_553 : i32
        %get3A_555 = arith.index_cast %add3A_554 : i32 to index
        %get3A_556 = tpu.vector_load %arg19[%get3A_555] {strides = array<i32>} : memref<16384xf32, #tpu.memory_space<vmem>>, vector<16xf32>,
        %swap3A_557 = arith.constant 496 : index
        %swap3A_558 = tpu.vector_load %arg17[%swap3A_557] {strides = array<i32>} : memref<512xf32, #tpu.memory_space<vmem>>, vector<16xf32>,
        tpu.vector_store %arg17[%swap3A_557], %get3A_556 {strides = array<i32>} : memref<512xf32, #tpu.memory_space<vmem>>, vector<16xf32>,
        %add3A_559 = arith.addi %squeeze3A, %mul3A_149 : i32
        %add3A_560 = arith.constant 496 : i32
        %add3A_561 = arith.addi %add3A_559, %add3A_560 : i32
        %add3A_562 = vector.broadcast %add3A_561 : i32 to vector<16xi32>
        %add3A_563 = arith.addi %add3A_562, %iota3A : vector<16xi32>
        %swap3A_564 = arith.constant 496 : index
        %swap3A_565 = tpu.vector_load %arg18[%swap3A_564] {strides = array<i32>} : memref<512xi32, #tpu.memory_space<vmem>>, vector<16xi32>,
        tpu.vector_store %arg18[%swap3A_564], %add3A_563 {strides = array<i32>} : memref<512xi32, #tpu.memory_space<vmem>>, vector<16xi32>,
        %dma_start3A_566 = arith.constant 0 : i32
        %dma_start3A_567 = tpu.memref_slice %arg20[%dma_start3A_566] : memref<100352xf32, #tpu.memory_space<vmem_shared>> -> memref<100352xf32, #tpu.memory_space<vmem_shared>>
        tpu.enqueue_indirect_dma source(%arg17 : memref<512xf32, #tpu.memory_space<vmem>>) target(%dma_start3A_567 : memref<100352xf32, #tpu.memory_space<vmem_shared>>) offsets(%arg18 : memref<512xi32, #tpu.memory_space<vmem>>) semaphore(%arg26 : memref<!tpu.dma_semaphore, #tpu.memory_space<semaphore_mem>>) {add = true}
        %dma_wait3A = arith.constant 0 : i32
        %dma_wait3A_568 = tpu.memref_slice %arg20[%dma_wait3A] : memref<100352xf32, #tpu.memory_space<vmem_shared>> -> memref<100352xf32, #tpu.memory_space<vmem_shared>>
        tpu.wait_indirect_dma semaphore(%arg26 : memref<!tpu.dma_semaphore, #tpu.memory_space<semaphore_mem>>) src(%arg17 : memref<512xf32, #tpu.memory_space<vmem>>) dst(%dma_wait3A_568 : memref<100352xf32, #tpu.memory_space<vmem_shared>>)
      }
      %while3A_146 = arith.constant 1 : i32
      scf.for %while3A_147 = %while3A_144 to %while3A_140 step %while3A_146  : i32 {
        %mul3A_148 = arith.constant 512 : i32
        %mul3A_149 = arith.muli %while3A_147, %mul3A_148 : i32
        %add3A_150 = arith.constant 0 : i32
        %add3A_151 = arith.addi %mul3A_149, %add3A_150 : i32
        %get3A_152 = arith.index_cast %add3A_151 : i32 to index
        %get3A_153 = tpu.vector_load %arg19[%get3A_152] {strides = array<i32>} : memref<16384xf32, #tpu.memory_space<vmem>>, vector<16xf32>,
        %swap3A_154 = arith.constant 0 : index
        %swap3A_155 = tpu.vector_load %arg17[%swap3A_154] {strides = array<i32>} : memref<512xf32, #tpu.memory_space<vmem>>, vector<16xf32>,
        tpu.vector_store %arg17[%swap3A_154], %get3A_153 {strides = array<i32>} : memref<512xf32, #tpu.memory_space<vmem>>, vector<16xf32>,
        %add3A_156 = arith.addi %squeeze3A, %mul3A_149 : i32
        %add3A_157 = arith.constant 0 : i32
        %add3A_158 = arith.addi %add3A_156, %add3A_157 : i32
        %add3A_159 = vector.broadcast %add3A_158 : i32 to vector<16xi32>
        %add3A_160 = arith.addi %add3A_159, %iota3A : vector<16xi32>
        %swap3A_161 = arith.constant 0 : index
        %swap3A_162 = tpu.vector_load %arg18[%swap3A_161] {strides = array<i32>} : memref<512xi32, #tpu.memory_space<vmem>>, vector<16xi32>,
        tpu.vector_store %arg18[%swap3A_161], %add3A_160 {strides = array<i32>} : memref<512xi32, #tpu.memory_space<vmem>>, vector<16xi32>,
        %add3A_163 = arith.constant 16 : i32
        %add3A_164 = arith.addi %mul3A_149, %add3A_163 : i32
        %get3A_165 = arith.index_cast %add3A_164 : i32 to index
        %get3A_166 = tpu.vector_load %arg19[%get3A_165] {strides = array<i32>} : memref<16384xf32, #tpu.memory_space<vmem>>, vector<16xf32>,
        %swap3A_167 = arith.constant 16 : index
        %swap3A_168 = tpu.vector_load %arg17[%swap3A_167] {strides = array<i32>} : memref<512xf32, #tpu.memory_space<vmem>>, vector<16xf32>,
        tpu.vector_store %arg17[%swap3A_167], %get3A_166 {strides = array<i32>} : memref<512xf32, #tpu.memory_space<vmem>>, vector<16xf32>,
        %add3A_169 = arith.addi %squeeze3A, %mul3A_149 : i32
        %add3A_170 = arith.constant 16 : i32
        %add3A_171 = arith.addi %add3A_169, %add3A_170 : i32
        %add3A_172 = vector.broadcast %add3A_171 : i32 to vector<16xi32>
        %add3A_173 = arith.addi %add3A_172, %iota3A : vector<16xi32>
        %swap3A_174 = arith.constant 16 : index
        %swap3A_175 = tpu.vector_load %arg18[%swap3A_174] {strides = array<i32>} : memref<512xi32, #tpu.memory_space<vmem>>, vector<16xi32>,
        tpu.vector_store %arg18[%swap3A_174], %add3A_173 {strides = array<i32>} : memref<512xi32, #tpu.memory_space<vmem>>, vector<16xi32>,
        %add3A_176 = arith.constant 32 : i32
        %add3A_177 = arith.addi %mul3A_149, %add3A_176 : i32
        %get3A_178 = arith.index_cast %add3A_177 : i32 to index
        %get3A_179 = tpu.vector_load %arg19[%get3A_178] {strides = array<i32>} : memref<16384xf32, #tpu.memory_space<vmem>>, vector<16xf32>,
        %swap3A_180 = arith.constant 32 : index
        %swap3A_181 = tpu.vector_load %arg17[%swap3A_180] {strides = array<i32>} : memref<512xf32, #tpu.memory_space<vmem>>, vector<16xf32>,
        tpu.vector_store %arg17[%swap3A_180], %get3A_179 {strides = array<i32>} : memref<512xf32, #tpu.memory_space<vmem>>, vector<16xf32>,
        %add3A_182 = arith.addi %squeeze3A, %mul3A_149 : i32
        %add3A_183 = arith.constant 32 : i32
        %add3A_184 = arith.addi %add3A_182, %add3A_183 : i32
        %add3A_185 = vector.broadcast %add3A_184 : i32 to vector<16xi32>
        %add3A_186 = arith.addi %add3A_185, %iota3A : vector<16xi32>
        %swap3A_187 = arith.constant 32 : index
        %swap3A_188 = tpu.vector_load %arg18[%swap3A_187] {strides = array<i32>} : memref<512xi32, #tpu.memory_space<vmem>>, vector<16xi32>,
        tpu.vector_store %arg18[%swap3A_187], %add3A_186 {strides = array<i32>} : memref<512xi32, #tpu.memory_space<vmem>>, vector<16xi32>,
        %add3A_189 = arith.constant 48 : i32
        %add3A_190 = arith.addi %mul3A_149, %add3A_189 : i32
        %get3A_191 = arith.index_cast %add3A_190 : i32 to index
        %get3A_192 = tpu.vector_load %arg19[%get3A_191] {strides = array<i32>} : memref<16384xf32, #tpu.memory_space<vmem>>, vector<16xf32>,
        %swap3A_193 = arith.constant 48 : index
        %swap3A_194 = tpu.vector_load %arg17[%swap3A_193] {strides = array<i32>} : memref<512xf32, #tpu.memory_space<vmem>>, vector<16xf32>,
        tpu.vector_store %arg17[%swap3A_193], %get3A_192 {strides = array<i32>} : memref<512xf32, #tpu.memory_space<vmem>>, vector<16xf32>,
        %add3A_195 = arith.addi %squeeze3A, %mul3A_149 : i32
        %add3A_196 = arith.constant 48 : i32
        %add3A_197 = arith.addi %add3A_195, %add3A_196 : i32
        %add3A_198 = vector.broadcast %add3A_197 : i32 to vector<16xi32>
        %add3A_199 = arith.addi %add3A_198, %iota3A : vector<16xi32>
        %swap3A_200 = arith.constant 48 : index
        %swap3A_201 = tpu.vector_load %arg18[%swap3A_200] {strides = array<i32>} : memref<512xi32, #tpu.memory_space<vmem>>, vector<16xi32>,
        tpu.vector_store %arg18[%swap3A_200], %add3A_199 {strides = array<i32>} : memref<512xi32, #tpu.memory_space<vmem>>, vector<16xi32>,
        %add3A_202 = arith.constant 64 : i32
        %add3A_203 = arith.addi %mul3A_149, %add3A_202 : i32
        %get3A_204 = arith.index_cast %add3A_203 : i32 to index
        %get3A_205 = tpu.vector_load %arg19[%get3A_204] {strides = array<i32>} : memref<16384xf32, #tpu.memory_space<vmem>>, vector<16xf32>,
        %swap3A_206 = arith.constant 64 : index
        %swap3A_207 = tpu.vector_load %arg17[%swap3A_206] {strides = array<i32>} : memref<512xf32, #tpu.memory_space<vmem>>, vector<16xf32>,
        tpu.vector_store %arg17[%swap3A_206], %get3A_205 {strides = array<i32>} : memref<512xf32, #tpu.memory_space<vmem>>, vector<16xf32>,
        %add3A_208 = arith.addi %squeeze3A, %mul3A_149 : i32
        %add3A_209 = arith.constant 64 : i32
        %add3A_210 = arith.addi %add3A_208, %add3A_209 : i32
        %add3A_211 = vector.broadcast %add3A_210 : i32 to vector<16xi32>
        %add3A_212 = arith.addi %add3A_211, %iota3A : vector<16xi32>
        %swap3A_213 = arith.constant 64 : index
        %swap3A_214 = tpu.vector_load %arg18[%swap3A_213] {strides = array<i32>} : memref<512xi32, #tpu.memory_space<vmem>>, vector<16xi32>,
        tpu.vector_store %arg18[%swap3A_213], %add3A_212 {strides = array<i32>} : memref<512xi32, #tpu.memory_space<vmem>>, vector<16xi32>,
        %add3A_215 = arith.constant 80 : i32
        %add3A_216 = arith.addi %mul3A_149, %add3A_215 : i32
        %get3A_217 = arith.index_cast %add3A_216 : i32 to index
        %get3A_218 = tpu.vector_load %arg19[%get3A_217] {strides = array<i32>} : memref<16384xf32, #tpu.memory_space<vmem>>, vector<16xf32>,
        %swap3A_219 = arith.constant 80 : index
        %swap3A_220 = tpu.vector_load %arg17[%swap3A_219] {strides = array<i32>} : memref<512xf32, #tpu.memory_space<vmem>>, vector<16xf32>,
        tpu.vector_store %arg17[%swap3A_219], %get3A_218 {strides = array<i32>} : memref<512xf32, #tpu.memory_space<vmem>>, vector<16xf32>,
        %add3A_221 = arith.addi %squeeze3A, %mul3A_149 : i32
        %add3A_222 = arith.constant 80 : i32
        %add3A_223 = arith.addi %add3A_221, %add3A_222 : i32
        %add3A_224 = vector.broadcast %add3A_223 : i32 to vector<16xi32>
        %add3A_225 = arith.addi %add3A_224, %iota3A : vector<16xi32>
        %swap3A_226 = arith.constant 80 : index
        %swap3A_227 = tpu.vector_load %arg18[%swap3A_226] {strides = array<i32>} : memref<512xi32, #tpu.memory_space<vmem>>, vector<16xi32>,
        tpu.vector_store %arg18[%swap3A_226], %add3A_225 {strides = array<i32>} : memref<512xi32, #tpu.memory_space<vmem>>, vector<16xi32>,
        %add3A_228 = arith.constant 96 : i32
        %add3A_229 = arith.addi %mul3A_149, %add3A_228 : i32
        %get3A_230 = arith.index_cast %add3A_229 : i32 to index
        %get3A_231 = tpu.vector_load %arg19[%get3A_230] {strides = array<i32>} : memref<16384xf32, #tpu.memory_space<vmem>>, vector<16xf32>,
        %swap3A_232 = arith.constant 96 : index
        %swap3A_233 = tpu.vector_load %arg17[%swap3A_232] {strides = array<i32>} : memref<512xf32, #tpu.memory_space<vmem>>, vector<16xf32>,
        tpu.vector_store %arg17[%swap3A_232], %get3A_231 {strides = array<i32>} : memref<512xf32, #tpu.memory_space<vmem>>, vector<16xf32>,
        %add3A_234 = arith.addi %squeeze3A, %mul3A_149 : i32
        %add3A_235 = arith.constant 96 : i32
        %add3A_236 = arith.addi %add3A_234, %add3A_235 : i32
        %add3A_237 = vector.broadcast %add3A_236 : i32 to vector<16xi32>
        %add3A_238 = arith.addi %add3A_237, %iota3A : vector<16xi32>
        %swap3A_239 = arith.constant 96 : index
        %swap3A_240 = tpu.vector_load %arg18[%swap3A_239] {strides = array<i32>} : memref<512xi32, #tpu.memory_space<vmem>>, vector<16xi32>,
        tpu.vector_store %arg18[%swap3A_239], %add3A_238 {strides = array<i32>} : memref<512xi32, #tpu.memory_space<vmem>>, vector<16xi32>,
        %add3A_241 = arith.constant 112 : i32
        %add3A_242 = arith.addi %mul3A_149, %add3A_241 : i32
        %get3A_243 = arith.index_cast %add3A_242 : i32 to index
        %get3A_244 = tpu.vector_load %arg19[%get3A_243] {strides = array<i32>} : memref<16384xf32, #tpu.memory_space<vmem>>, vector<16xf32>,
        %swap3A_245 = arith.constant 112 : index
        %swap3A_246 = tpu.vector_load %arg17[%swap3A_245] {strides = array<i32>} : memref<512xf32, #tpu.memory_space<vmem>>, vector<16xf32>,
        tpu.vector_store %arg17[%swap3A_245], %get3A_244 {strides = array<i32>} : memref<512xf32, #tpu.memory_space<vmem>>, vector<16xf32>,
        %add3A_247 = arith.addi %squeeze3A, %mul3A_149 : i32
        %add3A_248 = arith.constant 112 : i32
        %add3A_249 = arith.addi %add3A_247, %add3A_248 : i32
        %add3A_250 = vector.broadcast %add3A_249 : i32 to vector<16xi32>
        %add3A_251 = arith.addi %add3A_250, %iota3A : vector<16xi32>
        %swap3A_252 = arith.constant 112 : index
        %swap3A_253 = tpu.vector_load %arg18[%swap3A_252] {strides = array<i32>} : memref<512xi32, #tpu.memory_space<vmem>>, vector<16xi32>,
        tpu.vector_store %arg18[%swap3A_252], %add3A_251 {strides = array<i32>} : memref<512xi32, #tpu.memory_space<vmem>>, vector<16xi32>,
        %add3A_254 = arith.constant 128 : i32
        %add3A_255 = arith.addi %mul3A_149, %add3A_254 : i32
        %get3A_256 = arith.index_cast %add3A_255 : i32 to index
        %get3A_257 = tpu.vector_load %arg19[%get3A_256] {strides = array<i32>} : memref<16384xf32, #tpu.memory_space<vmem>>, vector<16xf32>,
        %swap3A_258 = arith.constant 128 : index
        %swap3A_259 = tpu.vector_load %arg17[%swap3A_258] {strides = array<i32>} : memref<512xf32, #tpu.memory_space<vmem>>, vector<16xf32>,
        tpu.vector_store %arg17[%swap3A_258], %get3A_257 {strides = array<i32>} : memref<512xf32, #tpu.memory_space<vmem>>, vector<16xf32>,
        %add3A_260 = arith.addi %squeeze3A, %mul3A_149 : i32
        %add3A_261 = arith.constant 128 : i32
        %add3A_262 = arith.addi %add3A_260, %add3A_261 : i32
        %add3A_263 = vector.broadcast %add3A_262 : i32 to vector<16xi32>
        %add3A_264 = arith.addi %add3A_263, %iota3A : vector<16xi32>
        %swap3A_265 = arith.constant 128 : index
        %swap3A_266 = tpu.vector_load %arg18[%swap3A_265] {strides = array<i32>} : memref<512xi32, #tpu.memory_space<vmem>>, vector<16xi32>,
        tpu.vector_store %arg18[%swap3A_265], %add3A_264 {strides = array<i32>} : memref<512xi32, #tpu.memory_space<vmem>>, vector<16xi32>,
        %add3A_267 = arith.constant 144 : i32
        %add3A_268 = arith.addi %mul3A_149, %add3A_267 : i32
        %get3A_269 = arith.index_cast %add3A_268 : i32 to index
        %get3A_270 = tpu.vector_load %arg19[%get3A_269] {strides = array<i32>} : memref<16384xf32, #tpu.memory_space<vmem>>, vector<16xf32>,
        %swap3A_271 = arith.constant 144 : index
        %swap3A_272 = tpu.vector_load %arg17[%swap3A_271] {strides = array<i32>} : memref<512xf32, #tpu.memory_space<vmem>>, vector<16xf32>,
        tpu.vector_store %arg17[%swap3A_271], %get3A_270 {strides = array<i32>} : memref<512xf32, #tpu.memory_space<vmem>>, vector<16xf32>,
        %add3A_273 = arith.addi %squeeze3A, %mul3A_149 : i32
        %add3A_274 = arith.constant 144 : i32
        %add3A_275 = arith.addi %add3A_273, %add3A_274 : i32
        %add3A_276 = vector.broadcast %add3A_275 : i32 to vector<16xi32>
        %add3A_277 = arith.addi %add3A_276, %iota3A : vector<16xi32>
        %swap3A_278 = arith.constant 144 : index
        %swap3A_279 = tpu.vector_load %arg18[%swap3A_278] {strides = array<i32>} : memref<512xi32, #tpu.memory_space<vmem>>, vector<16xi32>,
        tpu.vector_store %arg18[%swap3A_278], %add3A_277 {strides = array<i32>} : memref<512xi32, #tpu.memory_space<vmem>>, vector<16xi32>,
        %add3A_280 = arith.constant 160 : i32
        %add3A_281 = arith.addi %mul3A_149, %add3A_280 : i32
        %get3A_282 = arith.index_cast %add3A_281 : i32 to index
        %get3A_283 = tpu.vector_load %arg19[%get3A_282] {strides = array<i32>} : memref<16384xf32, #tpu.memory_space<vmem>>, vector<16xf32>,
        %swap3A_284 = arith.constant 160 : index
        %swap3A_285 = tpu.vector_load %arg17[%swap3A_284] {strides = array<i32>} : memref<512xf32, #tpu.memory_space<vmem>>, vector<16xf32>,
        tpu.vector_store %arg17[%swap3A_284], %get3A_283 {strides = array<i32>} : memref<512xf32, #tpu.memory_space<vmem>>, vector<16xf32>,
        %add3A_286 = arith.addi %squeeze3A, %mul3A_149 : i32
        %add3A_287 = arith.constant 160 : i32
        %add3A_288 = arith.addi %add3A_286, %add3A_287 : i32
        %add3A_289 = vector.broadcast %add3A_288 : i32 to vector<16xi32>
        %add3A_290 = arith.addi %add3A_289, %iota3A : vector<16xi32>
        %swap3A_291 = arith.constant 160 : index
        %swap3A_292 = tpu.vector_load %arg18[%swap3A_291] {strides = array<i32>} : memref<512xi32, #tpu.memory_space<vmem>>, vector<16xi32>,
        tpu.vector_store %arg18[%swap3A_291], %add3A_290 {strides = array<i32>} : memref<512xi32, #tpu.memory_space<vmem>>, vector<16xi32>,
        %add3A_293 = arith.constant 176 : i32
        %add3A_294 = arith.addi %mul3A_149, %add3A_293 : i32
        %get3A_295 = arith.index_cast %add3A_294 : i32 to index
        %get3A_296 = tpu.vector_load %arg19[%get3A_295] {strides = array<i32>} : memref<16384xf32, #tpu.memory_space<vmem>>, vector<16xf32>,
        %swap3A_297 = arith.constant 176 : index
        %swap3A_298 = tpu.vector_load %arg17[%swap3A_297] {strides = array<i32>} : memref<512xf32, #tpu.memory_space<vmem>>, vector<16xf32>,
        tpu.vector_store %arg17[%swap3A_297], %get3A_296 {strides = array<i32>} : memref<512xf32, #tpu.memory_space<vmem>>, vector<16xf32>,
        %add3A_299 = arith.addi %squeeze3A, %mul3A_149 : i32
        %add3A_300 = arith.constant 176 : i32
        %add3A_301 = arith.addi %add3A_299, %add3A_300 : i32
        %add3A_302 = vector.broadcast %add3A_301 : i32 to vector<16xi32>
        %add3A_303 = arith.addi %add3A_302, %iota3A : vector<16xi32>
        %swap3A_304 = arith.constant 176 : index
        %swap3A_305 = tpu.vector_load %arg18[%swap3A_304] {strides = array<i32>} : memref<512xi32, #tpu.memory_space<vmem>>, vector<16xi32>,
        tpu.vector_store %arg18[%swap3A_304], %add3A_303 {strides = array<i32>} : memref<512xi32, #tpu.memory_space<vmem>>, vector<16xi32>,
        %add3A_306 = arith.constant 192 : i32
        %add3A_307 = arith.addi %mul3A_149, %add3A_306 : i32
        %get3A_308 = arith.index_cast %add3A_307 : i32 to index
        %get3A_309 = tpu.vector_load %arg19[%get3A_308] {strides = array<i32>} : memref<16384xf32, #tpu.memory_space<vmem>>, vector<16xf32>,
        %swap3A_310 = arith.constant 192 : index
        %swap3A_311 = tpu.vector_load %arg17[%swap3A_310] {strides = array<i32>} : memref<512xf32, #tpu.memory_space<vmem>>, vector<16xf32>,
        tpu.vector_store %arg17[%swap3A_310], %get3A_309 {strides = array<i32>} : memref<512xf32, #tpu.memory_space<vmem>>, vector<16xf32>,
        %add3A_312 = arith.addi %squeeze3A, %mul3A_149 : i32
        %add3A_313 = arith.constant 192 : i32
        %add3A_314 = arith.addi %add3A_312, %add3A_313 : i32
        %add3A_315 = vector.broadcast %add3A_314 : i32 to vector<16xi32>
        %add3A_316 = arith.addi %add3A_315, %iota3A : vector<16xi32>
        %swap3A_317 = arith.constant 192 : index
        %swap3A_318 = tpu.vector_load %arg18[%swap3A_317] {strides = array<i32>} : memref<512xi32, #tpu.memory_space<vmem>>, vector<16xi32>,
        tpu.vector_store %arg18[%swap3A_317], %add3A_316 {strides = array<i32>} : memref<512xi32, #tpu.memory_space<vmem>>, vector<16xi32>,
        %add3A_319 = arith.constant 208 : i32
        %add3A_320 = arith.addi %mul3A_149, %add3A_319 : i32
        %get3A_321 = arith.index_cast %add3A_320 : i32 to index
        %get3A_322 = tpu.vector_load %arg19[%get3A_321] {strides = array<i32>} : memref<16384xf32, #tpu.memory_space<vmem>>, vector<16xf32>,
        %swap3A_323 = arith.constant 208 : index
        %swap3A_324 = tpu.vector_load %arg17[%swap3A_323] {strides = array<i32>} : memref<512xf32, #tpu.memory_space<vmem>>, vector<16xf32>,
        tpu.vector_store %arg17[%swap3A_323], %get3A_322 {strides = array<i32>} : memref<512xf32, #tpu.memory_space<vmem>>, vector<16xf32>,
        %add3A_325 = arith.addi %squeeze3A, %mul3A_149 : i32
        %add3A_326 = arith.constant 208 : i32
        %add3A_327 = arith.addi %add3A_325, %add3A_326 : i32
        %add3A_328 = vector.broadcast %add3A_327 : i32 to vector<16xi32>
        %add3A_329 = arith.addi %add3A_328, %iota3A : vector<16xi32>
        %swap3A_330 = arith.constant 208 : index
        %swap3A_331 = tpu.vector_load %arg18[%swap3A_330] {strides = array<i32>} : memref<512xi32, #tpu.memory_space<vmem>>, vector<16xi32>,
        tpu.vector_store %arg18[%swap3A_330], %add3A_329 {strides = array<i32>} : memref<512xi32, #tpu.memory_space<vmem>>, vector<16xi32>,
        %add3A_332 = arith.constant 224 : i32
        %add3A_333 = arith.addi %mul3A_149, %add3A_332 : i32
        %get3A_334 = arith.index_cast %add3A_333 : i32 to index
        %get3A_335 = tpu.vector_load %arg19[%get3A_334] {strides = array<i32>} : memref<16384xf32, #tpu.memory_space<vmem>>, vector<16xf32>,
        %swap3A_336 = arith.constant 224 : index
        %swap3A_337 = tpu.vector_load %arg17[%swap3A_336] {strides = array<i32>} : memref<512xf32, #tpu.memory_space<vmem>>, vector<16xf32>,
        tpu.vector_store %arg17[%swap3A_336], %get3A_335 {strides = array<i32>} : memref<512xf32, #tpu.memory_space<vmem>>, vector<16xf32>,
        %add3A_338 = arith.addi %squeeze3A, %mul3A_149 : i32
        %add3A_339 = arith.constant 224 : i32
        %add3A_340 = arith.addi %add3A_338, %add3A_339 : i32
        %add3A_341 = vector.broadcast %add3A_340 : i32 to vector<16xi32>
        %add3A_342 = arith.addi %add3A_341, %iota3A : vector<16xi32>
        %swap3A_343 = arith.constant 224 : index
        %swap3A_344 = tpu.vector_load %arg18[%swap3A_343] {strides = array<i32>} : memref<512xi32, #tpu.memory_space<vmem>>, vector<16xi32>,
        tpu.vector_store %arg18[%swap3A_343], %add3A_342 {strides = array<i32>} : memref<512xi32, #tpu.memory_space<vmem>>, vector<16xi32>,
        %add3A_345 = arith.constant 240 : i32
        %add3A_346 = arith.addi %mul3A_149, %add3A_345 : i32
        %get3A_347 = arith.index_cast %add3A_346 : i32 to index
        %get3A_348 = tpu.vector_load %arg19[%get3A_347] {strides = array<i32>} : memref<16384xf32, #tpu.memory_space<vmem>>, vector<16xf32>,
        %swap3A_349 = arith.constant 240 : index
        %swap3A_350 = tpu.vector_load %arg17[%swap3A_349] {strides = array<i32>} : memref<512xf32, #tpu.memory_space<vmem>>, vector<16xf32>,
        tpu.vector_store %arg17[%swap3A_349], %get3A_348 {strides = array<i32>} : memref<512xf32, #tpu.memory_space<vmem>>, vector<16xf32>,
        %add3A_351 = arith.addi %squeeze3A, %mul3A_149 : i32
        %add3A_352 = arith.constant 240 : i32
        %add3A_353 = arith.addi %add3A_351, %add3A_352 : i32
        %add3A_354 = vector.broadcast %add3A_353 : i32 to vector<16xi32>
        %add3A_355 = arith.addi %add3A_354, %iota3A : vector<16xi32>
        %swap3A_356 = arith.constant 240 : index
        %swap3A_357 = tpu.vector_load %arg18[%swap3A_356] {strides = array<i32>} : memref<512xi32, #tpu.memory_space<vmem>>, vector<16xi32>,
        tpu.vector_store %arg18[%swap3A_356], %add3A_355 {strides = array<i32>} : memref<512xi32, #tpu.memory_space<vmem>>, vector<16xi32>,
        %add3A_358 = arith.constant 256 : i32
        %add3A_359 = arith.addi %mul3A_149, %add3A_358 : i32
        %get3A_360 = arith.index_cast %add3A_359 : i32 to index
        %get3A_361 = tpu.vector_load %arg19[%get3A_360] {strides = array<i32>} : memref<16384xf32, #tpu.memory_space<vmem>>, vector<16xf32>,
        %swap3A_362 = arith.constant 256 : index
        %swap3A_363 = tpu.vector_load %arg17[%swap3A_362] {strides = array<i32>} : memref<512xf32, #tpu.memory_space<vmem>>, vector<16xf32>,
        tpu.vector_store %arg17[%swap3A_362], %get3A_361 {strides = array<i32>} : memref<512xf32, #tpu.memory_space<vmem>>, vector<16xf32>,
        %add3A_364 = arith.addi %squeeze3A, %mul3A_149 : i32
        %add3A_365 = arith.constant 256 : i32
        %add3A_366 = arith.addi %add3A_364, %add3A_365 : i32
        %add3A_367 = vector.broadcast %add3A_366 : i32 to vector<16xi32>
        %add3A_368 = arith.addi %add3A_367, %iota3A : vector<16xi32>
        %swap3A_369 = arith.constant 256 : index
        %swap3A_370 = tpu.vector_load %arg18[%swap3A_369] {strides = array<i32>} : memref<512xi32, #tpu.memory_space<vmem>>, vector<16xi32>,
        tpu.vector_store %arg18[%swap3A_369], %add3A_368 {strides = array<i32>} : memref<512xi32, #tpu.memory_space<vmem>>, vector<16xi32>,
        %add3A_371 = arith.constant 272 : i32
        %add3A_372 = arith.addi %mul3A_149, %add3A_371 : i32
        %get3A_373 = arith.index_cast %add3A_372 : i32 to index
        %get3A_374 = tpu.vector_load %arg19[%get3A_373] {strides = array<i32>} : memref<16384xf32, #tpu.memory_space<vmem>>, vector<16xf32>,
        %swap3A_375 = arith.constant 272 : index
        %swap3A_376 = tpu.vector_load %arg17[%swap3A_375] {strides = array<i32>} : memref<512xf32, #tpu.memory_space<vmem>>, vector<16xf32>,
        tpu.vector_store %arg17[%swap3A_375], %get3A_374 {strides = array<i32>} : memref<512xf32, #tpu.memory_space<vmem>>, vector<16xf32>,
        %add3A_377 = arith.addi %squeeze3A, %mul3A_149 : i32
        %add3A_378 = arith.constant 272 : i32
        %add3A_379 = arith.addi %add3A_377, %add3A_378 : i32
        %add3A_380 = vector.broadcast %add3A_379 : i32 to vector<16xi32>
        %add3A_381 = arith.addi %add3A_380, %iota3A : vector<16xi32>
        %swap3A_382 = arith.constant 272 : index
        %swap3A_383 = tpu.vector_load %arg18[%swap3A_382] {strides = array<i32>} : memref<512xi32, #tpu.memory_space<vmem>>, vector<16xi32>,
        tpu.vector_store %arg18[%swap3A_382], %add3A_381 {strides = array<i32>} : memref<512xi32, #tpu.memory_space<vmem>>, vector<16xi32>,
        %add3A_384 = arith.constant 288 : i32
        %add3A_385 = arith.addi %mul3A_149, %add3A_384 : i32
        %get3A_386 = arith.index_cast %add3A_385 : i32 to index
        %get3A_387 = tpu.vector_load %arg19[%get3A_386] {strides = array<i32>} : memref<16384xf32, #tpu.memory_space<vmem>>, vector<16xf32>,
        %swap3A_388 = arith.constant 288 : index
        %swap3A_389 = tpu.vector_load %arg17[%swap3A_388] {strides = array<i32>} : memref<512xf32, #tpu.memory_space<vmem>>, vector<16xf32>,
        tpu.vector_store %arg17[%swap3A_388], %get3A_387 {strides = array<i32>} : memref<512xf32, #tpu.memory_space<vmem>>, vector<16xf32>,
        %add3A_390 = arith.addi %squeeze3A, %mul3A_149 : i32
        %add3A_391 = arith.constant 288 : i32
        %add3A_392 = arith.addi %add3A_390, %add3A_391 : i32
        %add3A_393 = vector.broadcast %add3A_392 : i32 to vector<16xi32>
        %add3A_394 = arith.addi %add3A_393, %iota3A : vector<16xi32>
        %swap3A_395 = arith.constant 288 : index
        %swap3A_396 = tpu.vector_load %arg18[%swap3A_395] {strides = array<i32>} : memref<512xi32, #tpu.memory_space<vmem>>, vector<16xi32>,
        tpu.vector_store %arg18[%swap3A_395], %add3A_394 {strides = array<i32>} : memref<512xi32, #tpu.memory_space<vmem>>, vector<16xi32>,
        %add3A_397 = arith.constant 304 : i32
        %add3A_398 = arith.addi %mul3A_149, %add3A_397 : i32
        %get3A_399 = arith.index_cast %add3A_398 : i32 to index
        %get3A_400 = tpu.vector_load %arg19[%get3A_399] {strides = array<i32>} : memref<16384xf32, #tpu.memory_space<vmem>>, vector<16xf32>,
        %swap3A_401 = arith.constant 304 : index
        %swap3A_402 = tpu.vector_load %arg17[%swap3A_401] {strides = array<i32>} : memref<512xf32, #tpu.memory_space<vmem>>, vector<16xf32>,
        tpu.vector_store %arg17[%swap3A_401], %get3A_400 {strides = array<i32>} : memref<512xf32, #tpu.memory_space<vmem>>, vector<16xf32>,
        %add3A_403 = arith.addi %squeeze3A, %mul3A_149 : i32
        %add3A_404 = arith.constant 304 : i32
        %add3A_405 = arith.addi %add3A_403, %add3A_404 : i32
        %add3A_406 = vector.broadcast %add3A_405 : i32 to vector<16xi32>
        %add3A_407 = arith.addi %add3A_406, %iota3A : vector<16xi32>
        %swap3A_408 = arith.constant 304 : index
        %swap3A_409 = tpu.vector_load %arg18[%swap3A_408] {strides = array<i32>} : memref<512xi32, #tpu.memory_space<vmem>>, vector<16xi32>,
        tpu.vector_store %arg18[%swap3A_408], %add3A_407 {strides = array<i32>} : memref<512xi32, #tpu.memory_space<vmem>>, vector<16xi32>,
        %add3A_410 = arith.constant 320 : i32
        %add3A_411 = arith.addi %mul3A_149, %add3A_410 : i32
        %get3A_412 = arith.index_cast %add3A_411 : i32 to index
        %get3A_413 = tpu.vector_load %arg19[%get3A_412] {strides = array<i32>} : memref<16384xf32, #tpu.memory_space<vmem>>, vector<16xf32>,
        %swap3A_414 = arith.constant 320 : index
        %swap3A_415 = tpu.vector_load %arg17[%swap3A_414] {strides = array<i32>} : memref<512xf32, #tpu.memory_space<vmem>>, vector<16xf32>,
        tpu.vector_store %arg17[%swap3A_414], %get3A_413 {strides = array<i32>} : memref<512xf32, #tpu.memory_space<vmem>>, vector<16xf32>,
        %add3A_416 = arith.addi %squeeze3A, %mul3A_149 : i32
        %add3A_417 = arith.constant 320 : i32
        %add3A_418 = arith.addi %add3A_416, %add3A_417 : i32
        %add3A_419 = vector.broadcast %add3A_418 : i32 to vector<16xi32>
        %add3A_420 = arith.addi %add3A_419, %iota3A : vector<16xi32>
        %swap3A_421 = arith.constant 320 : index
        %swap3A_422 = tpu.vector_load %arg18[%swap3A_421] {strides = array<i32>} : memref<512xi32, #tpu.memory_space<vmem>>, vector<16xi32>,
        tpu.vector_store %arg18[%swap3A_421], %add3A_420 {strides = array<i32>} : memref<512xi32, #tpu.memory_space<vmem>>, vector<16xi32>,
        %add3A_423 = arith.constant 336 : i32
        %add3A_424 = arith.addi %mul3A_149, %add3A_423 : i32
        %get3A_425 = arith.index_cast %add3A_424 : i32 to index
        %get3A_426 = tpu.vector_load %arg19[%get3A_425] {strides = array<i32>} : memref<16384xf32, #tpu.memory_space<vmem>>, vector<16xf32>,
        %swap3A_427 = arith.constant 336 : index
        %swap3A_428 = tpu.vector_load %arg17[%swap3A_427] {strides = array<i32>} : memref<512xf32, #tpu.memory_space<vmem>>, vector<16xf32>,
        tpu.vector_store %arg17[%swap3A_427], %get3A_426 {strides = array<i32>} : memref<512xf32, #tpu.memory_space<vmem>>, vector<16xf32>,
        %add3A_429 = arith.addi %squeeze3A, %mul3A_149 : i32
        %add3A_430 = arith.constant 336 : i32
        %add3A_431 = arith.addi %add3A_429, %add3A_430 : i32
        %add3A_432 = vector.broadcast %add3A_431 : i32 to vector<16xi32>
        %add3A_433 = arith.addi %add3A_432, %iota3A : vector<16xi32>
        %swap3A_434 = arith.constant 336 : index
        %swap3A_435 = tpu.vector_load %arg18[%swap3A_434] {strides = array<i32>} : memref<512xi32, #tpu.memory_space<vmem>>, vector<16xi32>,
        tpu.vector_store %arg18[%swap3A_434], %add3A_433 {strides = array<i32>} : memref<512xi32, #tpu.memory_space<vmem>>, vector<16xi32>,
        %add3A_436 = arith.constant 352 : i32
        %add3A_437 = arith.addi %mul3A_149, %add3A_436 : i32
        %get3A_438 = arith.index_cast %add3A_437 : i32 to index
        %get3A_439 = tpu.vector_load %arg19[%get3A_438] {strides = array<i32>} : memref<16384xf32, #tpu.memory_space<vmem>>, vector<16xf32>,
        %swap3A_440 = arith.constant 352 : index
        %swap3A_441 = tpu.vector_load %arg17[%swap3A_440] {strides = array<i32>} : memref<512xf32, #tpu.memory_space<vmem>>, vector<16xf32>,
        tpu.vector_store %arg17[%swap3A_440], %get3A_439 {strides = array<i32>} : memref<512xf32, #tpu.memory_space<vmem>>, vector<16xf32>,
        %add3A_442 = arith.addi %squeeze3A, %mul3A_149 : i32
        %add3A_443 = arith.constant 352 : i32
        %add3A_444 = arith.addi %add3A_442, %add3A_443 : i32
        %add3A_445 = vector.broadcast %add3A_444 : i32 to vector<16xi32>
        %add3A_446 = arith.addi %add3A_445, %iota3A : vector<16xi32>
        %swap3A_447 = arith.constant 352 : index
        %swap3A_448 = tpu.vector_load %arg18[%swap3A_447] {strides = array<i32>} : memref<512xi32, #tpu.memory_space<vmem>>, vector<16xi32>,
        tpu.vector_store %arg18[%swap3A_447], %add3A_446 {strides = array<i32>} : memref<512xi32, #tpu.memory_space<vmem>>, vector<16xi32>,
        %add3A_449 = arith.constant 368 : i32
        %add3A_450 = arith.addi %mul3A_149, %add3A_449 : i32
        %get3A_451 = arith.index_cast %add3A_450 : i32 to index
        %get3A_452 = tpu.vector_load %arg19[%get3A_451] {strides = array<i32>} : memref<16384xf32, #tpu.memory_space<vmem>>, vector<16xf32>,
        %swap3A_453 = arith.constant 368 : index
        %swap3A_454 = tpu.vector_load %arg17[%swap3A_453] {strides = array<i32>} : memref<512xf32, #tpu.memory_space<vmem>>, vector<16xf32>,
        tpu.vector_store %arg17[%swap3A_453], %get3A_452 {strides = array<i32>} : memref<512xf32, #tpu.memory_space<vmem>>, vector<16xf32>,
        %add3A_455 = arith.addi %squeeze3A, %mul3A_149 : i32
        %add3A_456 = arith.constant 368 : i32
        %add3A_457 = arith.addi %add3A_455, %add3A_456 : i32
        %add3A_458 = vector.broadcast %add3A_457 : i32 to vector<16xi32>
        %add3A_459 = arith.addi %add3A_458, %iota3A : vector<16xi32>
        %swap3A_460 = arith.constant 368 : index
        %swap3A_461 = tpu.vector_load %arg18[%swap3A_460] {strides = array<i32>} : memref<512xi32, #tpu.memory_space<vmem>>, vector<16xi32>,
        tpu.vector_store %arg18[%swap3A_460], %add3A_459 {strides = array<i32>} : memref<512xi32, #tpu.memory_space<vmem>>, vector<16xi32>,
        %add3A_462 = arith.constant 384 : i32
        %add3A_463 = arith.addi %mul3A_149, %add3A_462 : i32
        %get3A_464 = arith.index_cast %add3A_463 : i32 to index
        %get3A_465 = tpu.vector_load %arg19[%get3A_464] {strides = array<i32>} : memref<16384xf32, #tpu.memory_space<vmem>>, vector<16xf32>,
        %swap3A_466 = arith.constant 384 : index
        %swap3A_467 = tpu.vector_load %arg17[%swap3A_466] {strides = array<i32>} : memref<512xf32, #tpu.memory_space<vmem>>, vector<16xf32>,
        tpu.vector_store %arg17[%swap3A_466], %get3A_465 {strides = array<i32>} : memref<512xf32, #tpu.memory_space<vmem>>, vector<16xf32>,
        %add3A_468 = arith.addi %squeeze3A, %mul3A_149 : i32
        %add3A_469 = arith.constant 384 : i32
        %add3A_470 = arith.addi %add3A_468, %add3A_469 : i32
        %add3A_471 = vector.broadcast %add3A_470 : i32 to vector<16xi32>
        %add3A_472 = arith.addi %add3A_471, %iota3A : vector<16xi32>
        %swap3A_473 = arith.constant 384 : index
        %swap3A_474 = tpu.vector_load %arg18[%swap3A_473] {strides = array<i32>} : memref<512xi32, #tpu.memory_space<vmem>>, vector<16xi32>,
        tpu.vector_store %arg18[%swap3A_473], %add3A_472 {strides = array<i32>} : memref<512xi32, #tpu.memory_space<vmem>>, vector<16xi32>,
        %add3A_475 = arith.constant 400 : i32
        %add3A_476 = arith.addi %mul3A_149, %add3A_475 : i32
        %get3A_477 = arith.index_cast %add3A_476 : i32 to index
        %get3A_478 = tpu.vector_load %arg19[%get3A_477] {strides = array<i32>} : memref<16384xf32, #tpu.memory_space<vmem>>, vector<16xf32>,
        %swap3A_479 = arith.constant 400 : index
        %swap3A_480 = tpu.vector_load %arg17[%swap3A_479] {strides = array<i32>} : memref<512xf32, #tpu.memory_space<vmem>>, vector<16xf32>,
        tpu.vector_store %arg17[%swap3A_479], %get3A_478 {strides = array<i32>} : memref<512xf32, #tpu.memory_space<vmem>>, vector<16xf32>,
        %add3A_481 = arith.addi %squeeze3A, %mul3A_149 : i32
        %add3A_482 = arith.constant 400 : i32
        %add3A_483 = arith.addi %add3A_481, %add3A_482 : i32
        %add3A_484 = vector.broadcast %add3A_483 : i32 to vector<16xi32>
        %add3A_485 = arith.addi %add3A_484, %iota3A : vector<16xi32>
        %swap3A_486 = arith.constant 400 : index
        %swap3A_487 = tpu.vector_load %arg18[%swap3A_486] {strides = array<i32>} : memref<512xi32, #tpu.memory_space<vmem>>, vector<16xi32>,
        tpu.vector_store %arg18[%swap3A_486], %add3A_485 {strides = array<i32>} : memref<512xi32, #tpu.memory_space<vmem>>, vector<16xi32>,
        %add3A_488 = arith.constant 416 : i32
        %add3A_489 = arith.addi %mul3A_149, %add3A_488 : i32
        %get3A_490 = arith.index_cast %add3A_489 : i32 to index
        %get3A_491 = tpu.vector_load %arg19[%get3A_490] {strides = array<i32>} : memref<16384xf32, #tpu.memory_space<vmem>>, vector<16xf32>,
        %swap3A_492 = arith.constant 416 : index
        %swap3A_493 = tpu.vector_load %arg17[%swap3A_492] {strides = array<i32>} : memref<512xf32, #tpu.memory_space<vmem>>, vector<16xf32>,
        tpu.vector_store %arg17[%swap3A_492], %get3A_491 {strides = array<i32>} : memref<512xf32, #tpu.memory_space<vmem>>, vector<16xf32>,
        %add3A_494 = arith.addi %squeeze3A, %mul3A_149 : i32
        %add3A_495 = arith.constant 416 : i32
        %add3A_496 = arith.addi %add3A_494, %add3A_495 : i32
        %add3A_497 = vector.broadcast %add3A_496 : i32 to vector<16xi32>
        %add3A_498 = arith.addi %add3A_497, %iota3A : vector<16xi32>
        %swap3A_499 = arith.constant 416 : index
        %swap3A_500 = tpu.vector_load %arg18[%swap3A_499] {strides = array<i32>} : memref<512xi32, #tpu.memory_space<vmem>>, vector<16xi32>,
        tpu.vector_store %arg18[%swap3A_499], %add3A_498 {strides = array<i32>} : memref<512xi32, #tpu.memory_space<vmem>>, vector<16xi32>,
        %add3A_501 = arith.constant 432 : i32
        %add3A_502 = arith.addi %mul3A_149, %add3A_501 : i32
        %get3A_503 = arith.index_cast %add3A_502 : i32 to index
        %get3A_504 = tpu.vector_load %arg19[%get3A_503] {strides = array<i32>} : memref<16384xf32, #tpu.memory_space<vmem>>, vector<16xf32>,
        %swap3A_505 = arith.constant 432 : index
        %swap3A_506 = tpu.vector_load %arg17[%swap3A_505] {strides = array<i32>} : memref<512xf32, #tpu.memory_space<vmem>>, vector<16xf32>,
        tpu.vector_store %arg17[%swap3A_505], %get3A_504 {strides = array<i32>} : memref<512xf32, #tpu.memory_space<vmem>>, vector<16xf32>,
        %add3A_507 = arith.addi %squeeze3A, %mul3A_149 : i32
        %add3A_508 = arith.constant 432 : i32
        %add3A_509 = arith.addi %add3A_507, %add3A_508 : i32
        %add3A_510 = vector.broadcast %add3A_509 : i32 to vector<16xi32>
        %add3A_511 = arith.addi %add3A_510, %iota3A : vector<16xi32>
        %swap3A_512 = arith.constant 432 : index
        %swap3A_513 = tpu.vector_load %arg18[%swap3A_512] {strides = array<i32>} : memref<512xi32, #tpu.memory_space<vmem>>, vector<16xi32>,
        tpu.vector_store %arg18[%swap3A_512], %add3A_511 {strides = array<i32>} : memref<512xi32, #tpu.memory_space<vmem>>, vector<16xi32>,
        %add3A_514 = arith.constant 448 : i32
        %add3A_515 = arith.addi %mul3A_149, %add3A_514 : i32
        %get3A_516 = arith.index_cast %add3A_515 : i32 to index
        %get3A_517 = tpu.vector_load %arg19[%get3A_516] {strides = array<i32>} : memref<16384xf32, #tpu.memory_space<vmem>>, vector<16xf32>,
        %swap3A_518 = arith.constant 448 : index
        %swap3A_519 = tpu.vector_load %arg17[%swap3A_518] {strides = array<i32>} : memref<512xf32, #tpu.memory_space<vmem>>, vector<16xf32>,
        tpu.vector_store %arg17[%swap3A_518], %get3A_517 {strides = array<i32>} : memref<512xf32, #tpu.memory_space<vmem>>, vector<16xf32>,
        %add3A_520 = arith.addi %squeeze3A, %mul3A_149 : i32
        %add3A_521 = arith.constant 448 : i32
        %add3A_522 = arith.addi %add3A_520, %add3A_521 : i32
        %add3A_523 = vector.broadcast %add3A_522 : i32 to vector<16xi32>
        %add3A_524 = arith.addi %add3A_523, %iota3A : vector<16xi32>
        %swap3A_525 = arith.constant 448 : index
        %swap3A_526 = tpu.vector_load %arg18[%swap3A_525] {strides = array<i32>} : memref<512xi32, #tpu.memory_space<vmem>>, vector<16xi32>,
        tpu.vector_store %arg18[%swap3A_525], %add3A_524 {strides = array<i32>} : memref<512xi32, #tpu.memory_space<vmem>>, vector<16xi32>,
        %add3A_527 = arith.constant 464 : i32
        %add3A_528 = arith.addi %mul3A_149, %add3A_527 : i32
        %get3A_529 = arith.index_cast %add3A_528 : i32 to index
        %get3A_530 = tpu.vector_load %arg19[%get3A_529] {strides = array<i32>} : memref<16384xf32, #tpu.memory_space<vmem>>, vector<16xf32>,
        %swap3A_531 = arith.constant 464 : index
        %swap3A_532 = tpu.vector_load %arg17[%swap3A_531] {strides = array<i32>} : memref<512xf32, #tpu.memory_space<vmem>>, vector<16xf32>,
        tpu.vector_store %arg17[%swap3A_531], %get3A_530 {strides = array<i32>} : memref<512xf32, #tpu.memory_space<vmem>>, vector<16xf32>,
        %add3A_533 = arith.addi %squeeze3A, %mul3A_149 : i32
        %add3A_534 = arith.constant 464 : i32
        %add3A_535 = arith.addi %add3A_533, %add3A_534 : i32
        %add3A_536 = vector.broadcast %add3A_535 : i32 to vector<16xi32>
        %add3A_537 = arith.addi %add3A_536, %iota3A : vector<16xi32>
        %swap3A_538 = arith.constant 464 : index
        %swap3A_539 = tpu.vector_load %arg18[%swap3A_538] {strides = array<i32>} : memref<512xi32, #tpu.memory_space<vmem>>, vector<16xi32>,
        tpu.vector_store %arg18[%swap3A_538], %add3A_537 {strides = array<i32>} : memref<512xi32, #tpu.memory_space<vmem>>, vector<16xi32>,
        %add3A_540 = arith.constant 480 : i32
        %add3A_541 = arith.addi %mul3A_149, %add3A_540 : i32
        %get3A_542 = arith.index_cast %add3A_541 : i32 to index
        %get3A_543 = tpu.vector_load %arg19[%get3A_542] {strides = array<i32>} : memref<16384xf32, #tpu.memory_space<vmem>>, vector<16xf32>,
        %swap3A_544 = arith.constant 480 : index
        %swap3A_545 = tpu.vector_load %arg17[%swap3A_544] {strides = array<i32>} : memref<512xf32, #tpu.memory_space<vmem>>, vector<16xf32>,
        tpu.vector_store %arg17[%swap3A_544], %get3A_543 {strides = array<i32>} : memref<512xf32, #tpu.memory_space<vmem>>, vector<16xf32>,
        %add3A_546 = arith.addi %squeeze3A, %mul3A_149 : i32
        %add3A_547 = arith.constant 480 : i32
        %add3A_548 = arith.addi %add3A_546, %add3A_547 : i32
        %add3A_549 = vector.broadcast %add3A_548 : i32 to vector<16xi32>
        %add3A_550 = arith.addi %add3A_549, %iota3A : vector<16xi32>
        %swap3A_551 = arith.constant 480 : index
        %swap3A_552 = tpu.vector_load %arg18[%swap3A_551] {strides = array<i32>} : memref<512xi32, #tpu.memory_space<vmem>>, vector<16xi32>,
        tpu.vector_store %arg18[%swap3A_551], %add3A_550 {strides = array<i32>} : memref<512xi32, #tpu.memory_space<vmem>>, vector<16xi32>,
        %add3A_553 = arith.constant 496 : i32
        %add3A_554 = arith.addi %mul3A_149, %add3A_553 : i32
        %get3A_555 = arith.index_cast %add3A_554 : i32 to index
        %get3A_556 = tpu.vector_load %arg19[%get3A_555] {strides = array<i32>} : memref<16384xf32, #tpu.memory_space<vmem>>, vector<16xf32>,
        %swap3A_557 = arith.constant 496 : index
        %swap3A_558 = tpu.vector_load %arg17[%swap3A_557] {strides = array<i32>} : memref<512xf32, #tpu.memory_space<vmem>>, vector<16xf32>,
        tpu.vector_store %arg17[%swap3A_557], %get3A_556 {strides = array<i32>} : memref<512xf32, #tpu.memory_space<vmem>>, vector<16xf32>,
        %add3A_559 = arith.addi %squeeze3A, %mul3A_149 : i32
        %add3A_560 = arith.constant 496 : i32
        %add3A_561 = arith.addi %add3A_559, %add3A_560 : i32
        %add3A_562 = vector.broadcast %add3A_561 : i32 to vector<16xi32>
        %add3A_563 = arith.addi %add3A_562, %iota3A : vector<16xi32>
        %swap3A_564 = arith.constant 496 : index
        %swap3A_565 = tpu.vector_load %arg18[%swap3A_564] {strides = array<i32>} : memref<512xi32, #tpu.memory_space<vmem>>, vector<16xi32>,
        tpu.vector_store %arg18[%swap3A_564], %add3A_563 {strides = array<i32>} : memref<512xi32, #tpu.memory_space<vmem>>, vector<16xi32>,
        %dma_start3A_566 = arith.constant 0 : i32
        %dma_start3A_567 = tpu.memref_slice %arg20[%dma_start3A_566] : memref<100352xf32, #tpu.memory_space<vmem_shared>> -> memref<100352xf32, #tpu.memory_space<vmem_shared>>
        tpu.enqueue_indirect_dma source(%arg17 : memref<512xf32, #tpu.memory_space<vmem>>) target(%dma_start3A_567 : memref<100352xf32, #tpu.memory_space<vmem_shared>>) offsets(%arg18 : memref<512xi32, #tpu.memory_space<vmem>>) semaphore(%arg26 : memref<!tpu.dma_semaphore, #tpu.memory_space<semaphore_mem>>) {add = true}
        %dma_wait3A = arith.constant 0 : i32
        %dma_wait3A_568 = tpu.memref_slice %arg20[%dma_wait3A] : memref<100352xf32, #tpu.memory_space<vmem_shared>> -> memref<100352xf32, #tpu.memory_space<vmem_shared>>
        tpu.wait_indirect_dma semaphore(%arg26 : memref<!tpu.dma_semaphore, #tpu.memory_space<semaphore_mem>>) src(%arg17 : memref<512xf32, #tpu.memory_space<vmem>>) dst(%dma_wait3A_568 : memref<100352xf32, #tpu.memory_space<vmem_shared>>)
      }
    } else {
    }
    %barrier3A_134 = arith.constant 0 : index
    tpu.barrier barrier_id(%barrier3A_134)
    %mul3A_135 = arith.constant 6272 : i32
    %mul3A_136 = arith.muli %arg1, %mul3A_135 : i32
    %mul3A_137 = arith.constant 6272 : i32
    %mul3A_138 = arith.muli %arg1, %mul3A_137 : i32
    "tpu.region"() ({
      %run_scoped3A = tpu.sem_alloc : memref<!tpu.dma_semaphore, #tpu.memory_space<semaphore_mem>>
      %dma_start3A_139 = tpu.memref_slice %arg4[%arg0, %mul3A_138] : memref<2x100352xf32, #tpu.memory_space<hbm>> -> memref<1x6272xf32, #tpu.memory_space<hbm>>
      %dma_start3A_140 = tpu.memref_squeeze %dma_start3A_139 : memref<1x6272xf32, #tpu.memory_space<hbm>> -> memref<6272xf32, #tpu.memory_space<hbm>>
      %dma_start3A_141 = tpu.memref_slice %arg20[%mul3A_136] : memref<100352xf32, #tpu.memory_space<vmem_shared>> -> memref<6272xf32, #tpu.memory_space<vmem_shared>>
      tpu.enqueue_dma source(%dma_start3A_141 : memref<6272xf32, #tpu.memory_space<vmem_shared>>) target(%dma_start3A_140 : memref<6272xf32, #tpu.memory_space<hbm>>) target_semaphore(%run_scoped3A : memref<!tpu.dma_semaphore, #tpu.memory_space<semaphore_mem>>)
      %dma_wait3A = tpu.memref_slice %arg4[%arg0, %mul3A_138] : memref<2x100352xf32, #tpu.memory_space<hbm>> -> memref<1x6272xf32, #tpu.memory_space<hbm>>
      %dma_wait3A_142 = tpu.memref_squeeze %dma_wait3A : memref<1x6272xf32, #tpu.memory_space<hbm>> -> memref<6272xf32, #tpu.memory_space<hbm>>
      %dma_wait3A_143 = tpu.memref_slice %arg20[%mul3A_136] : memref<100352xf32, #tpu.memory_space<vmem_shared>> -> memref<6272xf32, #tpu.memory_space<vmem_shared>>
      tpu.wait_dma2 semaphore(%run_scoped3A : memref<!tpu.dma_semaphore, #tpu.memory_space<semaphore_mem>>) src(%dma_wait3A_143 : memref<6272xf32, #tpu.memory_space<vmem_shared>>) dst(%dma_wait3A_142 : memref<6272xf32, #tpu.memory_space<hbm>>)
      tpu.yield
    }) : () -> ()
    return
  }
}

</mosaic_0001>

<sc_bundles>
// kernel: kernel.3.cloned.1.call-start
scs
__scs_entry_jumppad:
0x0: {  	(pc) =	sbr.rel $0x88, $3  }
0x1: {  	(tag) =	ssettag $0x0;
	lr =	simm.s32 $0x1  }
0x2: {  	[smem:$0x3F9F] =	sst lr;
	_ =	strace $0xD0000000  }
0x3: {  	_ = 	snop  }
0x4: {  	_ = 	snop  }
0x5: {  	_ = 	snop  }
0x6: {  	_ = 	snop  }
0x7: {  	_ = 	snop  }
__scs_overlays_trampoline_lowered:
0x8: {  	[smem:$0x3FAE] =	sst s0  }
0x9: {  	[smem:$0x3FAF] =	sst s1  }
0xa: {  	[smem:$0x3FB0] =	sst s2  }
0xb: {  	[smem:$0x3FB1] =	sst s3  }
0xc: {  	[smem:$0x3FB2] =	sst s4  }
0xd: {  	[smem:$0x3FB3] =	sst s5  }
0xe: {  	[smem:$0x3FB4] =	sst s6  }
0xf: {  	[smem:$0x3FB5] =	sst s7  }
0x10: {  	[smem:$0x3FB6] =	sst s8  }
0x11: {  	[smem:$0x3FB7] =	sst s9;
	s0 =	simm.s32 @!p0 $0x0  }
0x12: {  	s1 =	sld [smem:$0x3F9D];
	s0 =	simm.s32 @p0 $0x1  }
0x13: {  	[smem:$0x3FB8] =	sst s0;
	s0 =	simm.s32 @!p1 $0x0  }
0x14: {  	s2 =	sld [smem:$0x3F9C];
	s0 =	simm.s32 @p1 $0x1  }
0x15: {  	[smem:$0x3FB9] =	sst s0;
	s0 =	simm.s32 @!p2 $0x0  }
0x16: {  	s3 =	sld [smem:$0x3FDB];
	s0 =	simm.s32 @p2 $0x1  }
0x17: {  	s4 =	simm.s32 $0x1BF5;
	[smem:$0x3FBB] =	sst s0  }
0x18: {  	s0 =	sld [smem:$0x3F9E];
	_ =	swait.ge [sflag:s4], $0x0  }
0x19: {  	s7 =	sld [smem:$0x3F9F]  }
0x1a: {  	s8 =	sadd.s32 $0xFFFFE003, lr  }
0x1b: {  	s9 =	sadd.s32 $0xFFFFFEF7, lr;
	s5 =	simm.s32 $0xFFFFFFFF;
	p2 =	slt.u32 s8, $0xFFFFF086  }
0x1c: {  	p1 =	slt.u32 s9, $0xF7A;
	s5 =	simm.s32 @!p2 $0x0  }
0x1d: {  	s5 =	simm.s32 @p1 $0x1;
	p0 =	seq.s32 s7, s2  }
0x1e: {  	s7 =	smul.u32 @!p0 $0xF7A, s2;
	p2 =	seq.s32 @!p0 s5, $0x0  }
0x1f: {  	s9 =	smul.u32 $0xF7A, s1;
	s8 =	simm.s32 @!p0 $0x1BF5;
	p2 =	por !p2, p0  }
0x20: {  	[sflag:s8] =	ssyncset.s32 @!p0 $0xFFFFF086;
	s6 =	sadd.s32 @!p0 s3, s7;
	s7 =	simm.s32 @!p0 $0x108  }
0x21: {  	s3 =	sadd.s32 s3, s9;
	s6 =	sadd.s32 @!p0 $0x88, s6;
	s7 =	simm.s32 @p2 $0x1082  }
0x22: {  	[simem:s7], [sflag:s8] =	dma.local @!p0 [hbm:s6], $0xF7A  }
0x23: {  	s9 =	sor.u32 $0xD0000000, s2;
	s6 =	simm.s32 $0x108;
	_ =	swait.ge @!p0 [sflag:s8], $0x0  }
0x24: {  	s3 =	sadd.s32 $0x88, s3;
	s6 =	simm.s32 @!p1 $0x1082;
	[sflag:s4] =	ssyncset.s32 $0xFFFFF086  }
0x25: {  	[simem:s6], [sflag:s4] =	dma.local [hbm:s3], $0xF7A  }
0x26: {  	[smem:$0x3F9F] =	sst s1;
	(tag) =	ssettag s2;
	_ =	strace s9  }
0x27: {  	s1 =	sld [smem:$0x3FAF]  }
0x28: {  	s2 =	sld [smem:$0x3FB0]  }
0x29: {  	s4 =	sld [smem:$0x3FB2]  }
0x2a: {  	p0 =	seq.s32 s5, $0x0;
	s5 =	sld [smem:$0x3FB3]  }
0x2b: {  	s6 =	sld [smem:$0x3FB4]  }
0x2c: {  	s7 =	sld [smem:$0x3FB5]  }
0x2d: {  	s3 =	simm.s32 $0x108;
	s8 =	sld [smem:$0x3FB6]  }
0x2e: {  	s3 =	simm.s32 @!p0 $0x1082;
	s9 =	sld [smem:$0x3FB7]  }
0x2f: {  	lr =	sadd.s32 s0, s3;
	s0 =	sld [smem:$0x3FAE]  }
0x30: {  	s3 =	sld [smem:$0x3FB1]  }
0x31: {  	[smem:$0x3FBA] =	sst s10  }
0x32: {  	s10 =	sld [smem:$0x3FB8];
	_ =	sdelay $0x3  }
0x33: {  	p0 =	seq.s32 s10, $0x1;
	s10 =	sld [smem:$0x3FBA];
	_ =	sdelay $0x3  }
0x34: {  	[smem:$0x3FBA] =	sst s10  }
0x35: {  	s10 =	sld [smem:$0x3FB9];
	_ =	sdelay $0x3  }
0x36: {  	p1 =	seq.s32 s10, $0x1;
	s10 =	sld [smem:$0x3FBA];
	_ =	sdelay $0x3  }
0x37: {  	[smem:$0x3FBA] =	sst s10  }
0x38: {  	s10 =	sld [smem:$0x3FBB]  }
0x39: {  	_ = 	snop;
	(pc) =	sbr.ind lr, $3  }
0x3a: {  	_ = 	snop  }
0x3b: {  	_ = 	snop  }
0x3c: {  	p2 =	seq.s32 s10, $0x1;
	s10 =	sld [smem:$0x3FBA]  }
0x3d: {  	_ =	shalt  }
0x3e: {  	_ =	shalt  }
0x3f: {  	_ =	shalt  }
0x40: {  	_ =	shalt  }
0x41: {  	_ =	shalt  }
0x42: {  	_ =	shalt  }
0x43: {  	_ =	shalt  }
0x44: {  	_ =	shalt  }
0x45: {  	_ =	shalt  }
0x46: {  	_ =	shalt  }
0x47: {  	_ =	shalt  }
0x48: {  	_ =	shalt  }
0x49: {  	_ =	shalt  }
0x4a: {  	_ =	shalt  }
0x4b: {  	_ =	shalt  }
0x4c: {  	_ =	shalt  }
0x4d: {  	_ =	shalt  }
0x4e: {  	_ =	shalt  }
0x4f: {  	_ =	shalt  }
0x50: {  	_ =	shalt  }
0x51: {  	_ =	shalt  }
0x52: {  	_ =	shalt  }
0x53: {  	_ =	shalt  }
0x54: {  	_ =	shalt  }
0x55: {  	_ =	shalt  }
0x56: {  	_ =	shalt  }
0x57: {  	_ =	shalt  }
0x58: {  	_ =	shalt  }
0x59: {  	_ =	shalt  }
0x5a: {  	_ =	shalt  }
0x5b: {  	_ =	shalt  }
0x5c: {  	_ =	shalt  }
0x5d: {  	_ =	shalt  }
0x5e: {  	_ =	shalt  }
0x5f: {  	_ =	shalt  }
0x60: {  	_ =	shalt  }
0x61: {  	_ =	shalt  }
0x62: {  	_ =	shalt  }
0x63: {  	_ =	shalt  }
0x64: {  	_ =	shalt  }
0x65: {  	_ =	shalt  }
0x66: {  	_ =	shalt  }
0x67: {  	_ =	shalt  }
0x68: {  	_ =	shalt  }
0x69: {  	_ =	shalt  }
0x6a: {  	_ =	shalt  }
0x6b: {  	_ =	shalt  }
0x6c: {  	_ =	shalt  }
0x6d: {  	_ =	shalt  }
0x6e: {  	_ =	shalt  }
0x6f: {  	_ =	shalt  }
0x70: {  	_ =	shalt  }
0x71: {  	_ =	shalt  }
0x72: {  	_ =	shalt  }
0x73: {  	_ =	shalt  }
0x74: {  	_ =	shalt  }
0x75: {  	_ =	shalt  }
0x76: {  	_ =	shalt  }
0x77: {  	_ =	shalt  }
0x78: {  	_ =	shalt  }
0x79: {  	_ =	shalt  }
0x7a: {  	_ =	shalt  }
0x7b: {  	_ =	shalt  }
0x7c: {  	_ =	shalt  }
0x7d: {  	_ =	shalt  }
0x7e: {  	_ =	shalt  }
0x7f: {  	_ =	shalt  }
0x80: {  	_ =	shalt  }
0x81: {  	_ =	shalt  }
0x82: {  	_ =	shalt  }
0x83: {  	_ =	shalt  }
0x84: {  	_ =	shalt  }
0x85: {  	_ =	shalt  }
0x86: {  	_ =	shalt  }
0x87: {  	_ =	shalt  }
.Lfunc_end0:
.L_simem_size_0:
called_computation_lowered:
.L_overlay_start_0:
0x88: {  	s2 =	sld [smem:$0x3FD9]  }
0x89: {  	s3 =	sld [smem:$0x3FFE];
	_ =	sdelay $0x1  }
0x8a: {  	s1 =	srdreg.scid  }
0x8b: {  	s0 =	sand.u32 $0x1, s1  }
0x8c: {  	s17 =	sshll.u32 s0, $0xA;
	s2 =	sadd.s32 s3, s2  }
0x8d: {  	s2 =	sadd.s32 s2, s17  }
0x8e: {  	[smem:$0x3FC6] =	sst s2  }
0x8f: {  	_ = 	snop  }
0x90: {  	s2 =	sld [smem:$0x3FC9]  }
0x91: {  	s18 =	sld [smem:$0x3FC8];
	(tm) =	ssettm $0x1  }
0x92: {  	s4 =	sld [smem:$0x3FFB];
	_ =	sdelay $0x3  }
0x93: {  	_ =	strace s4  }
0x94: {  	s4 =	sld [smem:$0x3FFC];
	_ =	sdelay $0x3  }
0x95: {  	_ =	strace s4  }
0x96: {  	s4 =	sld [smem:$0x3FFD];
	_ =	sdelay $0x3  }
0x97: {  	_ =	strace s4  }
0x98: {  	_ =	strace $0x8FFFFFFF  }
0x99: {  	s19 =	sld [smem:$0x3FDB];
	_ =	sdelay $0x1  }
0x9a: {  	s5 =	simm.s32 $_scs_section_size  }
0x9b: {  	s6 =	simm.s32 $_size__tile_overlayer_lowered;
	s7 =	simm.s32 $_tile_overlayer_lowered  }
0x9c: {  	s22 =	simm.s32 $0x1BFF;
	s21 =	sshll.u32 s7, $0x1;
	s4 =	sadd.s32 s5, s19  }
0x9d: {  	s8 =	simm.s32 $0x0;
	s20 =	sshll.u32 s6, $0x1;
	s6 =	sadd.s32 s21, s4  }
0x9e: {  	[timem:s8], [sflag:s22] =	dma.local [hbm:s6], s20  }
0x9f: {  	_ =	swait.ge [sflag:s22], s20  }
0xa0: {  	s5 =	ssub.s32 $0x0, s20;
	[sflag:s22] =	ssyncset.done $0x0  }
0xa1: {  	[sflag:s22] =	ssyncadd.s32 s5;
	_ =	sdelay $0x1  }
0xa2: {  	s23 =	simm.s32 $0x1B8B  }
0xa3: {  	_ =	swait.ge [sflag:s23], $0x1  }
0xa4: {  	[sflag:s23] =	ssyncset.done $0x0  }
0xa5: {  	s25 =	simm.s32 $0x1B8E;
	s24 =	sld [smem:$0x3FFE];
	[sflag:s23] =	ssyncadd.s32 $0xFFFFFFFF  }
0xa6: {  	s26 =	simm.s32 $execute0_lowered;
	[smem:$0x3FD2] =	sst s25  }
0xa7: {  	s6 =	sshll.u32 s26, $0x1;
	_ =	strace $0x80000046;
	[dreg:$0x1] =	wrdreg $0xFFFFFFFF  }
0xa8: {  	s28 =	simm.s32 $_size_execute0_lowered;
	s4 =	sadd.s32 s4, s6;
	[dreg:$0x0] =	wrdreg $0x0  }
0xa9: {  	s6 =	sshll.u32 s28, $0x1;
	[dreg:$0x2] =	wrdreg s4  }
0xaa: {  	[dreg:$0x3] =	wrdreg s6  }
0xab: {  	[dreg:$0x4] =	wrdreg $0xC0  }
0xac: {  	_ =	task [dreg:s8], $0x5FFFF  }
0xad: {  	[dreg:$0x1] =	wrdreg $0xFFFFFFFF  }
0xae: {  	[dreg:$0x0] =	wrdreg $0x60  }
0xaf: {  	[dreg:$0x2] =	wrdreg s2  }
0xb0: {  	[dreg:$0x3] =	wrdreg s18  }
0xb1: {  	[dreg:$0x4] =	wrdreg s24  }
0xb2: {  	[dreg:$0x5] =	wrdreg $0x198000  }
0xb3: {  	[dreg:$0x6] =	wrdreg $0x9  }
0xb4: {  	_ =	task.clear_ibuf [dreg:s8], $0x7FFFF;
	_ =	strace $0x90000046  }
0xb5: {  	s29 =	simm.s32 $0x9;
	_ =	strace $0x80000048  }
0xb6: {  	_ =	swait.ge [sflag:s29], $0x1  }
0xb7: {  	[sflag:s29] =	ssyncadd.s32 $0xFFFFFFFF  }
0xb8: {  	_ =	strace $0x90000048  }
0xb9: {  	_ =	sfence  }
0xba: {  	s30 =	sld [smem:$0x0];
	_ =	sdelay $0x2  }
0xbb: {  	s31 =	sshll.u32 s1, $0xD;
	s1 =	sshrl.u32 s1, $0x2  }
0xbc: {  	s3 =	sand.u32 $0x4000, s31;
	s1 =	sadd.s32 s1, s30  }
0xbd: {  	s0 =	sor.u32 s3, s0;
	s1 =	sshll.u32 s1, $0x11  }
0xbe: {  	s0 =	sor.u32 s1, s0  }
0xbf: {  	s0 =	sadd.s32 $0x8F2B, s0  }
0xc0: {  	[sflag:s0] =	ssyncadd.remote.s32 $0x1  }
0xc1: {  	_ =	sfence.sel $0xFFFF  }
0xc2: {  	[dreg:$0x0] =	wrdreg $0xFFFFFFFF;
	(pc) =	sbr.abs _section_cstart, $3  }
0xc3: {  	[dreg:$0x1] =	wrdreg $0xFFFFFFFF  }
0xc4: {  	_ =	task.clear_ibuf [dreg:s8], $0x2FFFF;
	_ =	strace $0x9FFFFFFF  }
0xc5: {  	(tm) =	ssettm $0x7FFFFFFF  }
tec
execute0_lowered:
.L_overlay_start_1:
0x0: {  	(tag) =	ssettag $0x1  }
0x1: {  	s1 =	rddreg [dreg:$0x0]  }
0x2: {  	s2 =	rddreg [dreg:$0x1]  }
0x3: {  	s0 =	rddreg [dreg:$0x2]  }
0x4: {  	s4 =	rddreg [dreg:$0x3]  }
0x5: {  	s3 =	srdreg.scid;
	s9 =	stileid.u32  }
0x6: {  	s5 =	simm.s32 $0x0;
	s24 =	simm.s32 $0x200;
	s25 =	simm.s32 $0x15600  }
0x7: {  	s26 =	simm.s32 $0x15400;
	s28 =	simm.s32 $0xDC80;
	s29 =	simm.s32 $0x5E80  }
0x8: {  	s30 =	simm.s32 $0xFC00;
	s31 =	simm.s32 $0x1;
	s11 =	simm.s32 $0x3  }
0x9: {  	s12 =	simm.s32 $0x4;
	s13 =	simm.s32 $0x5;
	[smem:$0x7FF] =	sst s5  }
0xa: {  	s3 =	sand.u32 $0x1, s3;
	_ =	strace $0x80000047;
	[dreg:$0x7] =	wrdreg s24  }
0xb: {  	s6 =	smul.u32 $0x3100, s9;
	s7 =	sshll.u32 s3, $0x4;
	[dreg:$0x6] =	wrdreg s25  }
0xc: {  	s8 =	sshll.u32 s3, $0x7;
	s3 =	ssub.s32 $0x2, s3;
	[dreg:$0x5] =	wrdreg s26  }
0xd: {  	s25 =	simm.s32 $0xBD00;
	s26 =	simm.s32 $0x3F00;
	s24 =	simm.s32 $0x0  }
0xe: {  	s7 =	sor.u32 s9, s7;
	s6 =	sor.u32 s8, s6;
	s9 =	smul.u32 $0x6200, s9  }
0xf: {  	s14 =	sshrl.u32 s3, $0x1;
	s7 =	smul.u32 $0x30D40, s7;
	s6 =	sshrl.u32 s6, $0x3  }
0x10: {  	s3 =	ssub.s32 s3, s14;
	s0 =	sadd.s32 s6, s0;
	s22 =	sshrl.u32 s9, $0x2  }
0x11: {  	s3 =	smax.u32 s3, $0x1;
	s9 =	simm.s32 $0x6;
	s15 =	sshrl.u32 s7, $0x3  }
0x12: {  	s21 =	sadd.s32 $0x30D38, s7;
	s0 =	sadd.s32 $0x200, s0;
	[dreg:$0x13] =	wrdreg s3  }
0x13: {  	s22 =	sadd.s32 s22, s4;
	s3 =	simm.s32 $0x7E00;
	[dreg:$0x12] =	wrdreg s0  }
0x14: {  	s16 =	sadd.s32 s1, s15;
	s14 =	sadd.s32 s2, s15;
	[dreg:$0x10] =	wrdreg s22  }
0x15: {  	s17 =	sadd.s32 $0x3E8, s15;
	s18 =	sadd.s32 $0x7D0, s15;
	[dreg:$0x8] =	wrdreg s16  }
0x16: {  	s6 =	sadd.s32 $0xBB8, s15;
	s10 =	sadd.s32 s1, s17;
	[dreg:$0x9] =	wrdreg s14  }
0x17: {  	s15 =	simm.s32 $0x15800;
	s8 =	sadd.s32 s2, s17;
	[dreg:$0xa] =	wrdreg s10  }
0x18: {  	s19 =	sadd.s32 s1, s18;
	s20 =	sadd.s32 s1, s6;
	[dreg:$0xb] =	wrdreg s8  }
0x19: {  	s6 =	sadd.s32 s2, s6;
	s16 =	sadd.s32 $0x7D00, s7;
	[dreg:$0xc] =	wrdreg s19  }
.Ltmp0:
0x1a: {  	s17 =	sadd.s32 $0x9C40, s7;
	[dreg:$0xe] =	wrdreg s20;
	(pc) =	sbr.rel .LBB2_1-.Ltmp0, $4  }
0x1b: {  	s8 =	sadd.s32 s2, s18;
	[dreg:$0xf] =	wrdreg s6;
	s18 =	sadd.s32 $0xBB80, s7  }
0x1c: {  	s19 =	sadd.s32 $0xDAC0, s7;
	[dreg:$0xd] =	wrdreg s8;
	s8 =	sshrl.u32 s21, $0x3  }
0x1d: {  	v0 =	vimm.f32 $0.0e+00;
	v1 =	vimm.s32 $0x0;
	s20 =	sadd.s32 $0xFA00, s7;
	s6 =	simm.s32 $0x11B80;
	s23 =	sadd.s32 s2, s8  }
0x1e: {  	v2 =	vlaneseq.u32;
	vm0 =	vmmov $0x7fff;
	vm1 =	vcmask $0x3F3C;
	s10 =	simm.s32 $0x2;
	s8 =	simm.s32 $0x1F50;
	[dreg:$0x11] =	wrdreg s23  }
.LBB2_37:
0x1f: {  	[sflag:s9] =	ssyncset.done $0x0  }
0x20: {  	s24 =	rddreg [dreg:$0x14];
	[sflag:s9] =	ssyncadd.s32 $0xFFFFFE00  }
.LBB2_38:
0x21: {  	s0 =	stileid.u32;
	[bflag:$0x0] =	sbarrier.arrive $0xFFFF;
	s21 =	simm.s32 $0x20  }
0x22: {  	s23 =	simm.s32 $0x10;
	s0 =	sshll.u32 s0, $0x6;
	s22 =	rddreg [dreg:$0x10]  }
0x23: {  	s14 =	rddreg [dreg:$0x12];
	s0 =	sor.u32 $0x1C07, s0;
	s7 =	sshrl.u32 s22, $0x3  }
0x24: {  	[hbm:s14@s21], [sflag:s0] =	dma.strided [spmem:s7@s23], $0x310, s31, $0x10   }
0x25: {  	s21 =	simm.s32 $0x7  }
0x26: {  	_ =	swait.ge [sflag:s21], $0x310  }
0x27: {  	s24 =	sadd.s32 $0x1, s24;
	s23 =	rddreg [dreg:$0x13]  }
0x28: {  	p0 =	sne.s32 s24, s23  }
.Ltmp1:
0x29: {  	_ = 	snop;
	(pc) =	sbr.rel @!p0 .LBB2_39-.Ltmp1, $3  }
0x2a: {  	_ =	sdelay $0x1  }
0x2b: {  	[sflag:s21] =	ssyncset.done $0x0  }
0x2c: {  	s14 =	rddreg [dreg:$0x9];
	[sflag:s21] =	ssyncadd.s32 $0xFFFFFCF0  }
.LBB2_1:
0x2d: {  	s0 =	rddreg [dreg:$0x8]  }
0x2e: {  	[tilespmem:s5], [sflag:$0x1] =	stream.linear.gather [hbm4b:s0+s5], $0x1F40, $0x38;
	[tilespmem:$0x1B080] =	vst v63  }
0x2f: {  	[dreg:$0x14] =	wrdreg s24;
	s24 =	simm.s32 $0x9D80  }
0x30: {  	[tilespmem:s24], [sflag:$0x1] =	stream.linear.gather [hbm4b:s14+s5], $0x1F40, $0x38;
	[tilespmem:$0x1B080] =	vst v63  }
0x31: {  	s7 =	rddreg [dreg:$0xa];
	s24 =	simm.s32 $0x1F80  }
0x32: {  	[tilespmem:s24], [sflag:$0x2] =	stream.linear.gather [hbm4b:s7+s5], $0x1F40, $0x38;
	[tilespmem:$0x1B080] =	vst v63  }
0x33: {  	s21 =	rddreg [dreg:$0xb]  }
0x34: {  	[tilespmem:s25], [sflag:$0x2] =	stream.linear.gather [hbm4b:s21+s5], $0x1F40, $0x38;
	[tilespmem:$0x1B080] =	vst v63  }
0x35: {  	s23 =	rddreg [dreg:$0xc]  }
0x36: {  	[tilespmem:s26], [sflag:$0x3] =	stream.linear.gather [hbm4b:s23+s5], $0x1F40, $0x38;
	[tilespmem:$0x1B080] =	vst v63  }
0x37: {  	s7 =	rddreg [dreg:$0xd]  }
0x38: {  	[tilespmem:s28], [sflag:$0x3] =	stream.linear.gather [hbm4b:s7+s5], $0x1F40, $0x38;
	[tilespmem:$0x1B080] =	vst v63  }
0x39: {  	s21 =	rddreg [dreg:$0xe]  }
0x3a: {  	[tilespmem:s29], [sflag:$0x4] =	stream.linear.gather [hbm4b:s21+s5], $0x1F40, $0x38;
	[tilespmem:$0x1B080] =	vst v63  }
0x3b: {  	s0 =	simm.s32 $0x40;
	s23 =	rddreg [dreg:$0xf];
	s7 =	simm.s32 $0x0  }
0x3c: {  	[tilespmem:s30], [sflag:$0x4] =	stream.linear.gather [hbm4b:s23+s5], $0x1F40, $0x38;
	[tilespmem:$0x1B080] =	vst v63  }
.LBB2_2:
0x3d: {  	p0 =	sne.s32 s0, $0x61C0;
	[tilespmem:s7+$0x13B00] =	vst v0;
	s7 =	smov.u32 s0;
	s0 =	sadd.s32 $0x40, s0  }
.Ltmp2:
0x3e: {  	(pc) =	sbr.rel @p0 .LBB2_2-.Ltmp2, $2  }
0x3f: {  	_ =	sdelay $0x2  }
0x40: {  	s7 =	sshra.s32 s7, $0x2  }
0x41: {  	[tilespmem:s7+$0x13B00] =	vst v0;
	s0 =	simm.s32 $0x13B00;
	s7 =	simm.s32 $0x7  }
0x42: {  	[spmem:s22] =	stream.linear.scatter [tilespmem:s0], [sflag:$0x7], $0x1880, $0x38;
	[tilespmem:$0x1B080] =	vst v63  }
0x43: {  	_ =	swait.ge [sflag:s7], $0x1880  }
0x44: {  	[sflag:s7] =	ssyncset.done $0x0  }
0x45: {  	[sflag:s7] =	ssyncadd.s32 $0xFFFFE780  }
0x46: {  	[tilespmem:$0x1F40] =	vst v0  }
0x47: {  	[tilespmem:$0xBCC0] =	vst v1  }
0x48: {  	[tilespmem:$0x3EC0] =	vst v0  }
0x49: {  	[tilespmem:$0xDC40] =	vst v1  }
0x4a: {  	[tilespmem:$0x5E40] =	vst v0  }
0x4b: {  	[tilespmem:$0xFBC0] =	vst v1  }
0x4c: {  	[tilespmem:$0x7DC0] =	vst v0  }
0x4d: {  	[tilespmem:$0x11B40] =	vst v1  }
0x4e: {  	[tilespmem:$0x9D40] =	vst v0  }
0x4f: {  	s21 =	simm.s32 $0x15380;
	[tilespmem:$0x13AC0] =	vst v1  }
0x50: {  	[tilespmem:s21], [sflag:$0x7] =	stream.linear.gather [hbm4b:s14+s5], $0x8, $0x38;
	[tilespmem:$0x1B080] =	vst v63  }
0x51: {  	_ =	swait.ge [sflag:s7], $0x8  }
0x52: {  	[sflag:s7] =	ssyncset.done $0x0  }
0x53: {  	s23 =	simm.s32 $0x15388;
	s22 =	rddreg [dreg:$0x11];
	[sflag:s7] =	ssyncadd.s32 $0xFFFFFFF8  }
0x54: {  	[tilespmem:s23], [sflag:$0x7] =	stream.linear.gather [hbm4b:s22+s5], $0x8, $0x38;
	[tilespmem:$0x1B080] =	vst v63  }
0x55: {  	_ =	swait.ge [sflag:s7], $0x8  }
0x56: {  	[sflag:s7] =	ssyncset.done $0x0  }
0x57: {  	[sflag:s7] =	ssyncadd.s32 $0xFFFFFFF8  }
0x58: {  	v3 =	vld [tilespmem:$0x15380];
	_ =	sdelay $0x4  }
0x59: {  	(v2sf) =	vpush v3, $0x0  }
0x5a: {  	(v2sf) =	vpush v3, $0xF;
	_ =	sdelay $0xd  }
0x5b: {  	s0 =	spop (v2sf)  }
0x5c: {  	s21 =	spop (v2sf);
	[dreg:$0x17] =	wrdreg s0  }
0x5d: {  	s7 =	ssub.s32 s21, s0;
	p0 =	sne.s32 s21, s0;
	s0 =	simm.s32 $0x1  }
0x5e: {  	s22 =	sshra.s32 s7, $0x1F;
	s0 =	simm.s32 @!p0 $0x0  }
0x5f: {  	s21 =	sand.u32 $0x1FF, s7;
	s0 =	sor.u32 s0, s22  }
0x60: {  	p1 =	sne.s32 s21, $0x0;
	p5 =	sne.s32 s0, $0x1  }
0x61: {  	s23 =	sshrl.u32 s22, $0x17;
	p0 =	por !p1, !p5  }
0x62: {  	s14 =	simm.s32 $0x1;
	s0 =	sadd.s32 s23, s7;
	p2 =	por !p0, !p0  }
0x63: {  	s0 =	sshra.s32 s0, $0x9;
	s14 =	simm.s32 @!p2 $0x0  }
0x64: {  	[dreg:$0x15] =	wrdreg s0;
	s0 =	ssub.s32 s0, s14  }
0x65: {  	p0 =	sgt.s32 s7, $0x3E00;
	p6 =	slt.s32 s0, $0x0  }
0x66: {  	p1 =	por p0, p6  }
.Ltmp3:
0x67: {  	_ = 	snop;
	(pc) =	sbr.rel @p1 .LBB2_7-.Ltmp3, $3  }
0x68: {  	_ =	sdelay $0x1  }
0x69: {  	s7 =	simm.s32 $0xFFFFFFFF  }
0x6a: {  	s7 =	simm.s32 @!p2 $0x0  }
0x6b: {  	s14 =	simm.s32 $0x15900  }
0x6c: {  	[tilespmem:s14+$0xFFFFFF00] =	vst v0  }
0x6d: {  	[tilespmem:s14+$0xF0] =	vst v0  }
0x6e: {  	[tilespmem:s14+$0xE0] =	vst v0  }
0x6f: {  	[tilespmem:s14+$0xD0] =	vst v0  }
0x70: {  	[tilespmem:s14+$0xC0] =	vst v0  }
0x71: {  	[tilespmem:s14+$0xB0] =	vst v0  }
0x72: {  	[tilespmem:s14+$0xA0] =	vst v0  }
0x73: {  	[tilespmem:s14+$0x90] =	vst v0  }
0x74: {  	[tilespmem:s14+$0x80] =	vst v0  }
0x75: {  	[tilespmem:s14+$0x70] =	vst v0  }
0x76: {  	[tilespmem:s14+$0x60] =	vst v0  }
0x77: {  	[tilespmem:s14+$0x50] =	vst v0  }
0x78: {  	[tilespmem:s14+$0x40] =	vst v0  }
0x79: {  	[tilespmem:s14+$0x30] =	vst v0  }
0x7a: {  	[tilespmem:s14+$0x20] =	vst v0  }
0x7b: {  	[tilespmem:s14+$0x10] =	vst v0  }
0x7c: {  	[tilespmem:s14+$0x0] =	vst v0  }
0x7d: {  	[tilespmem:s14+$0xFFFFFFF0] =	vst v0  }
0x7e: {  	[tilespmem:s14+$0xFFFFFFE0] =	vst v0  }
0x7f: {  	[tilespmem:s14+$0xFFFFFFD0] =	vst v0  }
0x80: {  	[tilespmem:s14+$0xFFFFFFC0] =	vst v0  }
0x81: {  	[tilespmem:s14+$0xFFFFFFB0] =	vst v0  }
0x82: {  	s0 =	rddreg [dreg:$0x15];
	[tilespmem:s14+$0xFFFFFFA0] =	vst v0  }
0x83: {  	[tilespmem:s14+$0xFFFFFF90] =	vst v0;
	s0 =	sadd.s32 s7, s0  }
0x84: {  	[tilespmem:s14+$0xFFFFFF80] =	vst v0;
	s0 =	sadd.s32 $0x1, s0  }
0x85: {  	[tilespmem:s14+$0xFFFFFF70] =	vst v0;
	p2 =	sne.s32 s0, $0x1  }
.Ltmp4:
0x86: {  	[tilespmem:s14+$0xFFFFFF60] =	vst v0;
	(pc) =	sbr.rel @!p2 .LBB2_6-.Ltmp4, $4  }
0x87: {  	[tilespmem:s14+$0xFFFFFF50] =	vst v0  }
0x88: {  	[tilespmem:s14+$0xFFFFFF40] =	vst v0  }
0x89: {  	[tilespmem:s14+$0xFFFFFF30] =	vst v0  }
0x8a: {  	[tilespmem:s14+$0xFFFFFF20] =	vst v0;
	s0 =	sadd.s32 $0xFFFFFFFF, s0  }
.LBB2_5:
0x8b: {  	p2 =	sne.s32 s0, $0x1;
	s0 =	sadd.s32 $0xFFFFFFFF, s0;
	[tilespmem:s14+$0xFFFFFF10] =	vst v0;
	s14 =	sadd.s32 $0x200, s14  }
0x8c: {  	[tilespmem:s14+$0xFFFFFF00] =	vst v0  }
0x8d: {  	[tilespmem:s14+$0xF0] =	vst v0  }
0x8e: {  	[tilespmem:s14+$0xE0] =	vst v0  }
0x8f: {  	[tilespmem:s14+$0xD0] =	vst v0  }
0x90: {  	[tilespmem:s14+$0xC0] =	vst v0  }
0x91: {  	[tilespmem:s14+$0xB0] =	vst v0  }
0x92: {  	[tilespmem:s14+$0xA0] =	vst v0  }
0x93: {  	[tilespmem:s14+$0x90] =	vst v0  }
0x94: {  	[tilespmem:s14+$0x80] =	vst v0  }
0x95: {  	[tilespmem:s14+$0x70] =	vst v0  }
0x96: {  	[tilespmem:s14+$0x60] =	vst v0  }
0x97: {  	[tilespmem:s14+$0x50] =	vst v0  }
0x98: {  	[tilespmem:s14+$0x40] =	vst v0  }
0x99: {  	[tilespmem:s14+$0x30] =	vst v0  }
0x9a: {  	[tilespmem:s14+$0x20] =	vst v0  }
0x9b: {  	[tilespmem:s14+$0x10] =	vst v0  }
0x9c: {  	[tilespmem:s14+$0x0] =	vst v0  }
0x9d: {  	[tilespmem:s14+$0xFFFFFFF0] =	vst v0  }
0x9e: {  	[tilespmem:s14+$0xFFFFFFE0] =	vst v0  }
0x9f: {  	[tilespmem:s14+$0xFFFFFFD0] =	vst v0  }
0xa0: {  	[tilespmem:s14+$0xFFFFFFC0] =	vst v0  }
0xa1: {  	[tilespmem:s14+$0xFFFFFFB0] =	vst v0  }
0xa2: {  	[tilespmem:s14+$0xFFFFFFA0] =	vst v0  }
0xa3: {  	[tilespmem:s14+$0xFFFFFF90] =	vst v0  }
0xa4: {  	[tilespmem:s14+$0xFFFFFF80] =	vst v0  }
0xa5: {  	[tilespmem:s14+$0xFFFFFF70] =	vst v0  }
.Ltmp5:
0xa6: {  	[tilespmem:s14+$0xFFFFFF60] =	vst v0;
	(pc) =	sbr.rel @p2 .LBB2_5-.Ltmp5, $4  }
0xa7: {  	[tilespmem:s14+$0xFFFFFF50] =	vst v0  }
0xa8: {  	[tilespmem:s14+$0xFFFFFF40] =	vst v0  }
0xa9: {  	[tilespmem:s14+$0xFFFFFF30] =	vst v0  }
0xaa: {  	[tilespmem:s14+$0xFFFFFF20] =	vst v0  }
.LBB2_6:
0xab: {  	[tilespmem:s14+$0xFFFFFF10] =	vst v0  }
.LBB2_7:
.Ltmp6:
0xac: {  	(pc) =	sbr.rel .LBB2_8-.Ltmp6, $4  }
0xad: {  	_ = 	snop  }
0xae: {  	[dreg:$0x16] =	wrdreg s7  }
0xaf: {  	[bflag:$0x0] =	sbarrier.arrive $0xFFFF  }
0xb0: {  	v3 =	vbroadcast v3, $0x0;
	s22 =	simm.s32 $0x0  }
.LBB2_32:
0xb1: {  	[spmem:s4] =	stream.indirect.scatter.add.f32 [tilespmem:s3], [sflag:$0x6], $0x1, s6, s8, $0xb8;
	[tilespmem:$0x1B080] =	vst v63  }
0xb2: {  	_ =	swait.ge [sflag:s9], $0x1F50  }
0xb3: {  	[sflag:s9] =	ssyncset.done $0x0  }
0xb4: {  	[sflag:s9] =	ssyncadd.s32 $0xFFFFE0B0  }
.LBB2_33:
0xb5: {  	s22 =	sadd.s32 $0x1, s22  }
0xb6: {  	p2 =	sne.s32 s22, $0x5  }
.Ltmp7:
0xb7: {  	_ = 	snop;
	(pc) =	sbr.rel @!p2 .LBB2_34-.Ltmp7, $1  }
0xb8: {  	_ =	sdelay $0x3  }
.LBB2_8:
0xb9: {  	s14 =	smul.u32 $0x9C40, s22;
	_ =	sdelay $0x1  }
0xba: {  	s0 =	sadd.s32 s14, s16  }
0xbb: {  	s0 =	sshrl.u32 s0, $0x3  }
0xbc: {  	s7 =	sadd.s32 s1, s0  }
0xbd: {  	[tilespmem:s3], [sflag:$0x5] =	stream.linear.gather [hbm4b:s7+s5], $0x1F40, $0x38;
	[tilespmem:$0x1B080] =	vst v63  }
0xbe: {  	s0 =	sadd.s32 s2, s0  }
0xbf: {  	[tilespmem:s6], [sflag:$0x5] =	stream.linear.gather [hbm4b:s0+s5], $0x1F40, $0x38;
	[tilespmem:$0x1B080] =	vst v63  }
0xc0: {  	_ =	swait.ge [sflag:s31], $0x1F40  }
.Ltmp8:
0xc1: {  	[sflag:s31] =	ssyncset.done $0x0;
	(pc) =	sbr.rel @!p0 .LBB2_9-.Ltmp8, $4  }
0xc2: {  	[sflag:s31] =	ssyncadd.s32 $0xFFFFE0C0  }
0xc3: {  	_ =	swait.ge [sflag:s31], $0x1F40  }
0xc4: {  	[sflag:s31] =	ssyncset.done $0x0  }
0xc5: {  	[sflag:s31] =	ssyncadd.s32 $0xFFFFE0C0  }
.Ltmp9:
0xc6: {  	s0 =	simm.s32 $0x9D80;
	(pc) =	sbr.rel .LBB2_13-.Ltmp9, $4  }
0xc7: {  	[spmem:s4] =	stream.indirect.scatter.add.f32 [tilespmem:s5], [sflag:$0x6], $0x1, s0, s8, $0xb8;
	[tilespmem:$0x1B080] =	vst v63  }
0xc8: {  	_ =	swait.ge [sflag:s9], $0x1F50  }
0xc9: {  	[sflag:s9] =	ssyncset.done $0x0  }
0xca: {  	[sflag:s9] =	ssyncadd.s32 $0xFFFFE0B0  }
.LBB2_9:
0xcb: {  	s0 =	simm.s32 $0x20  }
0xcc: {  	v4 =	vld [tilespmem:s0+$0xFFFFFFE0];
	_ =	sdelay $0x1  }
0xcd: {  	s7 =	simm.s32 $0x9DA1;
	v5 =	vld [tilespmem:s0+$0x10]  }
0xce: {  	v7 =	vld [tilespmem:s7+$0xFFFFFFE0]  }
0xcf: {  	v8 =	vld [tilespmem:s7+$0xFFFFFFDF]  }
0xd0: {  	v10 =	vld [tilespmem:s0+$0x20];
	(xrf2) =	vadd.scan.msk.f32 $0xffff, v4  }
0xd1: {  	v12 =	vld [tilespmem:s7+$0xF]  }
0xd2: {  	v13 =	vld [tilespmem:s7+$0x10]  }
0xd3: {  	(xrf2) =	vadd.scan.msk.f32 $0xffff, v5  }
0xd4: {  	v6 =	vld [tilespmem:s7+$0xFFFFFFFF]  }
0xd5: {  	v15 =	vld [tilespmem:s0+$0x0];
	vm2 =	vne.s32 v8, v7  }
0xd6: {  	v11 =	vld [tilespmem:s0+$0xFFFFFFF0];
	vm4 =	vmor vm2, vm1;
	(xrf2) =	vadd.scan.msk.f32 $0xffff, v10  }
0xd7: {  	v9 =	vld [tilespmem:s7+$0x1F];
	v14 =	vsub.s32 v8, v3;
	vm5 =	vmand vm2, vm0;
	vm2 =	vne.s32 v12, v13  }
0xd8: {  	v4 =	vld [tilespmem:s7+$0x0];
	v16 =	vsub.s32 v7, v3;
	vm3 =	vmor vm2, vm1  }
0xd9: {  	v8 =	vld [tilespmem:s7+$0x20];
	v10 =	vsub.s32 v12, v3  }
0xda: {  	v7 =	vld [tilespmem:s7+$0xFFFFFFEF];
	v17, _, _ =	vpop (xrf2)  }
0xdb: {  	v5 =	vld [tilespmem:s7+$0xFFFFFFF0];
	vm2 =	vmand vm2, vm0;
	v18 =	vsub.f32 $0.0e+00, v17  }
0xdc: {  	v12 =	vsub.s32 v13, v3;
	(xrf2) =	vadd.scan.msk.f32 $0xffff, v15;
	[tilespmem:v14+s15+$0x0] =	vst.idx.add.f32.msk vm4, v17  }
0xdd: {  	s21 =	simm.s32 $0x70;
	s0 =	simm.s32 $0x9DF1;
	s7 =	simm.s32 $0x0;
	v13, _, _ =	vpop (xrf2);
	[tilespmem:v16+s15+$0x0] =	vst.idx.add.f32.msk vm5, v18  }
.LBB2_10:
0xde: {  	s7 =	sadd.s32 $0x5, s7;
	[tilespmem:v10+s15+$0x0] =	vst.idx.add.f32.msk vm3, v13  }
0xdf: {  	v13 =	vsub.f32 $0.0e+00, v13;
	v10 =	vld [tilespmem:s21+$0x20];
	p2 =	slt.u32 s7, $0x1EF;
	vm3 =	vne.s32 v9, v8;
	(xrf2) =	vadd.scan.msk.f32 $0xffff, v11  }
0xe0: {  	v11 =	vld [tilespmem:s0+$0xF];
	vm4 =	vne.s32 v7, v5;
	vm5 =	vmor vm3, vm1;
	v14, _, _ =	vpop (xrf2)  }
0xe1: {  	v9 =	vsub.s32 v9, v3;
	[tilespmem:v12+s15+$0x0] =	vst.idx.add.f32.msk vm2, v13;
	v12 =	vsub.f32 $0.0e+00, v14  }
0xe2: {  	vm3 =	vmand vm3, vm0;
	vm2 =	vne.s32 v6, v4;
	v13 =	vld [tilespmem:s0+$0x10]  }
0xe3: {  	v8 =	vsub.s32 v8, v3;
	vm6 =	vmor vm2, vm1;
	v15 =	vld [tilespmem:s0+$0xFFFFFFE0]  }
0xe4: {  	vm7 =	vmor vm4, vm1;
	v6 =	vsub.s32 v6, v3;
	v16 =	vld [tilespmem:s21+$0xFFFFFFE0]  }
0xe5: {  	v7 =	vsub.s32 v7, v3;
	vm2 =	vmand vm2, vm0;
	v17 =	vld [tilespmem:s21+$0x10]  }
0xe6: {  	vm4 =	vmand vm4, vm0;
	v4 =	vsub.s32 v4, v3;
	[tilespmem:v9+s15+$0x0] =	vst.idx.add.f32.msk vm5, v14;
	v9, _, _ =	vpop (xrf2)  }
0xe7: {  	v5 =	vsub.s32 v5, v3;
	v14 =	vld [tilespmem:s0+$0xFFFFFFDF]  }
0xe8: {  	[tilespmem:v8+s15+$0x0] =	vst.idx.add.f32.msk vm3, v12  }
0xe9: {  	(xrf2) =	vadd.scan.msk.f32 $0xffff, v16;
	[tilespmem:v6+s15+$0x0] =	vst.idx.add.f32.msk vm6, v9;
	v6 =	vsub.f32 $0.0e+00, v9;
	v8, _, _ =	vpop (xrf2)  }
0xea: {  	[tilespmem:v7+s15+$0x0] =	vst.idx.add.f32.msk vm7, v8;
	v7 =	vsub.f32 $0.0e+00, v8  }
0xeb: {  	[tilespmem:v4+s15+$0x0] =	vst.idx.add.f32.msk vm2, v6  }
0xec: {  	vm2 =	vne.s32 v14, v15;
	(xrf2) =	vadd.scan.msk.f32 $0xffff, v17;
	[tilespmem:v5+s15+$0x0] =	vst.idx.add.f32.msk vm4, v7  }
0xed: {  	v4 =	vld [tilespmem:s0+$0x0]  }
0xee: {  	vm4 =	vne.s32 v11, v13;
	v6 =	vld [tilespmem:s0+$0xFFFFFFFF]  }
0xef: {  	vm5 =	vmor vm2, vm1;
	vm3 =	vmor vm4, vm1;
	v5 =	vld [tilespmem:s0+$0xFFFFFFF0];
	(xrf2) =	vadd.scan.msk.f32 $0xffff, v10  }
0xf0: {  	v12 =	vsub.s32 v14, v3;
	vm6 =	vmand vm2, vm0;
	v10 =	vsub.s32 v11, v3;
	v14 =	vld [tilespmem:s21+$0x0]  }
0xf1: {  	v15 =	vsub.s32 v15, v3;
	vm2 =	vmand vm4, vm0;
	v11 =	vld [tilespmem:s21+$0xFFFFFFF0]  }
.Ltmp10:
0xf2: {  	v8 =	vld [tilespmem:s0+$0x20];
	(pc) =	sbr.rel @p2 .LBB2_10-.Ltmp10, $4  }
0xf3: {  	v9 =	vld [tilespmem:s0+$0x1F];
	v16, _, _ =	vpop (xrf2)  }
0xf4: {  	v17 =	vsub.f32 $0.0e+00, v16;
	v7 =	vld [tilespmem:s0+$0xFFFFFFEF]  }
0xf5: {  	[tilespmem:v12+s15+$0x0] =	vst.idx.add.f32.msk vm5, v16;
	v12 =	vsub.s32 v13, v3;
	(xrf2) =	vadd.scan.msk.f32 $0xffff, v14  }
0xf6: {  	s21 =	sadd.s32 $0x50, s21;
	s0 =	sadd.s32 $0x50, s0;
	[tilespmem:v15+s15+$0x0] =	vst.idx.add.f32.msk vm6, v17;
	v13, _, _ =	vpop (xrf2)  }
0xf7: {  	(xrf2) =	vadd.scan.msk.f32 $0xffff, v11  }
0xf8: {  	vm4 =	vne.s32 v9, v8  }
0xf9: {  	vm5 =	vmor vm4, vm1  }
0xfa: {  	vm6 =	vne.s32 v6, v4;
	v53 =	vsub.s32 v9, v3;
	vm4 =	vmand vm4, vm0  }
0xfb: {  	v54 =	vsub.s32 v8, v3;
	vm8 =	vmor vm6, vm1;
	vm7 =	vne.s32 v7, v5  }
0xfc: {  	v55 =	vsub.f32 $0.0e+00, v13;
	v56 =	vsub.s32 v6, v3;
	vm9 =	vmor vm7, vm1  }
0xfd: {  	[tilespmem:v10+s15+$0x0] =	vst.idx.add.f32.msk vm3, v13;
	vm3 =	vmand vm6, vm0;
	v57, _, _ =	vpop (xrf2);
	v58 =	vsub.s32 v7, v3  }
0xfe: {  	v4 =	vsub.s32 v4, v3;
	[tilespmem:v12+s15+$0x0] =	vst.idx.add.f32.msk vm2, v55;
	v59 =	vsub.f32 $0.0e+00, v57;
	vm2 =	vmand vm7, vm0  }
0xff: {  	v5 =	vsub.s32 v5, v3;
	[tilespmem:v53+s15+$0x0] =	vst.idx.add.f32.msk vm5, v57  }
0x100: {  	v60, _, _ =	vpop (xrf2);
	[tilespmem:v54+s15+$0x0] =	vst.idx.add.f32.msk vm4, v59  }
0x101: {  	[tilespmem:v56+s15+$0x0] =	vst.idx.add.f32.msk vm8, v60;
	v61 =	vsub.f32 $0.0e+00, v60;
	v62, _, _ =	vpop (xrf2)  }
0x102: {  	[tilespmem:v58+s15+$0x0] =	vst.idx.add.f32.msk vm9, v62;
	v63 =	vsub.f32 $0.0e+00, v62  }
0x103: {  	[tilespmem:v4+s15+$0x0] =	vst.idx.add.f32.msk vm3, v61  }
0x104: {  	[tilespmem:v5+s15+$0x0] =	vst.idx.add.f32.msk vm2, v63  }
.LBB2_13:
0x105: {  	p2 =	seq.s32 s22, $0x4  }
0x106: {  	s0 =	sadd.s32 @!p2 s14, s17  }
0x107: {  	s0 =	sshrl.u32 @!p2 s0, $0x3  }
0x108: {  	s21 =	simm.s32 @!p2 $0x0;
	s7 =	sadd.s32 @!p2 s1, s0  }
0x109: {  	[tilespmem:s21], [sflag:$0x1] =	stream.linear.gather @!p2 [hbm4b:s7+s21], $0x1F40, $0x38;
	[tilespmem:$0x1B080] =	vst v63  }
0x10a: {  	s0 =	sadd.s32 @!p2 s2, s0;
	s7 =	simm.s32 @!p2 $0x9D80  }
0x10b: {  	[tilespmem:s7], [sflag:$0x1] =	stream.linear.gather @!p2 [hbm4b:s0+s21], $0x1F40, $0x38;
	[tilespmem:$0x1B080] =	vst v63  }
0x10c: {  	_ =	swait.ge [sflag:s10], $0x1F40  }
.Ltmp11:
0x10d: {  	[sflag:s10] =	ssyncset.done $0x0;
	(pc) =	sbr.rel @!p0 .LBB2_14-.Ltmp11, $4  }
0x10e: {  	[sflag:s10] =	ssyncadd.s32 $0xFFFFE0C0  }
0x10f: {  	_ =	swait.ge [sflag:s10], $0x1F40  }
0x110: {  	[sflag:s10] =	ssyncset.done $0x0  }
0x111: {  	[sflag:s10] =	ssyncadd.s32 $0xFFFFE0C0  }
.Ltmp12:
0x112: {  	(pc) =	sbr.rel .LBB2_18-.Ltmp12, $4  }
0x113: {  	[spmem:s4] =	stream.indirect.scatter.add.f32 [tilespmem:s24], [sflag:$0x6], $0x1, s25, s8, $0xb8;
	[tilespmem:$0x1B080] =	vst v63  }
0x114: {  	_ =	swait.ge [sflag:s9], $0x1F50  }
0x115: {  	[sflag:s9] =	ssyncset.done $0x0  }
0x116: {  	[sflag:s9] =	ssyncadd.s32 $0xFFFFE0B0  }
.LBB2_14:
0x117: {  	s0 =	simm.s32 $0x1FA0  }
0x118: {  	v4 =	vld [tilespmem:s0+$0xFFFFFFE0];
	_ =	sdelay $0x1  }
0x119: {  	s7 =	simm.s32 $0xBD21;
	v5 =	vld [tilespmem:s0+$0x10]  }
0x11a: {  	v7 =	vld [tilespmem:s7+$0xFFFFFFE0]  }
0x11b: {  	v8 =	vld [tilespmem:s7+$0xFFFFFFDF]  }
0x11c: {  	v10 =	vld [tilespmem:s0+$0x20];
	(xrf2) =	vadd.scan.msk.f32 $0xffff, v4  }
0x11d: {  	v12 =	vld [tilespmem:s7+$0xF]  }
0x11e: {  	v13 =	vld [tilespmem:s7+$0x10]  }
0x11f: {  	(xrf2) =	vadd.scan.msk.f32 $0xffff, v5  }
0x120: {  	v6 =	vld [tilespmem:s7+$0xFFFFFFFF]  }
0x121: {  	v15 =	vld [tilespmem:s0+$0x0];
	vm2 =	vne.s32 v8, v7  }
0x122: {  	v11 =	vld [tilespmem:s0+$0xFFFFFFF0];
	vm4 =	vmor vm2, vm1;
	(xrf2) =	vadd.scan.msk.f32 $0xffff, v10  }
0x123: {  	v9 =	vld [tilespmem:s7+$0x1F];
	v14 =	vsub.s32 v8, v3;
	vm5 =	vmand vm2, vm0;
	vm2 =	vne.s32 v12, v13  }
0x124: {  	v4 =	vld [tilespmem:s7+$0x0];
	v16 =	vsub.s32 v7, v3;
	vm3 =	vmor vm2, vm1  }
0x125: {  	v8 =	vld [tilespmem:s7+$0x20];
	v10 =	vsub.s32 v12, v3  }
0x126: {  	v7 =	vld [tilespmem:s7+$0xFFFFFFEF];
	v17, _, _ =	vpop (xrf2)  }
0x127: {  	v5 =	vld [tilespmem:s7+$0xFFFFFFF0];
	vm2 =	vmand vm2, vm0;
	v18 =	vsub.f32 $0.0e+00, v17  }
0x128: {  	v12 =	vsub.s32 v13, v3;
	(xrf2) =	vadd.scan.msk.f32 $0xffff, v15;
	[tilespmem:v14+s15+$0x0] =	vst.idx.add.f32.msk vm4, v17  }
0x129: {  	s21 =	simm.s32 $0x1FF0;
	s0 =	simm.s32 $0xBD71;
	s7 =	simm.s32 $0x0;
	v13, _, _ =	vpop (xrf2);
	[tilespmem:v16+s15+$0x0] =	vst.idx.add.f32.msk vm5, v18  }
.LBB2_15:
0x12a: {  	s7 =	sadd.s32 $0x5, s7;
	[tilespmem:v10+s15+$0x0] =	vst.idx.add.f32.msk vm3, v13  }
0x12b: {  	v13 =	vsub.f32 $0.0e+00, v13;
	v10 =	vld [tilespmem:s21+$0x20];
	p3 =	slt.u32 s7, $0x1EF;
	vm3 =	vne.s32 v9, v8;
	(xrf2) =	vadd.scan.msk.f32 $0xffff, v11  }
0x12c: {  	v11 =	vld [tilespmem:s0+$0xF];
	vm4 =	vne.s32 v7, v5;
	vm5 =	vmor vm3, vm1;
	v14, _, _ =	vpop (xrf2)  }
0x12d: {  	v9 =	vsub.s32 v9, v3;
	[tilespmem:v12+s15+$0x0] =	vst.idx.add.f32.msk vm2, v13;
	v12 =	vsub.f32 $0.0e+00, v14  }
0x12e: {  	vm3 =	vmand vm3, vm0;
	vm2 =	vne.s32 v6, v4;
	v13 =	vld [tilespmem:s0+$0x10]  }
0x12f: {  	v8 =	vsub.s32 v8, v3;
	vm6 =	vmor vm2, vm1;
	v15 =	vld [tilespmem:s0+$0xFFFFFFE0]  }
0x130: {  	vm7 =	vmor vm4, vm1;
	v6 =	vsub.s32 v6, v3;
	v16 =	vld [tilespmem:s21+$0xFFFFFFE0]  }
0x131: {  	v7 =	vsub.s32 v7, v3;
	vm2 =	vmand vm2, vm0;
	v17 =	vld [tilespmem:s21+$0x10]  }
0x132: {  	vm4 =	vmand vm4, vm0;
	v4 =	vsub.s32 v4, v3;
	[tilespmem:v9+s15+$0x0] =	vst.idx.add.f32.msk vm5, v14;
	v9, _, _ =	vpop (xrf2)  }
0x133: {  	v5 =	vsub.s32 v5, v3;
	v14 =	vld [tilespmem:s0+$0xFFFFFFDF]  }
0x134: {  	[tilespmem:v8+s15+$0x0] =	vst.idx.add.f32.msk vm3, v12  }
0x135: {  	(xrf2) =	vadd.scan.msk.f32 $0xffff, v16;
	[tilespmem:v6+s15+$0x0] =	vst.idx.add.f32.msk vm6, v9;
	v6 =	vsub.f32 $0.0e+00, v9;
	v8, _, _ =	vpop (xrf2)  }
0x136: {  	[tilespmem:v7+s15+$0x0] =	vst.idx.add.f32.msk vm7, v8;
	v7 =	vsub.f32 $0.0e+00, v8  }
0x137: {  	[tilespmem:v4+s15+$0x0] =	vst.idx.add.f32.msk vm2, v6  }
0x138: {  	vm2 =	vne.s32 v14, v15;
	(xrf2) =	vadd.scan.msk.f32 $0xffff, v17;
	[tilespmem:v5+s15+$0x0] =	vst.idx.add.f32.msk vm4, v7  }
0x139: {  	v4 =	vld [tilespmem:s0+$0x0]  }
0x13a: {  	vm4 =	vne.s32 v11, v13;
	v6 =	vld [tilespmem:s0+$0xFFFFFFFF]  }
0x13b: {  	vm5 =	vmor vm2, vm1;
	vm3 =	vmor vm4, vm1;
	v5 =	vld [tilespmem:s0+$0xFFFFFFF0];
	(xrf2) =	vadd.scan.msk.f32 $0xffff, v10  }
0x13c: {  	v12 =	vsub.s32 v14, v3;
	vm6 =	vmand vm2, vm0;
	v10 =	vsub.s32 v11, v3;
	v14 =	vld [tilespmem:s21+$0x0]  }
0x13d: {  	v15 =	vsub.s32 v15, v3;
	vm2 =	vmand vm4, vm0;
	v11 =	vld [tilespmem:s21+$0xFFFFFFF0]  }
.Ltmp13:
0x13e: {  	v8 =	vld [tilespmem:s0+$0x20];
	(pc) =	sbr.rel @p3 .LBB2_15-.Ltmp13, $4  }
0x13f: {  	v9 =	vld [tilespmem:s0+$0x1F];
	v16, _, _ =	vpop (xrf2)  }
0x140: {  	v17 =	vsub.f32 $0.0e+00, v16;
	v7 =	vld [tilespmem:s0+$0xFFFFFFEF]  }
0x141: {  	[tilespmem:v12+s15+$0x0] =	vst.idx.add.f32.msk vm5, v16;
	v12 =	vsub.s32 v13, v3;
	(xrf2) =	vadd.scan.msk.f32 $0xffff, v14  }
0x142: {  	s21 =	sadd.s32 $0x50, s21;
	s0 =	sadd.s32 $0x50, s0;
	[tilespmem:v15+s15+$0x0] =	vst.idx.add.f32.msk vm6, v17;
	v13, _, _ =	vpop (xrf2)  }
0x143: {  	(xrf2) =	vadd.scan.msk.f32 $0xffff, v11  }
0x144: {  	vm4 =	vne.s32 v9, v8  }
0x145: {  	vm5 =	vmor vm4, vm1  }
0x146: {  	vm6 =	vne.s32 v6, v4;
	v53 =	vsub.s32 v9, v3;
	vm4 =	vmand vm4, vm0  }
0x147: {  	v54 =	vsub.s32 v8, v3;
	vm8 =	vmor vm6, vm1;
	vm7 =	vne.s32 v7, v5  }
0x148: {  	v55 =	vsub.f32 $0.0e+00, v13;
	v56 =	vsub.s32 v6, v3;
	vm9 =	vmor vm7, vm1  }
0x149: {  	[tilespmem:v10+s15+$0x0] =	vst.idx.add.f32.msk vm3, v13;
	vm3 =	vmand vm6, vm0;
	v57, _, _ =	vpop (xrf2);
	v58 =	vsub.s32 v7, v3  }
0x14a: {  	v4 =	vsub.s32 v4, v3;
	[tilespmem:v12+s15+$0x0] =	vst.idx.add.f32.msk vm2, v55;
	v59 =	vsub.f32 $0.0e+00, v57;
	vm2 =	vmand vm7, vm0  }
0x14b: {  	v5 =	vsub.s32 v5, v3;
	[tilespmem:v53+s15+$0x0] =	vst.idx.add.f32.msk vm5, v57  }
0x14c: {  	v60, _, _ =	vpop (xrf2);
	[tilespmem:v54+s15+$0x0] =	vst.idx.add.f32.msk vm4, v59  }
0x14d: {  	[tilespmem:v56+s15+$0x0] =	vst.idx.add.f32.msk vm8, v60;
	v61 =	vsub.f32 $0.0e+00, v60;
	v62, _, _ =	vpop (xrf2)  }
0x14e: {  	[tilespmem:v58+s15+$0x0] =	vst.idx.add.f32.msk vm9, v62;
	v63 =	vsub.f32 $0.0e+00, v62  }
0x14f: {  	[tilespmem:v4+s15+$0x0] =	vst.idx.add.f32.msk vm3, v61  }
0x150: {  	[tilespmem:v5+s15+$0x0] =	vst.idx.add.f32.msk vm2, v63  }
.LBB2_18:
0x151: {  	s0 =	sadd.s32 @!p2 s14, s18  }
0x152: {  	s0 =	sshrl.u32 @!p2 s0, $0x3  }
0x153: {  	s21 =	simm.s32 @!p2 $0x0;
	s23 =	simm.s32 @!p2 $0x1F80;
	s7 =	sadd.s32 @!p2 s1, s0  }
0x154: {  	[tilespmem:s23], [sflag:$0x2] =	stream.linear.gather @!p2 [hbm4b:s7+s21], $0x1F40, $0x38;
	[tilespmem:$0x1B080] =	vst v63  }
0x155: {  	s0 =	sadd.s32 @!p2 s2, s0;
	s7 =	simm.s32 @!p2 $0xBD00  }
0x156: {  	[tilespmem:s7], [sflag:$0x2] =	stream.linear.gather @!p2 [hbm4b:s0+s21], $0x1F40, $0x38;
	[tilespmem:$0x1B080] =	vst v63  }
0x157: {  	_ =	swait.ge [sflag:s11], $0x1F40  }
.Ltmp14:
0x158: {  	[sflag:s11] =	ssyncset.done $0x0;
	(pc) =	sbr.rel @!p0 .LBB2_19-.Ltmp14, $4  }
0x159: {  	[sflag:s11] =	ssyncadd.s32 $0xFFFFE0C0  }
0x15a: {  	_ =	swait.ge [sflag:s11], $0x1F40  }
0x15b: {  	[sflag:s11] =	ssyncset.done $0x0  }
0x15c: {  	[sflag:s11] =	ssyncadd.s32 $0xFFFFE0C0  }
.Ltmp15:
0x15d: {  	(pc) =	sbr.rel .LBB2_23-.Ltmp15, $4  }
0x15e: {  	[spmem:s4] =	stream.indirect.scatter.add.f32 [tilespmem:s26], [sflag:$0x6], $0x1, s28, s8, $0xb8;
	[tilespmem:$0x1B080] =	vst v63  }
0x15f: {  	_ =	swait.ge [sflag:s9], $0x1F50  }
0x160: {  	[sflag:s9] =	ssyncset.done $0x0  }
0x161: {  	[sflag:s9] =	ssyncadd.s32 $0xFFFFE0B0  }
.LBB2_19:
0x162: {  	s0 =	simm.s32 $0x3F20  }
0x163: {  	v4 =	vld [tilespmem:s0+$0xFFFFFFE0];
	_ =	sdelay $0x1  }
0x164: {  	s7 =	simm.s32 $0xDCA1;
	v5 =	vld [tilespmem:s0+$0x10]  }
0x165: {  	v7 =	vld [tilespmem:s7+$0xFFFFFFE0]  }
0x166: {  	v8 =	vld [tilespmem:s7+$0xFFFFFFDF]  }
0x167: {  	v10 =	vld [tilespmem:s0+$0x20];
	(xrf2) =	vadd.scan.msk.f32 $0xffff, v4  }
0x168: {  	v12 =	vld [tilespmem:s7+$0xF]  }
0x169: {  	v13 =	vld [tilespmem:s7+$0x10]  }
0x16a: {  	(xrf2) =	vadd.scan.msk.f32 $0xffff, v5  }
0x16b: {  	v6 =	vld [tilespmem:s7+$0xFFFFFFFF]  }
0x16c: {  	v15 =	vld [tilespmem:s0+$0x0];
	vm2 =	vne.s32 v8, v7  }
0x16d: {  	v11 =	vld [tilespmem:s0+$0xFFFFFFF0];
	vm4 =	vmor vm2, vm1;
	(xrf2) =	vadd.scan.msk.f32 $0xffff, v10  }
0x16e: {  	v9 =	vld [tilespmem:s7+$0x1F];
	v14 =	vsub.s32 v8, v3;
	vm5 =	vmand vm2, vm0;
	vm2 =	vne.s32 v12, v13  }
0x16f: {  	v4 =	vld [tilespmem:s7+$0x0];
	v16 =	vsub.s32 v7, v3;
	vm3 =	vmor vm2, vm1  }
0x170: {  	v8 =	vld [tilespmem:s7+$0x20];
	v10 =	vsub.s32 v12, v3  }
0x171: {  	v7 =	vld [tilespmem:s7+$0xFFFFFFEF];
	v17, _, _ =	vpop (xrf2)  }
0x172: {  	v5 =	vld [tilespmem:s7+$0xFFFFFFF0];
	vm2 =	vmand vm2, vm0;
	v18 =	vsub.f32 $0.0e+00, v17  }
0x173: {  	v12 =	vsub.s32 v13, v3;
	(xrf2) =	vadd.scan.msk.f32 $0xffff, v15;
	[tilespmem:v14+s15+$0x0] =	vst.idx.add.f32.msk vm4, v17  }
0x174: {  	s21 =	simm.s32 $0x3F70;
	s0 =	simm.s32 $0xDCF1;
	s7 =	simm.s32 $0x0;
	v13, _, _ =	vpop (xrf2);
	[tilespmem:v16+s15+$0x0] =	vst.idx.add.f32.msk vm5, v18  }
.LBB2_20:
0x175: {  	s7 =	sadd.s32 $0x5, s7;
	[tilespmem:v10+s15+$0x0] =	vst.idx.add.f32.msk vm3, v13  }
0x176: {  	v13 =	vsub.f32 $0.0e+00, v13;
	v10 =	vld [tilespmem:s21+$0x20];
	p3 =	slt.u32 s7, $0x1EF;
	vm3 =	vne.s32 v9, v8;
	(xrf2) =	vadd.scan.msk.f32 $0xffff, v11  }
0x177: {  	v11 =	vld [tilespmem:s0+$0xF];
	vm4 =	vne.s32 v7, v5;
	vm5 =	vmor vm3, vm1;
	v14, _, _ =	vpop (xrf2)  }
0x178: {  	v9 =	vsub.s32 v9, v3;
	[tilespmem:v12+s15+$0x0] =	vst.idx.add.f32.msk vm2, v13;
	v12 =	vsub.f32 $0.0e+00, v14  }
0x179: {  	vm3 =	vmand vm3, vm0;
	vm2 =	vne.s32 v6, v4;
	v13 =	vld [tilespmem:s0+$0x10]  }
0x17a: {  	v8 =	vsub.s32 v8, v3;
	vm6 =	vmor vm2, vm1;
	v15 =	vld [tilespmem:s0+$0xFFFFFFE0]  }
0x17b: {  	vm7 =	vmor vm4, vm1;
	v6 =	vsub.s32 v6, v3;
	v16 =	vld [tilespmem:s21+$0xFFFFFFE0]  }
0x17c: {  	v7 =	vsub.s32 v7, v3;
	vm2 =	vmand vm2, vm0;
	v17 =	vld [tilespmem:s21+$0x10]  }
0x17d: {  	vm4 =	vmand vm4, vm0;
	v4 =	vsub.s32 v4, v3;
	[tilespmem:v9+s15+$0x0] =	vst.idx.add.f32.msk vm5, v14;
	v9, _, _ =	vpop (xrf2)  }
0x17e: {  	v5 =	vsub.s32 v5, v3;
	v14 =	vld [tilespmem:s0+$0xFFFFFFDF]  }
0x17f: {  	[tilespmem:v8+s15+$0x0] =	vst.idx.add.f32.msk vm3, v12  }
0x180: {  	(xrf2) =	vadd.scan.msk.f32 $0xffff, v16;
	[tilespmem:v6+s15+$0x0] =	vst.idx.add.f32.msk vm6, v9;
	v6 =	vsub.f32 $0.0e+00, v9;
	v8, _, _ =	vpop (xrf2)  }
0x181: {  	[tilespmem:v7+s15+$0x0] =	vst.idx.add.f32.msk vm7, v8;
	v7 =	vsub.f32 $0.0e+00, v8  }
0x182: {  	[tilespmem:v4+s15+$0x0] =	vst.idx.add.f32.msk vm2, v6  }
0x183: {  	vm2 =	vne.s32 v14, v15;
	(xrf2) =	vadd.scan.msk.f32 $0xffff, v17;
	[tilespmem:v5+s15+$0x0] =	vst.idx.add.f32.msk vm4, v7  }
0x184: {  	v4 =	vld [tilespmem:s0+$0x0]  }
0x185: {  	vm4 =	vne.s32 v11, v13;
	v6 =	vld [tilespmem:s0+$0xFFFFFFFF]  }
0x186: {  	vm5 =	vmor vm2, vm1;
	vm3 =	vmor vm4, vm1;
	v5 =	vld [tilespmem:s0+$0xFFFFFFF0];
	(xrf2) =	vadd.scan.msk.f32 $0xffff, v10  }
0x187: {  	v12 =	vsub.s32 v14, v3;
	vm6 =	vmand vm2, vm0;
	v10 =	vsub.s32 v11, v3;
	v14 =	vld [tilespmem:s21+$0x0]  }
0x188: {  	v15 =	vsub.s32 v15, v3;
	vm2 =	vmand vm4, vm0;
	v11 =	vld [tilespmem:s21+$0xFFFFFFF0]  }
.Ltmp16:
0x189: {  	v8 =	vld [tilespmem:s0+$0x20];
	(pc) =	sbr.rel @p3 .LBB2_20-.Ltmp16, $4  }
0x18a: {  	v9 =	vld [tilespmem:s0+$0x1F];
	v16, _, _ =	vpop (xrf2)  }
0x18b: {  	v17 =	vsub.f32 $0.0e+00, v16;
	v7 =	vld [tilespmem:s0+$0xFFFFFFEF]  }
0x18c: {  	[tilespmem:v12+s15+$0x0] =	vst.idx.add.f32.msk vm5, v16;
	v12 =	vsub.s32 v13, v3;
	(xrf2) =	vadd.scan.msk.f32 $0xffff, v14  }
0x18d: {  	s21 =	sadd.s32 $0x50, s21;
	s0 =	sadd.s32 $0x50, s0;
	[tilespmem:v15+s15+$0x0] =	vst.idx.add.f32.msk vm6, v17;
	v13, _, _ =	vpop (xrf2)  }
0x18e: {  	(xrf2) =	vadd.scan.msk.f32 $0xffff, v11  }
0x18f: {  	vm4 =	vne.s32 v9, v8  }
0x190: {  	vm5 =	vmor vm4, vm1  }
0x191: {  	vm6 =	vne.s32 v6, v4;
	v53 =	vsub.s32 v9, v3;
	vm4 =	vmand vm4, vm0  }
0x192: {  	v54 =	vsub.s32 v8, v3;
	vm8 =	vmor vm6, vm1;
	vm7 =	vne.s32 v7, v5  }
0x193: {  	v55 =	vsub.f32 $0.0e+00, v13;
	v56 =	vsub.s32 v6, v3;
	vm9 =	vmor vm7, vm1  }
0x194: {  	[tilespmem:v10+s15+$0x0] =	vst.idx.add.f32.msk vm3, v13;
	vm3 =	vmand vm6, vm0;
	v57, _, _ =	vpop (xrf2);
	v58 =	vsub.s32 v7, v3  }
0x195: {  	v4 =	vsub.s32 v4, v3;
	[tilespmem:v12+s15+$0x0] =	vst.idx.add.f32.msk vm2, v55;
	v59 =	vsub.f32 $0.0e+00, v57;
	vm2 =	vmand vm7, vm0  }
0x196: {  	v5 =	vsub.s32 v5, v3;
	[tilespmem:v53+s15+$0x0] =	vst.idx.add.f32.msk vm5, v57  }
0x197: {  	v60, _, _ =	vpop (xrf2);
	[tilespmem:v54+s15+$0x0] =	vst.idx.add.f32.msk vm4, v59  }
0x198: {  	[tilespmem:v56+s15+$0x0] =	vst.idx.add.f32.msk vm8, v60;
	v61 =	vsub.f32 $0.0e+00, v60;
	v62, _, _ =	vpop (xrf2)  }
0x199: {  	[tilespmem:v58+s15+$0x0] =	vst.idx.add.f32.msk vm9, v62;
	v63 =	vsub.f32 $0.0e+00, v62  }
0x19a: {  	[tilespmem:v4+s15+$0x0] =	vst.idx.add.f32.msk vm3, v61  }
0x19b: {  	[tilespmem:v5+s15+$0x0] =	vst.idx.add.f32.msk vm2, v63  }
.LBB2_23:
0x19c: {  	s0 =	sadd.s32 @!p2 s14, s19  }
0x19d: {  	s0 =	sshrl.u32 @!p2 s0, $0x3  }
0x19e: {  	s21 =	simm.s32 @!p2 $0x0;
	s23 =	simm.s32 @!p2 $0x3F00;
	s7 =	sadd.s32 @!p2 s1, s0  }
0x19f: {  	[tilespmem:s23], [sflag:$0x3] =	stream.linear.gather @!p2 [hbm4b:s7+s21], $0x1F40, $0x38;
	[tilespmem:$0x1B080] =	vst v63  }
0x1a0: {  	s0 =	sadd.s32 @!p2 s2, s0;
	s7 =	simm.s32 @!p2 $0xDC80  }
0x1a1: {  	[tilespmem:s7], [sflag:$0x3] =	stream.linear.gather @!p2 [hbm4b:s0+s21], $0x1F40, $0x38;
	[tilespmem:$0x1B080] =	vst v63  }
0x1a2: {  	_ =	swait.ge [sflag:s12], $0x1F40  }
.Ltmp17:
0x1a3: {  	[sflag:s12] =	ssyncset.done $0x0;
	(pc) =	sbr.rel @!p0 .LBB2_24-.Ltmp17, $4  }
0x1a4: {  	[sflag:s12] =	ssyncadd.s32 $0xFFFFE0C0  }
0x1a5: {  	_ =	swait.ge [sflag:s12], $0x1F40  }
0x1a6: {  	[sflag:s12] =	ssyncset.done $0x0  }
0x1a7: {  	[sflag:s12] =	ssyncadd.s32 $0xFFFFE0C0  }
.Ltmp18:
0x1a8: {  	(pc) =	sbr.rel .LBB2_28-.Ltmp18, $4  }
0x1a9: {  	[spmem:s4] =	stream.indirect.scatter.add.f32 [tilespmem:s29], [sflag:$0x6], $0x1, s30, s8, $0xb8;
	[tilespmem:$0x1B080] =	vst v63  }
0x1aa: {  	_ =	swait.ge [sflag:s9], $0x1F50  }
0x1ab: {  	[sflag:s9] =	ssyncset.done $0x0  }
0x1ac: {  	[sflag:s9] =	ssyncadd.s32 $0xFFFFE0B0  }
.LBB2_24:
0x1ad: {  	s0 =	simm.s32 $0x5EA0  }
0x1ae: {  	v4 =	vld [tilespmem:s0+$0xFFFFFFE0];
	_ =	sdelay $0x1  }
0x1af: {  	s7 =	simm.s32 $0xFC21;
	v5 =	vld [tilespmem:s0+$0x10]  }
0x1b0: {  	v7 =	vld [tilespmem:s7+$0xFFFFFFE0]  }
0x1b1: {  	v8 =	vld [tilespmem:s7+$0xFFFFFFDF]  }
0x1b2: {  	v10 =	vld [tilespmem:s0+$0x20];
	(xrf2) =	vadd.scan.msk.f32 $0xffff, v4  }
0x1b3: {  	v12 =	vld [tilespmem:s7+$0xF]  }
0x1b4: {  	v13 =	vld [tilespmem:s7+$0x10]  }
0x1b5: {  	(xrf2) =	vadd.scan.msk.f32 $0xffff, v5  }
0x1b6: {  	v6 =	vld [tilespmem:s7+$0xFFFFFFFF]  }
0x1b7: {  	v15 =	vld [tilespmem:s0+$0x0];
	vm2 =	vne.s32 v8, v7  }
0x1b8: {  	v11 =	vld [tilespmem:s0+$0xFFFFFFF0];
	vm4 =	vmor vm2, vm1;
	(xrf2) =	vadd.scan.msk.f32 $0xffff, v10  }
0x1b9: {  	v9 =	vld [tilespmem:s7+$0x1F];
	v14 =	vsub.s32 v8, v3;
	vm5 =	vmand vm2, vm0;
	vm2 =	vne.s32 v12, v13  }
0x1ba: {  	v4 =	vld [tilespmem:s7+$0x0];
	v16 =	vsub.s32 v7, v3;
	vm3 =	vmor vm2, vm1  }
0x1bb: {  	v8 =	vld [tilespmem:s7+$0x20];
	v10 =	vsub.s32 v12, v3  }
0x1bc: {  	v7 =	vld [tilespmem:s7+$0xFFFFFFEF];
	v17, _, _ =	vpop (xrf2)  }
0x1bd: {  	v5 =	vld [tilespmem:s7+$0xFFFFFFF0];
	vm2 =	vmand vm2, vm0;
	v18 =	vsub.f32 $0.0e+00, v17  }
0x1be: {  	v12 =	vsub.s32 v13, v3;
	(xrf2) =	vadd.scan.msk.f32 $0xffff, v15;
	[tilespmem:v14+s15+$0x0] =	vst.idx.add.f32.msk vm4, v17  }
0x1bf: {  	s21 =	simm.s32 $0x5EF0;
	s0 =	simm.s32 $0xFC71;
	s7 =	simm.s32 $0x0;
	v13, _, _ =	vpop (xrf2);
	[tilespmem:v16+s15+$0x0] =	vst.idx.add.f32.msk vm5, v18  }
.LBB2_25:
0x1c0: {  	s7 =	sadd.s32 $0x5, s7;
	[tilespmem:v10+s15+$0x0] =	vst.idx.add.f32.msk vm3, v13  }
0x1c1: {  	v13 =	vsub.f32 $0.0e+00, v13;
	v10 =	vld [tilespmem:s21+$0x20];
	p3 =	slt.u32 s7, $0x1EF;
	vm3 =	vne.s32 v9, v8;
	(xrf2) =	vadd.scan.msk.f32 $0xffff, v11  }
0x1c2: {  	v11 =	vld [tilespmem:s0+$0xF];
	vm4 =	vne.s32 v7, v5;
	vm5 =	vmor vm3, vm1;
	v14, _, _ =	vpop (xrf2)  }
0x1c3: {  	v9 =	vsub.s32 v9, v3;
	[tilespmem:v12+s15+$0x0] =	vst.idx.add.f32.msk vm2, v13;
	v12 =	vsub.f32 $0.0e+00, v14  }
0x1c4: {  	vm3 =	vmand vm3, vm0;
	vm2 =	vne.s32 v6, v4;
	v13 =	vld [tilespmem:s0+$0x10]  }
0x1c5: {  	v8 =	vsub.s32 v8, v3;
	vm6 =	vmor vm2, vm1;
	v15 =	vld [tilespmem:s0+$0xFFFFFFE0]  }
0x1c6: {  	vm7 =	vmor vm4, vm1;
	v6 =	vsub.s32 v6, v3;
	v16 =	vld [tilespmem:s21+$0xFFFFFFE0]  }
0x1c7: {  	v7 =	vsub.s32 v7, v3;
	vm2 =	vmand vm2, vm0;
	v17 =	vld [tilespmem:s21+$0x10]  }
0x1c8: {  	vm4 =	vmand vm4, vm0;
	v4 =	vsub.s32 v4, v3;
	[tilespmem:v9+s15+$0x0] =	vst.idx.add.f32.msk vm5, v14;
	v9, _, _ =	vpop (xrf2)  }
0x1c9: {  	v5 =	vsub.s32 v5, v3;
	v14 =	vld [tilespmem:s0+$0xFFFFFFDF]  }
0x1ca: {  	[tilespmem:v8+s15+$0x0] =	vst.idx.add.f32.msk vm3, v12  }
0x1cb: {  	(xrf2) =	vadd.scan.msk.f32 $0xffff, v16;
	[tilespmem:v6+s15+$0x0] =	vst.idx.add.f32.msk vm6, v9;
	v6 =	vsub.f32 $0.0e+00, v9;
	v8, _, _ =	vpop (xrf2)  }
0x1cc: {  	[tilespmem:v7+s15+$0x0] =	vst.idx.add.f32.msk vm7, v8;
	v7 =	vsub.f32 $0.0e+00, v8  }
0x1cd: {  	[tilespmem:v4+s15+$0x0] =	vst.idx.add.f32.msk vm2, v6  }
0x1ce: {  	vm2 =	vne.s32 v14, v15;
	(xrf2) =	vadd.scan.msk.f32 $0xffff, v17;
	[tilespmem:v5+s15+$0x0] =	vst.idx.add.f32.msk vm4, v7  }
0x1cf: {  	v4 =	vld [tilespmem:s0+$0x0]  }
0x1d0: {  	vm4 =	vne.s32 v11, v13;
	v6 =	vld [tilespmem:s0+$0xFFFFFFFF]  }
0x1d1: {  	vm5 =	vmor vm2, vm1;
	vm3 =	vmor vm4, vm1;
	v5 =	vld [tilespmem:s0+$0xFFFFFFF0];
	(xrf2) =	vadd.scan.msk.f32 $0xffff, v10  }
0x1d2: {  	v12 =	vsub.s32 v14, v3;
	vm6 =	vmand vm2, vm0;
	v10 =	vsub.s32 v11, v3;
	v14 =	vld [tilespmem:s21+$0x0]  }
0x1d3: {  	v15 =	vsub.s32 v15, v3;
	vm2 =	vmand vm4, vm0;
	v11 =	vld [tilespmem:s21+$0xFFFFFFF0]  }
.Ltmp19:
0x1d4: {  	v8 =	vld [tilespmem:s0+$0x20];
	(pc) =	sbr.rel @p3 .LBB2_25-.Ltmp19, $4  }
0x1d5: {  	v9 =	vld [tilespmem:s0+$0x1F];
	v16, _, _ =	vpop (xrf2)  }
0x1d6: {  	v17 =	vsub.f32 $0.0e+00, v16;
	v7 =	vld [tilespmem:s0+$0xFFFFFFEF]  }
0x1d7: {  	[tilespmem:v12+s15+$0x0] =	vst.idx.add.f32.msk vm5, v16;
	v12 =	vsub.s32 v13, v3;
	(xrf2) =	vadd.scan.msk.f32 $0xffff, v14  }
0x1d8: {  	s21 =	sadd.s32 $0x50, s21;
	s0 =	sadd.s32 $0x50, s0;
	[tilespmem:v15+s15+$0x0] =	vst.idx.add.f32.msk vm6, v17;
	v13, _, _ =	vpop (xrf2)  }
0x1d9: {  	(xrf2) =	vadd.scan.msk.f32 $0xffff, v11  }
0x1da: {  	vm4 =	vne.s32 v9, v8  }
0x1db: {  	vm5 =	vmor vm4, vm1  }
0x1dc: {  	vm6 =	vne.s32 v6, v4;
	v53 =	vsub.s32 v9, v3;
	vm4 =	vmand vm4, vm0  }
0x1dd: {  	v54 =	vsub.s32 v8, v3;
	vm8 =	vmor vm6, vm1;
	vm7 =	vne.s32 v7, v5  }
0x1de: {  	v55 =	vsub.f32 $0.0e+00, v13;
	v56 =	vsub.s32 v6, v3;
	vm9 =	vmor vm7, vm1  }
0x1df: {  	[tilespmem:v10+s15+$0x0] =	vst.idx.add.f32.msk vm3, v13;
	vm3 =	vmand vm6, vm0;
	v57, _, _ =	vpop (xrf2);
	v58 =	vsub.s32 v7, v3  }
0x1e0: {  	v4 =	vsub.s32 v4, v3;
	[tilespmem:v12+s15+$0x0] =	vst.idx.add.f32.msk vm2, v55;
	v59 =	vsub.f32 $0.0e+00, v57;
	vm2 =	vmand vm7, vm0  }
0x1e1: {  	v5 =	vsub.s32 v5, v3;
	[tilespmem:v53+s15+$0x0] =	vst.idx.add.f32.msk vm5, v57  }
0x1e2: {  	v60, _, _ =	vpop (xrf2);
	[tilespmem:v54+s15+$0x0] =	vst.idx.add.f32.msk vm4, v59  }
0x1e3: {  	[tilespmem:v56+s15+$0x0] =	vst.idx.add.f32.msk vm8, v60;
	v61 =	vsub.f32 $0.0e+00, v60;
	v62, _, _ =	vpop (xrf2)  }
0x1e4: {  	[tilespmem:v58+s15+$0x0] =	vst.idx.add.f32.msk vm9, v62;
	v63 =	vsub.f32 $0.0e+00, v62  }
0x1e5: {  	[tilespmem:v4+s15+$0x0] =	vst.idx.add.f32.msk vm3, v61  }
0x1e6: {  	[tilespmem:v5+s15+$0x0] =	vst.idx.add.f32.msk vm2, v63  }
.LBB2_28:
0x1e7: {  	s0 =	sadd.s32 @!p2 s14, s20  }
0x1e8: {  	s0 =	sshrl.u32 @!p2 s0, $0x3  }
0x1e9: {  	s14 =	simm.s32 @!p2 $0x0;
	s21 =	simm.s32 @!p2 $0x5E80;
	s7 =	sadd.s32 @!p2 s1, s0  }
0x1ea: {  	[tilespmem:s21], [sflag:$0x4] =	stream.linear.gather @!p2 [hbm4b:s7+s14], $0x1F40, $0x38;
	[tilespmem:$0x1B080] =	vst v63  }
0x1eb: {  	s0 =	sadd.s32 @!p2 s2, s0;
	s7 =	simm.s32 @!p2 $0xFC00  }
0x1ec: {  	[tilespmem:s7], [sflag:$0x4] =	stream.linear.gather @!p2 [hbm4b:s0+s14], $0x1F40, $0x38;
	[tilespmem:$0x1B080] =	vst v63  }
0x1ed: {  	_ =	swait.ge [sflag:s13], $0x1F40  }
.Ltmp20:
0x1ee: {  	[sflag:s13] =	ssyncset.done $0x0;
	(pc) =	sbr.rel @p0 .LBB2_32-.Ltmp20, $4  }
0x1ef: {  	[sflag:s13] =	ssyncadd.s32 $0xFFFFE0C0  }
0x1f0: {  	_ =	swait.ge [sflag:s13], $0x1F40  }
0x1f1: {  	[sflag:s13] =	ssyncset.done $0x0  }
0x1f2: {  	[sflag:s13] =	ssyncadd.s32 $0xFFFFE0C0  }
0x1f3: {  	s0 =	simm.s32 $0x7E20  }
0x1f4: {  	v4 =	vld [tilespmem:s0+$0xFFFFFFE0];
	_ =	sdelay $0x1  }
0x1f5: {  	s7 =	simm.s32 $0x11BA1;
	v5 =	vld [tilespmem:s0+$0x10]  }
0x1f6: {  	v7 =	vld [tilespmem:s7+$0xFFFFFFE0]  }
0x1f7: {  	v8 =	vld [tilespmem:s7+$0xFFFFFFDF]  }
0x1f8: {  	v10 =	vld [tilespmem:s0+$0x20];
	(xrf2) =	vadd.scan.msk.f32 $0xffff, v4  }
0x1f9: {  	v12 =	vld [tilespmem:s7+$0xF]  }
0x1fa: {  	v13 =	vld [tilespmem:s7+$0x10]  }
0x1fb: {  	(xrf2) =	vadd.scan.msk.f32 $0xffff, v5  }
0x1fc: {  	v6 =	vld [tilespmem:s7+$0xFFFFFFFF]  }
0x1fd: {  	v15 =	vld [tilespmem:s0+$0x0];
	vm2 =	vne.s32 v8, v7  }
0x1fe: {  	v11 =	vld [tilespmem:s0+$0xFFFFFFF0];
	vm4 =	vmor vm2, vm1;
	(xrf2) =	vadd.scan.msk.f32 $0xffff, v10  }
0x1ff: {  	v9 =	vld [tilespmem:s7+$0x1F];
	v14 =	vsub.s32 v8, v3;
	vm5 =	vmand vm2, vm0;
	vm2 =	vne.s32 v12, v13  }
0x200: {  	v4 =	vld [tilespmem:s7+$0x0];
	v16 =	vsub.s32 v7, v3;
	vm3 =	vmor vm2, vm1  }
0x201: {  	v8 =	vld [tilespmem:s7+$0x20];
	v10 =	vsub.s32 v12, v3  }
0x202: {  	v7 =	vld [tilespmem:s7+$0xFFFFFFEF];
	v17, _, _ =	vpop (xrf2)  }
0x203: {  	v5 =	vld [tilespmem:s7+$0xFFFFFFF0];
	vm2 =	vmand vm2, vm0;
	v18 =	vsub.f32 $0.0e+00, v17  }
0x204: {  	v12 =	vsub.s32 v13, v3;
	(xrf2) =	vadd.scan.msk.f32 $0xffff, v15;
	[tilespmem:v14+s15+$0x0] =	vst.idx.add.f32.msk vm4, v17  }
0x205: {  	s14 =	simm.s32 $0x7E70;
	s0 =	simm.s32 $0x11BF1;
	s7 =	simm.s32 $0x0;
	v13, _, _ =	vpop (xrf2);
	[tilespmem:v16+s15+$0x0] =	vst.idx.add.f32.msk vm5, v18  }
.LBB2_30:
0x206: {  	s7 =	sadd.s32 $0x5, s7;
	[tilespmem:v10+s15+$0x0] =	vst.idx.add.f32.msk vm3, v13  }
0x207: {  	v13 =	vsub.f32 $0.0e+00, v13;
	v10 =	vld [tilespmem:s14+$0x20];
	p2 =	slt.u32 s7, $0x1EF;
	vm3 =	vne.s32 v9, v8;
	(xrf2) =	vadd.scan.msk.f32 $0xffff, v11  }
0x208: {  	v11 =	vld [tilespmem:s0+$0xF];
	vm4 =	vne.s32 v7, v5;
	vm5 =	vmor vm3, vm1;
	v14, _, _ =	vpop (xrf2)  }
0x209: {  	v9 =	vsub.s32 v9, v3;
	[tilespmem:v12+s15+$0x0] =	vst.idx.add.f32.msk vm2, v13;
	v12 =	vsub.f32 $0.0e+00, v14  }
0x20a: {  	vm3 =	vmand vm3, vm0;
	vm2 =	vne.s32 v6, v4;
	v13 =	vld [tilespmem:s0+$0x10]  }
0x20b: {  	v8 =	vsub.s32 v8, v3;
	vm6 =	vmor vm2, vm1;
	v15 =	vld [tilespmem:s0+$0xFFFFFFE0]  }
0x20c: {  	vm7 =	vmor vm4, vm1;
	v6 =	vsub.s32 v6, v3;
	v16 =	vld [tilespmem:s14+$0xFFFFFFE0]  }
0x20d: {  	v7 =	vsub.s32 v7, v3;
	vm2 =	vmand vm2, vm0;
	v17 =	vld [tilespmem:s14+$0x10]  }
0x20e: {  	vm4 =	vmand vm4, vm0;
	v4 =	vsub.s32 v4, v3;
	[tilespmem:v9+s15+$0x0] =	vst.idx.add.f32.msk vm5, v14;
	v9, _, _ =	vpop (xrf2)  }
0x20f: {  	v5 =	vsub.s32 v5, v3;
	v14 =	vld [tilespmem:s0+$0xFFFFFFDF]  }
0x210: {  	[tilespmem:v8+s15+$0x0] =	vst.idx.add.f32.msk vm3, v12  }
0x211: {  	(xrf2) =	vadd.scan.msk.f32 $0xffff, v16;
	[tilespmem:v6+s15+$0x0] =	vst.idx.add.f32.msk vm6, v9;
	v6 =	vsub.f32 $0.0e+00, v9;
	v8, _, _ =	vpop (xrf2)  }
0x212: {  	[tilespmem:v7+s15+$0x0] =	vst.idx.add.f32.msk vm7, v8;
	v7 =	vsub.f32 $0.0e+00, v8  }
0x213: {  	[tilespmem:v4+s15+$0x0] =	vst.idx.add.f32.msk vm2, v6  }
0x214: {  	vm2 =	vne.s32 v14, v15;
	(xrf2) =	vadd.scan.msk.f32 $0xffff, v17;
	[tilespmem:v5+s15+$0x0] =	vst.idx.add.f32.msk vm4, v7  }
0x215: {  	v4 =	vld [tilespmem:s0+$0x0]  }
0x216: {  	vm4 =	vne.s32 v11, v13;
	v6 =	vld [tilespmem:s0+$0xFFFFFFFF]  }
0x217: {  	vm5 =	vmor vm2, vm1;
	vm3 =	vmor vm4, vm1;
	v5 =	vld [tilespmem:s0+$0xFFFFFFF0];
	(xrf2) =	vadd.scan.msk.f32 $0xffff, v10  }
0x218: {  	v12 =	vsub.s32 v14, v3;
	vm6 =	vmand vm2, vm0;
	v10 =	vsub.s32 v11, v3;
	v14 =	vld [tilespmem:s14+$0x0]  }
0x219: {  	v15 =	vsub.s32 v15, v3;
	vm2 =	vmand vm4, vm0;
	v11 =	vld [tilespmem:s14+$0xFFFFFFF0]  }
.Ltmp21:
0x21a: {  	v8 =	vld [tilespmem:s0+$0x20];
	(pc) =	sbr.rel @p2 .LBB2_30-.Ltmp21, $4  }
0x21b: {  	v9 =	vld [tilespmem:s0+$0x1F];
	v16, _, _ =	vpop (xrf2)  }
0x21c: {  	v17 =	vsub.f32 $0.0e+00, v16;
	v7 =	vld [tilespmem:s0+$0xFFFFFFEF]  }
0x21d: {  	[tilespmem:v12+s15+$0x0] =	vst.idx.add.f32.msk vm5, v16;
	v12 =	vsub.s32 v13, v3;
	(xrf2) =	vadd.scan.msk.f32 $0xffff, v14  }
0x21e: {  	s14 =	sadd.s32 $0x50, s14;
	s0 =	sadd.s32 $0x50, s0;
	[tilespmem:v15+s15+$0x0] =	vst.idx.add.f32.msk vm6, v17;
	v13, _, _ =	vpop (xrf2)  }
0x21f: {  	(xrf2) =	vadd.scan.msk.f32 $0xffff, v11  }
0x220: {  	vm4 =	vne.s32 v9, v8  }
0x221: {  	vm5 =	vmor vm4, vm1  }
0x222: {  	vm6 =	vne.s32 v6, v4;
	v53 =	vsub.s32 v9, v3;
	vm4 =	vmand vm4, vm0  }
0x223: {  	v54 =	vsub.s32 v8, v3;
	vm8 =	vmor vm6, vm1;
	vm7 =	vne.s32 v7, v5  }
0x224: {  	v55 =	vsub.f32 $0.0e+00, v13;
	v56 =	vsub.s32 v6, v3;
	vm9 =	vmor vm7, vm1  }
0x225: {  	[tilespmem:v10+s15+$0x0] =	vst.idx.add.f32.msk vm3, v13;
	vm3 =	vmand vm6, vm0;
	v57, _, _ =	vpop (xrf2);
	v58 =	vsub.s32 v7, v3  }
0x226: {  	v4 =	vsub.s32 v4, v3;
	[tilespmem:v12+s15+$0x0] =	vst.idx.add.f32.msk vm2, v55;
	v59 =	vsub.f32 $0.0e+00, v57;
	vm2 =	vmand vm7, vm0  }
0x227: {  	v5 =	vsub.s32 v5, v3;
	[tilespmem:v53+s15+$0x0] =	vst.idx.add.f32.msk vm5, v57  }
.Ltmp22:
0x228: {  	v60, _, _ =	vpop (xrf2);
	[tilespmem:v54+s15+$0x0] =	vst.idx.add.f32.msk vm4, v59;
	(pc) =	sbr.rel .LBB2_33-.Ltmp22, $4  }
0x229: {  	[tilespmem:v56+s15+$0x0] =	vst.idx.add.f32.msk vm8, v60;
	v61 =	vsub.f32 $0.0e+00, v60;
	v62, _, _ =	vpop (xrf2)  }
0x22a: {  	[tilespmem:v58+s15+$0x0] =	vst.idx.add.f32.msk vm9, v62;
	v63 =	vsub.f32 $0.0e+00, v62  }
0x22b: {  	[tilespmem:v4+s15+$0x0] =	vst.idx.add.f32.msk vm3, v61  }
0x22c: {  	[tilespmem:v5+s15+$0x0] =	vst.idx.add.f32.msk vm2, v63  }
.LBB2_34:
.Ltmp23:
0x22d: {  	(pc) =	sbr.rel @p1 .LBB2_38-.Ltmp23, $2  }
0x22e: {  	_ =	sdelay $0x2  }
0x22f: {  	s24 =	rddreg [dreg:$0x14]  }
0x230: {  	s14 =	simm.s32 $0x15900  }
0x231: {  	s0 =	rddreg [dreg:$0x17];
	v3 =	vld [tilespmem:s14+$0xFFFFFF00]  }
0x232: {  	s22 =	sadd.s32 $0x1F0, s0  }
0x233: {  	s0 =	sadd.s32 $0xFFFFFE10, s22  }
0x234: {  	v4 =	vadd.s32 s0, v2  }
0x235: {  	[tilespmem:$0x15600] =	vst v4  }
0x236: {  	[tilespmem:$0x15400] =	vst v3  }
0x237: {  	v3 =	vld [tilespmem:s14+$0xFFFFFF10];
	_ =	sdelay $0x1  }
0x238: {  	s23 =	sadd.s32 $0xFFFFFE20, s22  }
0x239: {  	v33 =	vadd.s32 s23, v2  }
0x23a: {  	[tilespmem:$0x15610] =	vst v33  }
0x23b: {  	[tilespmem:$0x15410] =	vst v3  }
0x23c: {  	v3 =	vld [tilespmem:s14+$0xFFFFFF20];
	_ =	sdelay $0x1  }
0x23d: {  	s24 =	sadd.s32 $0xFFFFFE30, s22  }
0x23e: {  	v34 =	vadd.s32 s24, v2  }
0x23f: {  	[tilespmem:$0x15620] =	vst v34  }
0x240: {  	[tilespmem:$0x15420] =	vst v3  }
0x241: {  	v3 =	vld [tilespmem:s14+$0xFFFFFF30];
	_ =	sdelay $0x1  }
0x242: {  	s7 =	sadd.s32 $0xFFFFFE40, s22  }
0x243: {  	v35 =	vadd.s32 s7, v2  }
0x244: {  	[tilespmem:$0x15630] =	vst v35  }
0x245: {  	[tilespmem:$0x15430] =	vst v3  }
0x246: {  	v3 =	vld [tilespmem:s14+$0xFFFFFF40];
	_ =	sdelay $0x1  }
0x247: {  	s21 =	sadd.s32 $0xFFFFFE50, s22  }
0x248: {  	v36 =	vadd.s32 s21, v2  }
0x249: {  	[tilespmem:$0x15640] =	vst v36  }
0x24a: {  	[tilespmem:$0x15440] =	vst v3  }
0x24b: {  	v3 =	vld [tilespmem:s14+$0xFFFFFF50];
	_ =	sdelay $0x1  }
0x24c: {  	s23 =	sadd.s32 $0xFFFFFE60, s22  }
0x24d: {  	v37 =	vadd.s32 s23, v2  }
0x24e: {  	[tilespmem:$0x15650] =	vst v37  }
0x24f: {  	[tilespmem:$0x15450] =	vst v3  }
0x250: {  	v3 =	vld [tilespmem:s14+$0xFFFFFF60];
	_ =	sdelay $0x1  }
0x251: {  	s24 =	sadd.s32 $0xFFFFFE70, s22  }
0x252: {  	v38 =	vadd.s32 s24, v2  }
0x253: {  	[tilespmem:$0x15660] =	vst v38  }
0x254: {  	[tilespmem:$0x15460] =	vst v3  }
0x255: {  	v3 =	vld [tilespmem:s14+$0xFFFFFF70];
	_ =	sdelay $0x1  }
0x256: {  	s7 =	sadd.s32 $0xFFFFFE80, s22  }
0x257: {  	v39 =	vadd.s32 s7, v2  }
0x258: {  	[tilespmem:$0x15670] =	vst v39  }
0x259: {  	[tilespmem:$0x15470] =	vst v3  }
0x25a: {  	v3 =	vld [tilespmem:s14+$0xFFFFFF80];
	_ =	sdelay $0x1  }
0x25b: {  	s21 =	sadd.s32 $0xFFFFFE90, s22  }
0x25c: {  	v40 =	vadd.s32 s21, v2  }
0x25d: {  	[tilespmem:$0x15680] =	vst v40  }
0x25e: {  	[tilespmem:$0x15480] =	vst v3  }
0x25f: {  	v3 =	vld [tilespmem:s14+$0xFFFFFF90];
	_ =	sdelay $0x1  }
0x260: {  	s23 =	sadd.s32 $0xFFFFFEA0, s22  }
0x261: {  	v41 =	vadd.s32 s23, v2  }
0x262: {  	[tilespmem:$0x15690] =	vst v41  }
0x263: {  	[tilespmem:$0x15490] =	vst v3  }
0x264: {  	v3 =	vld [tilespmem:s14+$0xFFFFFFA0];
	_ =	sdelay $0x1  }
0x265: {  	s24 =	sadd.s32 $0xFFFFFEB0, s22  }
0x266: {  	v42 =	vadd.s32 s24, v2  }
0x267: {  	[tilespmem:$0x156A0] =	vst v42  }
0x268: {  	[tilespmem:$0x154A0] =	vst v3  }
0x269: {  	v3 =	vld [tilespmem:s14+$0xFFFFFFB0];
	_ =	sdelay $0x1  }
0x26a: {  	s7 =	sadd.s32 $0xFFFFFEC0, s22  }
0x26b: {  	v43 =	vadd.s32 s7, v2  }
0x26c: {  	[tilespmem:$0x156B0] =	vst v43  }
0x26d: {  	[tilespmem:$0x154B0] =	vst v3  }
0x26e: {  	v3 =	vld [tilespmem:s14+$0xFFFFFFC0];
	_ =	sdelay $0x1  }
0x26f: {  	s21 =	sadd.s32 $0xFFFFFED0, s22  }
0x270: {  	v44 =	vadd.s32 s21, v2  }
0x271: {  	[tilespmem:$0x156C0] =	vst v44  }
0x272: {  	[tilespmem:$0x154C0] =	vst v3  }
0x273: {  	v3 =	vld [tilespmem:s14+$0xFFFFFFD0];
	_ =	sdelay $0x1  }
0x274: {  	s23 =	sadd.s32 $0xFFFFFEE0, s22  }
0x275: {  	v45 =	vadd.s32 s23, v2  }
0x276: {  	[tilespmem:$0x156D0] =	vst v45  }
0x277: {  	[tilespmem:$0x154D0] =	vst v3  }
0x278: {  	v3 =	vld [tilespmem:s14+$0xFFFFFFE0];
	_ =	sdelay $0x1  }
0x279: {  	s24 =	sadd.s32 $0xFFFFFEF0, s22  }
0x27a: {  	v46 =	vadd.s32 s24, v2  }
0x27b: {  	[tilespmem:$0x156E0] =	vst v46  }
0x27c: {  	[tilespmem:$0x154E0] =	vst v3  }
0x27d: {  	v3 =	vld [tilespmem:s14+$0xFFFFFFF0];
	_ =	sdelay $0x1  }
0x27e: {  	s7 =	sadd.s32 $0xFFFFFF00, s22  }
0x27f: {  	v47 =	vadd.s32 s7, v2  }
0x280: {  	[tilespmem:$0x156F0] =	vst v47  }
0x281: {  	[tilespmem:$0x154F0] =	vst v3  }
0x282: {  	v3 =	vld [tilespmem:s14+$0x0];
	_ =	sdelay $0x1  }
0x283: {  	s21 =	sadd.s32 $0xFFFFFF10, s22  }
0x284: {  	v48 =	vadd.s32 s21, v2  }
0x285: {  	[tilespmem:$0x15700] =	vst v48  }
0x286: {  	[tilespmem:$0x15500] =	vst v3  }
0x287: {  	v3 =	vld [tilespmem:s14+$0x10];
	_ =	sdelay $0x1  }
0x288: {  	s23 =	sadd.s32 $0xFFFFFF20, s22  }
0x289: {  	v49 =	vadd.s32 s23, v2  }
0x28a: {  	[tilespmem:$0x15710] =	vst v49  }
0x28b: {  	[tilespmem:$0x15510] =	vst v3  }
0x28c: {  	v3 =	vld [tilespmem:s14+$0x20];
	_ =	sdelay $0x1  }
0x28d: {  	s24 =	sadd.s32 $0xFFFFFF30, s22  }
0x28e: {  	v50 =	vadd.s32 s24, v2  }
0x28f: {  	[tilespmem:$0x15720] =	vst v50  }
0x290: {  	[tilespmem:$0x15520] =	vst v3  }
0x291: {  	v3 =	vld [tilespmem:s14+$0x30];
	_ =	sdelay $0x1  }
0x292: {  	s7 =	sadd.s32 $0xFFFFFF40, s22  }
0x293: {  	v51 =	vadd.s32 s7, v2  }
0x294: {  	[tilespmem:$0x15730] =	vst v51  }
0x295: {  	[tilespmem:$0x15530] =	vst v3  }
0x296: {  	v3 =	vld [tilespmem:s14+$0x40];
	_ =	sdelay $0x1  }
0x297: {  	s21 =	sadd.s32 $0xFFFFFF50, s22  }
0x298: {  	v52 =	vadd.s32 s21, v2  }
0x299: {  	[tilespmem:$0x15740] =	vst v52  }
0x29a: {  	[tilespmem:$0x15540] =	vst v3  }
0x29b: {  	v3 =	vld [tilespmem:s14+$0x50];
	_ =	sdelay $0x1  }
0x29c: {  	s23 =	sadd.s32 $0xFFFFFF60, s22  }
0x29d: {  	v53 =	vadd.s32 s23, v2  }
0x29e: {  	[tilespmem:$0x15750] =	vst v53  }
0x29f: {  	[tilespmem:$0x15550] =	vst v3  }
0x2a0: {  	v3 =	vld [tilespmem:s14+$0x60];
	_ =	sdelay $0x1  }
0x2a1: {  	s24 =	sadd.s32 $0xFFFFFF70, s22  }
0x2a2: {  	v54 =	vadd.s32 s24, v2  }
0x2a3: {  	[tilespmem:$0x15760] =	vst v54  }
0x2a4: {  	[tilespmem:$0x15560] =	vst v3  }
0x2a5: {  	v3 =	vld [tilespmem:s14+$0x70];
	_ =	sdelay $0x1  }
0x2a6: {  	s7 =	sadd.s32 $0xFFFFFF80, s22  }
0x2a7: {  	v55 =	vadd.s32 s7, v2  }
0x2a8: {  	[tilespmem:$0x15770] =	vst v55  }
0x2a9: {  	[tilespmem:$0x15570] =	vst v3  }
0x2aa: {  	v3 =	vld [tilespmem:s14+$0x80];
	_ =	sdelay $0x1  }
0x2ab: {  	s21 =	sadd.s32 $0xFFFFFF90, s22  }
0x2ac: {  	v56 =	vadd.s32 s21, v2  }
0x2ad: {  	[tilespmem:$0x15780] =	vst v56  }
0x2ae: {  	[tilespmem:$0x15580] =	vst v3  }
0x2af: {  	v3 =	vld [tilespmem:s14+$0x90];
	_ =	sdelay $0x1  }
0x2b0: {  	s23 =	sadd.s32 $0xFFFFFFA0, s22  }
0x2b1: {  	v57 =	vadd.s32 s23, v2  }
0x2b2: {  	[tilespmem:$0x15790] =	vst v57  }
0x2b3: {  	[tilespmem:$0x15590] =	vst v3  }
0x2b4: {  	v3 =	vld [tilespmem:s14+$0xA0];
	_ =	sdelay $0x1  }
0x2b5: {  	s24 =	sadd.s32 $0xFFFFFFB0, s22  }
0x2b6: {  	v58 =	vadd.s32 s24, v2  }
0x2b7: {  	[tilespmem:$0x157A0] =	vst v58  }
0x2b8: {  	[tilespmem:$0x155A0] =	vst v3  }
0x2b9: {  	v3 =	vld [tilespmem:s14+$0xB0];
	_ =	sdelay $0x1  }
0x2ba: {  	s7 =	sadd.s32 $0xFFFFFFC0, s22  }
0x2bb: {  	v59 =	vadd.s32 s7, v2  }
0x2bc: {  	[tilespmem:$0x157B0] =	vst v59  }
0x2bd: {  	[tilespmem:$0x155B0] =	vst v3  }
0x2be: {  	v3 =	vld [tilespmem:s14+$0xC0];
	_ =	sdelay $0x1  }
0x2bf: {  	s21 =	sadd.s32 $0xFFFFFFD0, s22  }
0x2c0: {  	v60 =	vadd.s32 s21, v2  }
0x2c1: {  	[tilespmem:$0x157C0] =	vst v60  }
0x2c2: {  	[tilespmem:$0x155C0] =	vst v3  }
0x2c3: {  	v3 =	vld [tilespmem:s14+$0xD0];
	_ =	sdelay $0x1  }
0x2c4: {  	s23 =	sadd.s32 $0xFFFFFFE0, s22  }
0x2c5: {  	v61 =	vadd.s32 s23, v2  }
0x2c6: {  	[tilespmem:$0x157D0] =	vst v61  }
0x2c7: {  	[tilespmem:$0x155D0] =	vst v3  }
0x2c8: {  	v3 =	vld [tilespmem:s14+$0xE0];
	_ =	sdelay $0x1  }
0x2c9: {  	s24 =	sadd.s32 $0xFFFFFFF0, s22  }
0x2ca: {  	v62 =	vadd.s32 s24, v2  }
0x2cb: {  	s23 =	rddreg [dreg:$0x15];
	[tilespmem:$0x157E0] =	vst v62  }
0x2cc: {  	s24 =	rddreg [dreg:$0x16];
	[tilespmem:$0x155E0] =	vst v3  }
0x2cd: {  	s23 =	sadd.s32 s24, s23;
	v3 =	vld [tilespmem:s14+$0xF0]  }
0x2ce: {  	s23 =	sadd.s32 $0x1, s23  }
0x2cf: {  	p0 =	sne.s32 s23, $0x1  }
.Ltmp24:
0x2d0: {  	v63 =	vadd.s32 s22, v2;
	s0 =	rddreg [dreg:$0x7];
	(pc) =	sbr.rel @!p0 .LBB2_37-.Ltmp24, $4  }
0x2d1: {  	s7 =	rddreg [dreg:$0x6];
	[tilespmem:$0x157F0] =	vst v63  }
0x2d2: {  	s21 =	rddreg [dreg:$0x5];
	[tilespmem:$0x155F0] =	vst v3  }
0x2d3: {  	[spmem:s4] =	stream.indirect.scatter.add.f32 [tilespmem:s21], [sflag:$0x6], $0x1, s7, s0, $0xb8;
	[tilespmem:$0x1B080] =	vst v63  }
0x2d4: {  	s7 =	sadd.s32 $0xFFFFFFFF, s23;
	_ =	swait.ge [sflag:s9], $0x200  }
.LBB2_36:
0x2d5: {  	[sflag:s9] =	ssyncset.done $0x0  }
0x2d6: {  	s14 =	sadd.s32 $0x200, s14;
	[sflag:s9] =	ssyncadd.s32 $0xFFFFFE00  }
0x2d7: {  	v3 =	vld [tilespmem:s14+$0xFFFFFF00]  }
0x2d8: {  	s22 =	sadd.s32 $0x200, s22  }
0x2d9: {  	s0 =	sadd.s32 $0xFFFFFE10, s22  }
0x2da: {  	v4 =	vadd.s32 s0, v2  }
0x2db: {  	[tilespmem:$0x15600] =	vst v4  }
0x2dc: {  	[tilespmem:$0x15400] =	vst v3  }
0x2dd: {  	v3 =	vld [tilespmem:s14+$0xFFFFFF10];
	_ =	sdelay $0x1  }
0x2de: {  	s24 =	sadd.s32 $0xFFFFFE20, s22  }
0x2df: {  	v33 =	vadd.s32 s24, v2  }
0x2e0: {  	[tilespmem:$0x15610] =	vst v33  }
0x2e1: {  	[tilespmem:$0x15410] =	vst v3  }
0x2e2: {  	v3 =	vld [tilespmem:s14+$0xFFFFFF20];
	_ =	sdelay $0x1  }
0x2e3: {  	s21 =	sadd.s32 $0xFFFFFE30, s22  }
0x2e4: {  	v34 =	vadd.s32 s21, v2  }
0x2e5: {  	[tilespmem:$0x15620] =	vst v34  }
0x2e6: {  	[tilespmem:$0x15420] =	vst v3  }
0x2e7: {  	v3 =	vld [tilespmem:s14+$0xFFFFFF30];
	_ =	sdelay $0x1  }
0x2e8: {  	s23 =	sadd.s32 $0xFFFFFE40, s22  }
0x2e9: {  	v35 =	vadd.s32 s23, v2  }
0x2ea: {  	[tilespmem:$0x15630] =	vst v35  }
0x2eb: {  	[tilespmem:$0x15430] =	vst v3  }
0x2ec: {  	v3 =	vld [tilespmem:s14+$0xFFFFFF40];
	_ =	sdelay $0x1  }
0x2ed: {  	s24 =	sadd.s32 $0xFFFFFE50, s22  }
0x2ee: {  	v36 =	vadd.s32 s24, v2  }
0x2ef: {  	[tilespmem:$0x15640] =	vst v36  }
0x2f0: {  	[tilespmem:$0x15440] =	vst v3  }
0x2f1: {  	v3 =	vld [tilespmem:s14+$0xFFFFFF50];
	_ =	sdelay $0x1  }
0x2f2: {  	s21 =	sadd.s32 $0xFFFFFE60, s22  }
0x2f3: {  	v37 =	vadd.s32 s21, v2  }
0x2f4: {  	[tilespmem:$0x15650] =	vst v37  }
0x2f5: {  	[tilespmem:$0x15450] =	vst v3  }
0x2f6: {  	v3 =	vld [tilespmem:s14+$0xFFFFFF60];
	_ =	sdelay $0x1  }
0x2f7: {  	s23 =	sadd.s32 $0xFFFFFE70, s22  }
0x2f8: {  	v38 =	vadd.s32 s23, v2  }
0x2f9: {  	[tilespmem:$0x15660] =	vst v38  }
0x2fa: {  	[tilespmem:$0x15460] =	vst v3  }
0x2fb: {  	v3 =	vld [tilespmem:s14+$0xFFFFFF70];
	_ =	sdelay $0x1  }
0x2fc: {  	s24 =	sadd.s32 $0xFFFFFE80, s22  }
0x2fd: {  	v39 =	vadd.s32 s24, v2  }
0x2fe: {  	[tilespmem:$0x15670] =	vst v39  }
0x2ff: {  	[tilespmem:$0x15470] =	vst v3  }
0x300: {  	v3 =	vld [tilespmem:s14+$0xFFFFFF80];
	_ =	sdelay $0x1  }
0x301: {  	s21 =	sadd.s32 $0xFFFFFE90, s22  }
0x302: {  	v40 =	vadd.s32 s21, v2  }
0x303: {  	[tilespmem:$0x15680] =	vst v40  }
0x304: {  	[tilespmem:$0x15480] =	vst v3  }
0x305: {  	v3 =	vld [tilespmem:s14+$0xFFFFFF90];
	_ =	sdelay $0x1  }
0x306: {  	s23 =	sadd.s32 $0xFFFFFEA0, s22  }
0x307: {  	v41 =	vadd.s32 s23, v2  }
0x308: {  	[tilespmem:$0x15690] =	vst v41  }
0x309: {  	[tilespmem:$0x15490] =	vst v3  }
0x30a: {  	v3 =	vld [tilespmem:s14+$0xFFFFFFA0];
	_ =	sdelay $0x1  }
0x30b: {  	s24 =	sadd.s32 $0xFFFFFEB0, s22  }
0x30c: {  	v42 =	vadd.s32 s24, v2  }
0x30d: {  	[tilespmem:$0x156A0] =	vst v42  }
0x30e: {  	[tilespmem:$0x154A0] =	vst v3  }
0x30f: {  	v3 =	vld [tilespmem:s14+$0xFFFFFFB0];
	_ =	sdelay $0x1  }
0x310: {  	s21 =	sadd.s32 $0xFFFFFEC0, s22  }
0x311: {  	v43 =	vadd.s32 s21, v2  }
0x312: {  	[tilespmem:$0x156B0] =	vst v43  }
0x313: {  	[tilespmem:$0x154B0] =	vst v3  }
0x314: {  	v3 =	vld [tilespmem:s14+$0xFFFFFFC0];
	_ =	sdelay $0x1  }
0x315: {  	s23 =	sadd.s32 $0xFFFFFED0, s22  }
0x316: {  	v44 =	vadd.s32 s23, v2  }
0x317: {  	[tilespmem:$0x156C0] =	vst v44  }
0x318: {  	[tilespmem:$0x154C0] =	vst v3  }
0x319: {  	v3 =	vld [tilespmem:s14+$0xFFFFFFD0];
	_ =	sdelay $0x1  }
0x31a: {  	s24 =	sadd.s32 $0xFFFFFEE0, s22  }
0x31b: {  	v45 =	vadd.s32 s24, v2  }
0x31c: {  	[tilespmem:$0x156D0] =	vst v45  }
0x31d: {  	[tilespmem:$0x154D0] =	vst v3  }
0x31e: {  	v3 =	vld [tilespmem:s14+$0xFFFFFFE0];
	_ =	sdelay $0x1  }
0x31f: {  	s21 =	sadd.s32 $0xFFFFFEF0, s22  }
0x320: {  	v46 =	vadd.s32 s21, v2  }
0x321: {  	[tilespmem:$0x156E0] =	vst v46  }
0x322: {  	[tilespmem:$0x154E0] =	vst v3  }
0x323: {  	v3 =	vld [tilespmem:s14+$0xFFFFFFF0];
	_ =	sdelay $0x1  }
0x324: {  	s23 =	sadd.s32 $0xFFFFFF00, s22  }
0x325: {  	v47 =	vadd.s32 s23, v2  }
0x326: {  	[tilespmem:$0x156F0] =	vst v47  }
0x327: {  	[tilespmem:$0x154F0] =	vst v3  }
0x328: {  	v3 =	vld [tilespmem:s14+$0x0];
	_ =	sdelay $0x1  }
0x329: {  	s24 =	sadd.s32 $0xFFFFFF10, s22  }
0x32a: {  	v48 =	vadd.s32 s24, v2  }
0x32b: {  	[tilespmem:$0x15700] =	vst v48  }
0x32c: {  	[tilespmem:$0x15500] =	vst v3  }
0x32d: {  	v3 =	vld [tilespmem:s14+$0x10];
	_ =	sdelay $0x1  }
0x32e: {  	s21 =	sadd.s32 $0xFFFFFF20, s22  }
0x32f: {  	v49 =	vadd.s32 s21, v2  }
0x330: {  	[tilespmem:$0x15710] =	vst v49  }
0x331: {  	[tilespmem:$0x15510] =	vst v3  }
0x332: {  	v3 =	vld [tilespmem:s14+$0x20];
	_ =	sdelay $0x1  }
0x333: {  	s23 =	sadd.s32 $0xFFFFFF30, s22  }
0x334: {  	v50 =	vadd.s32 s23, v2  }
0x335: {  	[tilespmem:$0x15720] =	vst v50  }
0x336: {  	[tilespmem:$0x15520] =	vst v3  }
0x337: {  	v3 =	vld [tilespmem:s14+$0x30];
	_ =	sdelay $0x1  }
0x338: {  	s24 =	sadd.s32 $0xFFFFFF40, s22  }
0x339: {  	v51 =	vadd.s32 s24, v2  }
0x33a: {  	[tilespmem:$0x15730] =	vst v51  }
0x33b: {  	[tilespmem:$0x15530] =	vst v3  }
0x33c: {  	v3 =	vld [tilespmem:s14+$0x40];
	_ =	sdelay $0x1  }
0x33d: {  	s21 =	sadd.s32 $0xFFFFFF50, s22  }
0x33e: {  	v52 =	vadd.s32 s21, v2  }
0x33f: {  	[tilespmem:$0x15740] =	vst v52  }
0x340: {  	[tilespmem:$0x15540] =	vst v3  }
0x341: {  	v3 =	vld [tilespmem:s14+$0x50];
	_ =	sdelay $0x1  }
0x342: {  	s23 =	sadd.s32 $0xFFFFFF60, s22  }
0x343: {  	v53 =	vadd.s32 s23, v2  }
0x344: {  	[tilespmem:$0x15750] =	vst v53  }
0x345: {  	[tilespmem:$0x15550] =	vst v3  }
0x346: {  	v3 =	vld [tilespmem:s14+$0x60];
	_ =	sdelay $0x1  }
0x347: {  	s24 =	sadd.s32 $0xFFFFFF70, s22  }
0x348: {  	v54 =	vadd.s32 s24, v2  }
0x349: {  	[tilespmem:$0x15760] =	vst v54  }
0x34a: {  	[tilespmem:$0x15560] =	vst v3  }
0x34b: {  	v3 =	vld [tilespmem:s14+$0x70];
	_ =	sdelay $0x1  }
0x34c: {  	s21 =	sadd.s32 $0xFFFFFF80, s22  }
0x34d: {  	v55 =	vadd.s32 s21, v2  }
0x34e: {  	[tilespmem:$0x15770] =	vst v55  }
0x34f: {  	[tilespmem:$0x15570] =	vst v3  }
0x350: {  	v3 =	vld [tilespmem:s14+$0x80];
	_ =	sdelay $0x1  }
0x351: {  	s23 =	sadd.s32 $0xFFFFFF90, s22  }
0x352: {  	v56 =	vadd.s32 s23, v2  }
0x353: {  	[tilespmem:$0x15780] =	vst v56  }
0x354: {  	[tilespmem:$0x15580] =	vst v3  }
0x355: {  	v3 =	vld [tilespmem:s14+$0x90];
	_ =	sdelay $0x1  }
0x356: {  	s24 =	sadd.s32 $0xFFFFFFA0, s22  }
0x357: {  	v57 =	vadd.s32 s24, v2  }
0x358: {  	[tilespmem:$0x15790] =	vst v57  }
0x359: {  	[tilespmem:$0x15590] =	vst v3  }
0x35a: {  	v3 =	vld [tilespmem:s14+$0xA0];
	_ =	sdelay $0x1  }
0x35b: {  	s21 =	sadd.s32 $0xFFFFFFB0, s22  }
0x35c: {  	v58 =	vadd.s32 s21, v2  }
0x35d: {  	[tilespmem:$0x157A0] =	vst v58  }
0x35e: {  	[tilespmem:$0x155A0] =	vst v3  }
0x35f: {  	v3 =	vld [tilespmem:s14+$0xB0];
	_ =	sdelay $0x1  }
0x360: {  	s23 =	sadd.s32 $0xFFFFFFC0, s22  }
0x361: {  	v59 =	vadd.s32 s23, v2  }
0x362: {  	[tilespmem:$0x157B0] =	vst v59  }
0x363: {  	[tilespmem:$0x155B0] =	vst v3  }
0x364: {  	v3 =	vld [tilespmem:s14+$0xC0];
	_ =	sdelay $0x1  }
0x365: {  	s24 =	sadd.s32 $0xFFFFFFD0, s22  }
0x366: {  	v60 =	vadd.s32 s24, v2  }
0x367: {  	[tilespmem:$0x157C0] =	vst v60  }
0x368: {  	[tilespmem:$0x155C0] =	vst v3  }
0x369: {  	v3 =	vld [tilespmem:s14+$0xD0];
	_ =	sdelay $0x1  }
0x36a: {  	s21 =	sadd.s32 $0xFFFFFFE0, s22  }
0x36b: {  	v61 =	vadd.s32 s21, v2  }
0x36c: {  	[tilespmem:$0x157D0] =	vst v61  }
0x36d: {  	[tilespmem:$0x155D0] =	vst v3  }
0x36e: {  	v3 =	vld [tilespmem:s14+$0xE0];
	_ =	sdelay $0x1  }
0x36f: {  	s23 =	sadd.s32 $0xFFFFFFF0, s22  }
0x370: {  	v62 =	vadd.s32 s23, v2  }
0x371: {  	[tilespmem:$0x157E0] =	vst v62  }
0x372: {  	[tilespmem:$0x155E0] =	vst v3  }
0x373: {  	v3 =	vld [tilespmem:s14+$0xF0];
	_ =	sdelay $0x1  }
0x374: {  	p0 =	sne.s32 s7, $0x1  }
.Ltmp25:
0x375: {  	v63 =	vadd.s32 s22, v2;
	s24 =	rddreg [dreg:$0x7];
	(pc) =	sbr.rel @p0 .LBB2_36-.Ltmp25, $4  }
0x376: {  	s21 =	rddreg [dreg:$0x6];
	[tilespmem:$0x157F0] =	vst v63  }
0x377: {  	s23 =	rddreg [dreg:$0x5];
	[tilespmem:$0x155F0] =	vst v3  }
0x378: {  	[spmem:s4] =	stream.indirect.scatter.add.f32 [tilespmem:s23], [sflag:$0x6], $0x1, s21, s24, $0xb8;
	[tilespmem:$0x1B080] =	vst v63  }
0x379: {  	s7 =	sadd.s32 $0xFFFFFFFF, s7;
	_ =	swait.ge [sflag:s9], $0x200  }
.Ltmp26:
0x37a: {  	_ = 	snop;
	(pc) =	sbr.rel .LBB2_37-.Ltmp26, $1  }
0x37b: {  	_ =	sdelay $0x3  }
.LBB2_39:
0x37c: {  	_ =	sfence.sel $0x180000  }
0x37d: {  	[bflag:$0x0] =	sbarrier.arrive $0xFFFF  }
0x37e: {  	_ =	strace $0x90000047  }
0x37f: {  	s0 =	stileid.u32;
	[bflag:$0x2] =	sbarrier.arrive $0xFFFF  }
0x380: {  	p0 =	sne.s32 s0, $0x0;
	s0 =	rddreg [dreg:$0x4]  }
0x381: {  	s0 =	sadd.s32 @!p0 $0x100000, s0  }
0x382: {  	[sflag:s0] =	ssyncadd.tile.s32 @!p0 $0x1;
	_ =	shalt  }
.Lfunc_end2:
_tile_overlayer_lowered:
.L_overlay_start_2:
0x383: {  	(tag) =	ssettag $0x2  }
0x384: {  	s0 =	rddreg [dreg:$0x0];
	s2 =	stileid.u32  }
0x385: {  	s1 =	rddreg [dreg:$0x1];
	p0 =	sne.s32 s2, $0x0  }
0x386: {  	s3 =	rddreg [dreg:$0x2];
	[bflag:$0x3] =	sbarrier.arrive $0xFFFF;
	s2 =	simm.s32 @!p0 $0x1C07  }
0x387: {  	[timem:s3], [sflag:s2] =	dma.local @!p0 [hbm:s0], s1  }
0x388: {  	s0 =	simm.s32 @!p0 $0x7  }
0x389: {  	_ =	swait.ge @!p0 [sflag:s0], s1  }
0x38a: {  	s1 =	ssub.s32 @!p0 $0x0, s1;
	[sflag:s0] =	ssyncset.done @!p0 $0x0  }
0x38b: {  	[sflag:s0] =	ssyncadd.s32 @!p0 s1  }
0x38c: {  	[bflag:$0x3] =	sbarrier.arrive $0xFFFF  }
0x38d: {  	_ =	shalt  }

</sc_bundles>
